<compile_context>
chip_gen: v7x
topology: tpu7x:2x2x1
jax: 0.10.2.dev20260603
libtpu: 0.0.44.dev20260713+nightly
codegen_flags: <defaults>
</compile_context>

<pallas_src>
import functools

import jax
import jax.numpy as jnp
from jax import lax
from jax.experimental import pallas as pl
from jax.experimental.pallas import tpu as pltpu
from jax.experimental.pallas import tpu_sc as plsc

N = 10000
N_PAD = 10240
E = 320000
HID = 128
OUT_CH = 40
BN_EPS = 1e-5

NC = 2
NS = 16
NW = NC * NS
E_PER_W = E // NW
CHUNK = 80
NCHUNK = E_PER_W // CHUNK
BLK = 5
NBLK = NCHUNK // BLK
ROWS_PER_TILE = N_PAD // NS


def _sc_mesh():
    return plsc.VectorSubcoreMesh(core_axis_name="c", subcore_axis_name="s")


@functools.partial(
    pl.kernel,
    out_type=jax.ShapeDtypeStruct((NC, N_PAD, HID), jnp.float32),
    mesh=_sc_mesh(),
    scratch_types=[
        pltpu.VMEM((2, BLK, CHUNK), jnp.int32),
        pltpu.VMEM((2, BLK, CHUNK), jnp.int32),
        pltpu.VMEM((3, CHUNK, HID), jnp.float32),
        pltpu.VMEM_SHARED((N_PAD, HID), jnp.float32),
        pltpu.SemaphoreType.DMA((2,)),
        pltpu.SemaphoreType.DMA((3,)),
        pltpu.SemaphoreType.DMA((3,)),
    ],
)
def _sc_aggregate(h_hbm, src_hbm, dst_hbm, zero_hbm, out_hbm,
                  src_v, dst_v, rows_v, agg_sh, isem, gsem, ssem):
    c = lax.axis_index("c")
    s = lax.axis_index("s")
    wid = c * NS + s

    pltpu.async_copy(src_hbm.at[wid, 0], src_v.at[0], isem.at[0])
    pltpu.async_copy(dst_hbm.at[wid, 0], dst_v.at[0], isem.at[0])
    r0 = s * ROWS_PER_TILE
    pltpu.sync_copy(zero_hbm.at[pl.ds(r0, ROWS_PER_TILE)],
                    agg_sh.at[pl.ds(r0, ROWS_PER_TILE)])
    plsc.subcore_barrier()
    pltpu.make_async_copy(src_hbm.at[wid, 0], src_v.at[0], isem.at[0]).wait()
    pltpu.make_async_copy(dst_hbm.at[wid, 0], dst_v.at[0], isem.at[0]).wait()
    pltpu.async_copy(src_hbm.at[wid, 1], src_v.at[1], isem.at[1])
    pltpu.async_copy(dst_hbm.at[wid, 1], dst_v.at[1], isem.at[1])
    pltpu.async_copy(h_hbm.at[src_v.at[0, 0]], rows_v.at[0], gsem.at[0])
    pltpu.async_copy(h_hbm.at[src_v.at[0, 1]], rows_v.at[1], gsem.at[1])

    def body(i, carry):
        b = i % 3
        blk = i // BLK
        sl = blk % 2
        j = i - blk * BLK
        pltpu.make_async_copy(h_hbm.at[src_v.at[sl, j]], rows_v.at[b],
                              gsem.at[b]).wait()
        @pl.when(i > 0)
        def _():
            pltpu.make_async_copy(rows_v.at[(i + 2) % 3],
                                  agg_sh.at[dst_v.at[sl, j]],
                                  ssem.at[(i + 2) % 3]).wait()

        pltpu.async_copy(rows_v.at[b], agg_sh.at[dst_v.at[sl, j]],
                         ssem.at[b], add=True)

        @pl.when(jnp.logical_and(j == 0,
                                 jnp.logical_and(i > 0, blk + 1 < NBLK)))
        def _():
            nsl = (blk + 1) % 2
            pltpu.async_copy(src_hbm.at[wid, blk + 1], src_v.at[nsl],
                             isem.at[nsl])
            pltpu.async_copy(dst_hbm.at[wid, blk + 1], dst_v.at[nsl],
                             isem.at[nsl])

        t = i + 2

        @pl.when(t < NCHUNK)
        def _():
            tb = t // BLK
            tsl = tb % 2
            tj = t - tb * BLK

            @pl.when(tj == 0)
            def _():
                pltpu.make_async_copy(src_hbm.at[wid, tb], src_v.at[tsl],
                                      isem.at[tsl]).wait()
                pltpu.make_async_copy(dst_hbm.at[wid, tb], dst_v.at[tsl],
                                      isem.at[tsl]).wait()
            pltpu.async_copy(h_hbm.at[src_v.at[tsl, tj]], rows_v.at[t % 3],
                             gsem.at[t % 3])
        return carry

    lax.fori_loop(0, NCHUNK, body, 0, unroll=False)
    pltpu.make_async_copy(rows_v.at[(NCHUNK - 1) % 3],
                          agg_sh.at[dst_v.at[0, 0]],
                          ssem.at[(NCHUNK - 1) % 3]).wait()
    plsc.subcore_barrier()

    pltpu.sync_copy(agg_sh.at[pl.ds(r0, ROWS_PER_TILE)],
                    out_hbm.at[c, pl.ds(r0, ROWS_PER_TILE)])


def _mlp_body(h_ref, p_ref, eps_ref, w1_ref, b1_ref, w2_ref, b2_ref, o_ref):
    z = h_ref[...] * (1.0 + eps_ref[0]) + p_ref[0] + p_ref[1]
    z1 = jnp.dot(z, w1_ref[...], preferred_element_type=jnp.float32) + b1_ref[...]
    z1 = jnp.maximum(z1, 0.0)
    z2 = jnp.dot(z1, w2_ref[...], preferred_element_type=jnp.float32) + b2_ref[...]
    o_ref[...] = jnp.maximum(z2, 0.0)


def _mlp_head_body(h_ref, p_ref, eps_ref, w1_ref, b1_ref, w2_ref, b2_ref,
                   wa_ref, ba_ref, wb_ref, bb_ref, o_ref):
    z = h_ref[...] * (1.0 + eps_ref[0]) + p_ref[0] + p_ref[1]
    z1 = jnp.dot(z, w1_ref[...], preferred_element_type=jnp.float32) + b1_ref[...]
    z1 = jnp.maximum(z1, 0.0)
    z2 = jnp.dot(z1, w2_ref[...], preferred_element_type=jnp.float32) + b2_ref[...]
    h3 = jnp.maximum(z2, 0.0)
    y1 = jnp.dot(h3, wa_ref[...], preferred_element_type=jnp.float32)
    y1 = jnp.maximum(y1 + ba_ref[...], 0.0)
    y2 = jnp.dot(y1, wb_ref[...], preferred_element_type=jnp.float32) + bb_ref[...]
    m = jnp.max(y2, axis=-1, keepdims=True)
    e = jnp.exp(y2 - m)
    o_ref[...] = y2 - m - jnp.log(jnp.sum(e, axis=-1, keepdims=True))


_BM = 2048


def _run_mlp(h, part, eps, w1, b1, w2, b2):
    grid = N_PAD // _BM
    return pl.pallas_call(
        _mlp_body,
        grid=(grid,),
        in_specs=[
            pl.BlockSpec((_BM, HID), lambda i: (i, 0)),
            pl.BlockSpec((NC, _BM, HID), lambda i: (0, i, 0)),
            pl.BlockSpec(memory_space=pltpu.SMEM),
            pl.BlockSpec((HID, 2 * HID), lambda i: (0, 0)),
            pl.BlockSpec((1, 2 * HID), lambda i: (0, 0)),
            pl.BlockSpec((2 * HID, HID), lambda i: (0, 0)),
            pl.BlockSpec((1, HID), lambda i: (0, 0)),
        ],
        out_specs=pl.BlockSpec((_BM, HID), lambda i: (i, 0)),
        out_shape=jax.ShapeDtypeStruct((N_PAD, HID), jnp.float32),
    )(h, part, eps, w1, b1, w2, b2)


def _run_mlp_head(h, part, eps, w1, b1, w2, b2, wa, ba, wb, bb):
    grid = N_PAD // _BM
    return pl.pallas_call(
        _mlp_head_body,
        grid=(grid,),
        in_specs=[
            pl.BlockSpec((_BM, HID), lambda i: (i, 0)),
            pl.BlockSpec((NC, _BM, HID), lambda i: (0, i, 0)),
            pl.BlockSpec(memory_space=pltpu.SMEM),
            pl.BlockSpec((HID, 2 * HID), lambda i: (0, 0)),
            pl.BlockSpec((1, 2 * HID), lambda i: (0, 0)),
            pl.BlockSpec((2 * HID, HID), lambda i: (0, 0)),
            pl.BlockSpec((1, HID), lambda i: (0, 0)),
            pl.BlockSpec((HID, HID), lambda i: (0, 0)),
            pl.BlockSpec((1, HID), lambda i: (0, 0)),
            pl.BlockSpec((HID, OUT_CH), lambda i: (0, 0)),
            pl.BlockSpec((1, OUT_CH), lambda i: (0, 0)),
        ],
        out_specs=pl.BlockSpec((_BM, OUT_CH), lambda i: (i, 0)),
        out_shape=jax.ShapeDtypeStruct((N_PAD, OUT_CH), jnp.float32),
    )(h, part, eps, w1, b1, w2, b2, wa, ba, wb, bb)


def kernel(x, edge_index, params):
    inv = 1.0 / jnp.sqrt(jnp.float32(1.0 + BN_EPS))

    src3 = edge_index[0].reshape(NW, NBLK, BLK, CHUNK)
    dst3 = edge_index[1].reshape(NW, NBLK, BLK, CHUNK)
    zeros = jnp.zeros((N_PAD, HID), jnp.float32)

    sa = params['bn1_g'] * inv
    wa = params['lin1_W'] * sa[None, :]
    ba = (params['lin1_b'] * sa + params['bn1_b'])[None, :]
    wb = params['lin2_W']
    bb = params['lin2_b'][None, :]

    h = jnp.pad(x, ((0, N_PAD - N), (0, 0)))
    for li, layer in enumerate(params['convs']):
        s1 = layer['mlp_bn_g'] * inv
        w1 = layer['W1'] * s1[None, :]
        b1 = (layer['b1'] * s1 + layer['mlp_bn_b'])[None, :]
        s2 = layer['out_bn_g'] * inv
        w2 = layer['W2'] * s2[None, :]
        b2 = (layer['b2'] * s2 + layer['out_bn_b'])[None, :]
        eps = layer['eps'].reshape(1)

        part = _sc_aggregate(h, src3, dst3, zeros)
        if li < len(params['convs']) - 1:
            h = _run_mlp(h, part, eps, w1, b1, w2, b2)
        else:
            out = _run_mlp_head(h, part, eps, w1, b1, w2, b2, wa, ba, wb, bb)
    return out[:N]

# --- scband reference (transcript-rebuilt; emitter-appended) ---
"""Pipeline reference for scband-gin-33861522162133 (READ-ONLY COPY).

The authoritative reference and input builder live on the scoring server;
editing this copy changes nothing except your own understanding.
"""

import jax, jax.numpy as jnp
import numpy as np

N = 10000
E = 320000
IN_CH = 128
HID = 128
OUT_CH = 40
NUM_LAYERS = 3
BN_EPS = 1e-5


def _bn_eval(x, g, b):
    # eval-mode BatchNorm1d with running_mean=0, running_var=1
    return g * x / jnp.sqrt(1.0 + BN_EPS) + b


def _make_params(key):
    convs = []
    in_c = IN_CH
    pk = key
    for _ in range(NUM_LAYERS):
        pk, k1, k2 = jax.random.split(pk, 3)
        layer = {
            'W1': jax.random.normal(k1, (in_c, 2 * HID), dtype=jnp.float32) * (1.0 / np.sqrt(in_c)),
            'b1': jnp.zeros((2 * HID,), dtype=jnp.float32),
            'mlp_bn_g': jnp.ones((2 * HID,), dtype=jnp.float32),
            'mlp_bn_b': jnp.zeros((2 * HID,), dtype=jnp.float32),
            'W2': jax.random.normal(k2, (2 * HID, HID), dtype=jnp.float32) * (1.0 / np.sqrt(2 * HID)),
            'b2': jnp.zeros((HID,), dtype=jnp.float32),
            'eps': jnp.zeros((), dtype=jnp.float32),
            'out_bn_g': jnp.ones((HID,), dtype=jnp.float32),
            'out_bn_b': jnp.zeros((HID,), dtype=jnp.float32),
        }
        convs.append(layer)
        in_c = HID
    pk, k3, k4 = jax.random.split(pk, 3)
    params = {
        'convs': convs,
        'lin1_W': jax.random.normal(k3, (HID, HID), dtype=jnp.float32) * (1.0 / np.sqrt(HID)),
        'lin1_b': jnp.zeros((HID,), dtype=jnp.float32),
        'bn1_g': jnp.ones((HID,), dtype=jnp.float32),
        'bn1_b': jnp.zeros((HID,), dtype=jnp.float32),
        'lin2_W': jax.random.normal(k4, (HID, OUT_CH), dtype=jnp.float32) * (1.0 / np.sqrt(HID)),
        'lin2_b': jnp.zeros((OUT_CH,), dtype=jnp.float32),
    }
    return params


def setup_inputs(seed: int = 0):
    key = jax.random.key(seed)
    k_x, k_e, k_p = jax.random.split(key, 3)
    x = jax.random.normal(k_x, (N, IN_CH), dtype=jnp.float32)
    edge_index = jax.random.randint(k_e, (2, E), 0, N, dtype=jnp.int32)
    params = _make_params(k_p)
    return {'x': x, 'edge_index': edge_index, 'params': params}


def reference(x, edge_index, params):
    src = edge_index[0]
    dst = edge_index[1]
    h = x
    for layer in params['convs']:
        # GINConv: mlp((1+eps)*x + sum_{j in N(i)} x_j), messages gathered from src, aggregated at dst
        msgs = jnp.take(h, src, axis=0)
        agg = jax.ops.segment_sum(msgs, dst, num_segments=h.shape[0])
        z = (1.0 + layer['eps']) * h + agg
        z = z @ layer['W1'] + layer['b1']
        z = _bn_eval(z, layer['mlp_bn_g'], layer['mlp_bn_b'])
        z = jax.nn.relu(z)
        z = z @ layer['W2'] + layer['b2']
        # outer per-layer BatchNorm + ReLU
        h = jax.nn.relu(_bn_eval(z, layer['out_bn_g'], layer['out_bn_b']))
    h = h @ params['lin1_W'] + params['lin1_b']
    h = jax.nn.relu(_bn_eval(h, params['bn1_g'], params['bn1_b']))
    # dropout is identity in eval mode
    h = h @ params['lin2_W'] + params['lin2_b']
    return jax.nn.log_softmax(h, axis=-1)

if __name__ == "__main__":
    import jax
    _d = setup_inputs()
    print(jax.jit(kernel)(*tuple(_d.values())))

</pallas_src>

<mosaic_0001>
#map = affine_map<(d0, d1) -> (0, 0)>
#map1 = affine_map<(d0, d1) -> (0, 0, 0, 0)>
#map2 = affine_map<(d0, d1) -> (0, 0, 0)>
module attributes {stable_mosaic.version = 14 : i64} {
  func.func @_sc_aggregate(%arg0: i32, %arg1: i32, %arg2: memref<10240x128xf32, #tpu.memory_space<hbm>>, %arg3: memref<32x25x5x80xi32, #tpu.memory_space<hbm>>, %arg4: memref<32x25x5x80xi32, #tpu.memory_space<hbm>>, %arg5: memref<10240x128xf32, #tpu.memory_space<hbm>>, %arg6: memref<2x10240x128xf32, #tpu.memory_space<hbm>>, %arg7: memref<2x5x80xi32, #tpu.memory_space<vmem>>, %arg8: memref<2x5x80xi32, #tpu.memory_space<vmem>>, %arg9: memref<3x80x128xf32, #tpu.memory_space<vmem>>, %arg10: memref<10240x128xf32, #tpu.memory_space<vmem_shared>>, %arg11: memref<2x!tpu.dma_semaphore, #tpu.memory_space<semaphore_mem>>, %arg12: memref<3x!tpu.dma_semaphore, #tpu.memory_space<semaphore_mem>>, %arg13: memref<3x!tpu.dma_semaphore, #tpu.memory_space<semaphore_mem>>) attributes {dimension_semantics = [#tpu.dimension_semantics<core_parallel>, #tpu.dimension_semantics<subcore_parallel>], iteration_bounds = array<i64: 2, 16>, scalar_prefetch = 0 : i64, scratch_operands = 7 : i64, tpu.core_type = #tpu.core_type<sc_vector_subcore>, window_params = [{transform_indices = #map}, {transform_indices = #map1}, {transform_indices = #map1}, {transform_indices = #map}, {transform_indices = #map2}]} {
    %mul3A = arith.constant 16 : i32
    %mul3A_0 = arith.muli %arg0, %mul3A : i32
    %add3A = arith.addi %mul3A_0, %arg1 : i32
    %dma_start3A = arith.constant 0 : i32
    %dma_start3A_1 = arith.constant 0 : i32
    %dma_start3A_2 = arith.constant 0 : i32
    %dma_start3A_3 = arith.constant 0 : i32
    %dma_start3A_4 = arith.constant 0 : i32
    %dma_start3A_5 = tpu.memref_slice %arg7[%dma_start3A_1, %dma_start3A_3, %dma_start3A_4] : memref<2x5x80xi32, #tpu.memory_space<vmem>> -> memref<1x5x80xi32, #tpu.memory_space<vmem>>
    %dma_start3A_6 = tpu.memref_squeeze %dma_start3A_5 : memref<1x5x80xi32, #tpu.memory_space<vmem>> -> memref<5x80xi32, #tpu.memory_space<vmem>>
    %dma_start3A_7 = arith.constant 0 : i32
    %dma_start3A_8 = arith.constant 0 : i32
    %dma_start3A_9 = tpu.memref_slice %arg3[%add3A, %dma_start3A, %dma_start3A_7, %dma_start3A_8] : memref<32x25x5x80xi32, #tpu.memory_space<hbm>> -> memref<1x1x5x80xi32, #tpu.memory_space<hbm>>
    %dma_start3A_10 = tpu.memref_squeeze %dma_start3A_9 : memref<1x1x5x80xi32, #tpu.memory_space<hbm>> -> memref<5x80xi32, #tpu.memory_space<hbm>>
    %dma_start3A_11 = tpu.memref_slice %arg11[%dma_start3A_2] : memref<2x!tpu.dma_semaphore, #tpu.memory_space<semaphore_mem>> -> memref<1x!tpu.dma_semaphore, #tpu.memory_space<semaphore_mem>>
    %dma_start3A_12 = tpu.memref_squeeze %dma_start3A_11 : memref<1x!tpu.dma_semaphore, #tpu.memory_space<semaphore_mem>> -> memref<!tpu.dma_semaphore, #tpu.memory_space<semaphore_mem>>
    %dma_start3A_13 = arith.constant 0 : i32
    %dma_start3A_14 = arith.constant 0 : i32
    %dma_start3A_15 = tpu.memref_slice %arg7[%dma_start3A_1, %dma_start3A_13, %dma_start3A_14] : memref<2x5x80xi32, #tpu.memory_space<vmem>> -> memref<1x5x80xi32, #tpu.memory_space<vmem>>
    %dma_start3A_16 = tpu.memref_squeeze %dma_start3A_15 : memref<1x5x80xi32, #tpu.memory_space<vmem>> -> memref<5x80xi32, #tpu.memory_space<vmem>>
    %dma_start3A_17 = arith.constant 0 : i32
    %dma_start3A_18 = arith.constant 0 : i32
    %dma_start3A_19 = tpu.memref_slice %arg3[%add3A, %dma_start3A, %dma_start3A_17, %dma_start3A_18] : memref<32x25x5x80xi32, #tpu.memory_space<hbm>> -> memref<1x1x5x80xi32, #tpu.memory_space<hbm>>
    %dma_start3A_20 = tpu.memref_squeeze %dma_start3A_19 : memref<1x1x5x80xi32, #tpu.memory_space<hbm>> -> memref<5x80xi32, #tpu.memory_space<hbm>>
    tpu.enqueue_dma source(%dma_start3A_20 : memref<5x80xi32, #tpu.memory_space<hbm>>) target(%dma_start3A_16 : memref<5x80xi32, #tpu.memory_space<vmem>>) target_semaphore(%dma_start3A_12 : memref<!tpu.dma_semaphore, #tpu.memory_space<semaphore_mem>>)
    %dma_start3A_21 = arith.constant 0 : i32
    %dma_start3A_22 = arith.constant 0 : i32
    %dma_start3A_23 = arith.constant 0 : i32
    %dma_start3A_24 = arith.constant 0 : i32
    %dma_start3A_25 = arith.constant 0 : i32
    %dma_start3A_26 = tpu.memref_slice %arg8[%dma_start3A_22, %dma_start3A_24, %dma_start3A_25] : memref<2x5x80xi32, #tpu.memory_space<vmem>> -> memref<1x5x80xi32, #tpu.memory_space<vmem>>
    %dma_start3A_27 = tpu.memref_squeeze %dma_start3A_26 : memref<1x5x80xi32, #tpu.memory_space<vmem>> -> memref<5x80xi32, #tpu.memory_space<vmem>>
    %dma_start3A_28 = arith.constant 0 : i32
    %dma_start3A_29 = arith.constant 0 : i32
    %dma_start3A_30 = tpu.memref_slice %arg4[%add3A, %dma_start3A_21, %dma_start3A_28, %dma_start3A_29] : memref<32x25x5x80xi32, #tpu.memory_space<hbm>> -> memref<1x1x5x80xi32, #tpu.memory_space<hbm>>
    %dma_start3A_31 = tpu.memref_squeeze %dma_start3A_30 : memref<1x1x5x80xi32, #tpu.memory_space<hbm>> -> memref<5x80xi32, #tpu.memory_space<hbm>>
    %dma_start3A_32 = tpu.memref_slice %arg11[%dma_start3A_23] : memref<2x!tpu.dma_semaphore, #tpu.memory_space<semaphore_mem>> -> memref<1x!tpu.dma_semaphore, #tpu.memory_space<semaphore_mem>>
    %dma_start3A_33 = tpu.memref_squeeze %dma_start3A_32 : memref<1x!tpu.dma_semaphore, #tpu.memory_space<semaphore_mem>> -> memref<!tpu.dma_semaphore, #tpu.memory_space<semaphore_mem>>
    %dma_start3A_34 = arith.constant 0 : i32
    %dma_start3A_35 = arith.constant 0 : i32
    %dma_start3A_36 = tpu.memref_slice %arg8[%dma_start3A_22, %dma_start3A_34, %dma_start3A_35] : memref<2x5x80xi32, #tpu.memory_space<vmem>> -> memref<1x5x80xi32, #tpu.memory_space<vmem>>
    %dma_start3A_37 = tpu.memref_squeeze %dma_start3A_36 : memref<1x5x80xi32, #tpu.memory_space<vmem>> -> memref<5x80xi32, #tpu.memory_space<vmem>>
    %dma_start3A_38 = arith.constant 0 : i32
    %dma_start3A_39 = arith.constant 0 : i32
    %dma_start3A_40 = tpu.memref_slice %arg4[%add3A, %dma_start3A_21, %dma_start3A_38, %dma_start3A_39] : memref<32x25x5x80xi32, #tpu.memory_space<hbm>> -> memref<1x1x5x80xi32, #tpu.memory_space<hbm>>
    %dma_start3A_41 = tpu.memref_squeeze %dma_start3A_40 : memref<1x1x5x80xi32, #tpu.memory_space<hbm>> -> memref<5x80xi32, #tpu.memory_space<hbm>>
    tpu.enqueue_dma source(%dma_start3A_41 : memref<5x80xi32, #tpu.memory_space<hbm>>) target(%dma_start3A_37 : memref<5x80xi32, #tpu.memory_space<vmem>>) target_semaphore(%dma_start3A_33 : memref<!tpu.dma_semaphore, #tpu.memory_space<semaphore_mem>>)
    %mul3A_42 = arith.constant 640 : i32
    %mul3A_43 = arith.muli %arg1, %mul3A_42 : i32
    "tpu.region"() ({
      %run_scoped3A = tpu.sem_alloc : memref<!tpu.dma_semaphore, #tpu.memory_space<semaphore_mem>>
      %dma_start3A_181 = arith.constant 0 : i32
      %dma_start3A_182 = tpu.memref_slice %arg10[%mul3A_43, %dma_start3A_181] : memref<10240x128xf32, #tpu.memory_space<vmem_shared>> -> memref<640x128xf32, #tpu.memory_space<vmem_shared>>
      %dma_start3A_183 = arith.constant 0 : i32
      %dma_start3A_184 = tpu.memref_slice %arg5[%mul3A_43, %dma_start3A_183] : memref<10240x128xf32, #tpu.memory_space<hbm>> -> memref<640x128xf32, #tpu.memory_space<hbm>>
      tpu.enqueue_dma source(%dma_start3A_184 : memref<640x128xf32, #tpu.memory_space<hbm>>) target(%dma_start3A_182 : memref<640x128xf32, #tpu.memory_space<vmem_shared>>) target_semaphore(%run_scoped3A : memref<!tpu.dma_semaphore, #tpu.memory_space<semaphore_mem>>)
      %dma_wait3A_185 = arith.constant 0 : i32
      %dma_wait3A_186 = tpu.memref_slice %arg10[%mul3A_43, %dma_wait3A_185] : memref<10240x128xf32, #tpu.memory_space<vmem_shared>> -> memref<640x128xf32, #tpu.memory_space<vmem_shared>>
      %dma_wait3A_187 = arith.constant 0 : i32
      %dma_wait3A_188 = tpu.memref_slice %arg5[%mul3A_43, %dma_wait3A_187] : memref<10240x128xf32, #tpu.memory_space<hbm>> -> memref<640x128xf32, #tpu.memory_space<hbm>>
      tpu.wait_dma2 semaphore(%run_scoped3A : memref<!tpu.dma_semaphore, #tpu.memory_space<semaphore_mem>>) src(%dma_wait3A_188 : memref<640x128xf32, #tpu.memory_space<hbm>>) dst(%dma_wait3A_186 : memref<640x128xf32, #tpu.memory_space<vmem_shared>>)
      tpu.yield
    }) : () -> ()
    %barrier3A = arith.constant 0 : index
    tpu.barrier barrier_id(%barrier3A)
    %dma_wait3A = arith.constant 0 : i32
    %dma_wait3A_44 = arith.constant 0 : i32
    %dma_wait3A_45 = arith.constant 0 : i32
    %dma_wait3A_46 = arith.constant 0 : i32
    %dma_wait3A_47 = arith.constant 0 : i32
    %dma_wait3A_48 = tpu.memref_slice %arg7[%dma_wait3A_44, %dma_wait3A_46, %dma_wait3A_47] : memref<2x5x80xi32, #tpu.memory_space<vmem>> -> memref<1x5x80xi32, #tpu.memory_space<vmem>>
    %dma_wait3A_49 = tpu.memref_squeeze %dma_wait3A_48 : memref<1x5x80xi32, #tpu.memory_space<vmem>> -> memref<5x80xi32, #tpu.memory_space<vmem>>
    %dma_wait3A_50 = arith.constant 0 : i32
    %dma_wait3A_51 = arith.constant 0 : i32
    %dma_wait3A_52 = tpu.memref_slice %arg3[%add3A, %dma_wait3A, %dma_wait3A_50, %dma_wait3A_51] : memref<32x25x5x80xi32, #tpu.memory_space<hbm>> -> memref<1x1x5x80xi32, #tpu.memory_space<hbm>>
    %dma_wait3A_53 = tpu.memref_squeeze %dma_wait3A_52 : memref<1x1x5x80xi32, #tpu.memory_space<hbm>> -> memref<5x80xi32, #tpu.memory_space<hbm>>
    %dma_wait3A_54 = tpu.memref_slice %arg11[%dma_wait3A_45] : memref<2x!tpu.dma_semaphore, #tpu.memory_space<semaphore_mem>> -> memref<1x!tpu.dma_semaphore, #tpu.memory_space<semaphore_mem>>
    %dma_wait3A_55 = tpu.memref_squeeze %dma_wait3A_54 : memref<1x!tpu.dma_semaphore, #tpu.memory_space<semaphore_mem>> -> memref<!tpu.dma_semaphore, #tpu.memory_space<semaphore_mem>>
    %dma_wait3A_56 = arith.constant 0 : i32
    %dma_wait3A_57 = arith.constant 0 : i32
    %dma_wait3A_58 = tpu.memref_slice %arg7[%dma_wait3A_44, %dma_wait3A_56, %dma_wait3A_57] : memref<2x5x80xi32, #tpu.memory_space<vmem>> -> memref<1x5x80xi32, #tpu.memory_space<vmem>>
    %dma_wait3A_59 = tpu.memref_squeeze %dma_wait3A_58 : memref<1x5x80xi32, #tpu.memory_space<vmem>> -> memref<5x80xi32, #tpu.memory_space<vmem>>
    %dma_wait3A_60 = arith.constant 0 : i32
    %dma_wait3A_61 = arith.constant 0 : i32
    %dma_wait3A_62 = tpu.memref_slice %arg3[%add3A, %dma_wait3A, %dma_wait3A_60, %dma_wait3A_61] : memref<32x25x5x80xi32, #tpu.memory_space<hbm>> -> memref<1x1x5x80xi32, #tpu.memory_space<hbm>>
    %dma_wait3A_63 = tpu.memref_squeeze %dma_wait3A_62 : memref<1x1x5x80xi32, #tpu.memory_space<hbm>> -> memref<5x80xi32, #tpu.memory_space<hbm>>
    tpu.wait_dma2 semaphore(%dma_wait3A_55 : memref<!tpu.dma_semaphore, #tpu.memory_space<semaphore_mem>>) src(%dma_wait3A_63 : memref<5x80xi32, #tpu.memory_space<hbm>>) dst(%dma_wait3A_59 : memref<5x80xi32, #tpu.memory_space<vmem>>)
    %dma_wait3A_64 = arith.constant 0 : i32
    %dma_wait3A_65 = arith.constant 0 : i32
    %dma_wait3A_66 = arith.constant 0 : i32
    %dma_wait3A_67 = arith.constant 0 : i32
    %dma_wait3A_68 = arith.constant 0 : i32
    %dma_wait3A_69 = tpu.memref_slice %arg8[%dma_wait3A_65, %dma_wait3A_67, %dma_wait3A_68] : memref<2x5x80xi32, #tpu.memory_space<vmem>> -> memref<1x5x80xi32, #tpu.memory_space<vmem>>
    %dma_wait3A_70 = tpu.memref_squeeze %dma_wait3A_69 : memref<1x5x80xi32, #tpu.memory_space<vmem>> -> memref<5x80xi32, #tpu.memory_space<vmem>>
    %dma_wait3A_71 = arith.constant 0 : i32
    %dma_wait3A_72 = arith.constant 0 : i32
    %dma_wait3A_73 = tpu.memref_slice %arg4[%add3A, %dma_wait3A_64, %dma_wait3A_71, %dma_wait3A_72] : memref<32x25x5x80xi32, #tpu.memory_space<hbm>> -> memref<1x1x5x80xi32, #tpu.memory_space<hbm>>
    %dma_wait3A_74 = tpu.memref_squeeze %dma_wait3A_73 : memref<1x1x5x80xi32, #tpu.memory_space<hbm>> -> memref<5x80xi32, #tpu.memory_space<hbm>>
    %dma_wait3A_75 = tpu.memref_slice %arg11[%dma_wait3A_66] : memref<2x!tpu.dma_semaphore, #tpu.memory_space<semaphore_mem>> -> memref<1x!tpu.dma_semaphore, #tpu.memory_space<semaphore_mem>>
    %dma_wait3A_76 = tpu.memref_squeeze %dma_wait3A_75 : memref<1x!tpu.dma_semaphore, #tpu.memory_space<semaphore_mem>> -> memref<!tpu.dma_semaphore, #tpu.memory_space<semaphore_mem>>
    %dma_wait3A_77 = arith.constant 0 : i32
    %dma_wait3A_78 = arith.constant 0 : i32
    %dma_wait3A_79 = tpu.memref_slice %arg8[%dma_wait3A_65, %dma_wait3A_77, %dma_wait3A_78] : memref<2x5x80xi32, #tpu.memory_space<vmem>> -> memref<1x5x80xi32, #tpu.memory_space<vmem>>
    %dma_wait3A_80 = tpu.memref_squeeze %dma_wait3A_79 : memref<1x5x80xi32, #tpu.memory_space<vmem>> -> memref<5x80xi32, #tpu.memory_space<vmem>>
    %dma_wait3A_81 = arith.constant 0 : i32
    %dma_wait3A_82 = arith.constant 0 : i32
    %dma_wait3A_83 = tpu.memref_slice %arg4[%add3A, %dma_wait3A_64, %dma_wait3A_81, %dma_wait3A_82] : memref<32x25x5x80xi32, #tpu.memory_space<hbm>> -> memref<1x1x5x80xi32, #tpu.memory_space<hbm>>
    %dma_wait3A_84 = tpu.memref_squeeze %dma_wait3A_83 : memref<1x1x5x80xi32, #tpu.memory_space<hbm>> -> memref<5x80xi32, #tpu.memory_space<hbm>>
    tpu.wait_dma2 semaphore(%dma_wait3A_76 : memref<!tpu.dma_semaphore, #tpu.memory_space<semaphore_mem>>) src(%dma_wait3A_84 : memref<5x80xi32, #tpu.memory_space<hbm>>) dst(%dma_wait3A_80 : memref<5x80xi32, #tpu.memory_space<vmem>>)
    %dma_start3A_85 = arith.constant 1 : i32
    %dma_start3A_86 = arith.constant 1 : i32
    %dma_start3A_87 = arith.constant 1 : i32
    %dma_start3A_88 = arith.constant 0 : i32
    %dma_start3A_89 = arith.constant 0 : i32
    %dma_start3A_90 = tpu.memref_slice %arg7[%dma_start3A_86, %dma_start3A_88, %dma_start3A_89] : memref<2x5x80xi32, #tpu.memory_space<vmem>> -> memref<1x5x80xi32, #tpu.memory_space<vmem>>
    %dma_start3A_91 = tpu.memref_squeeze %dma_start3A_90 : memref<1x5x80xi32, #tpu.memory_space<vmem>> -> memref<5x80xi32, #tpu.memory_space<vmem>>
    %dma_start3A_92 = arith.constant 0 : i32
    %dma_start3A_93 = arith.constant 0 : i32
    %dma_start3A_94 = tpu.memref_slice %arg3[%add3A, %dma_start3A_85, %dma_start3A_92, %dma_start3A_93] : memref<32x25x5x80xi32, #tpu.memory_space<hbm>> -> memref<1x1x5x80xi32, #tpu.memory_space<hbm>>
    %dma_start3A_95 = tpu.memref_squeeze %dma_start3A_94 : memref<1x1x5x80xi32, #tpu.memory_space<hbm>> -> memref<5x80xi32, #tpu.memory_space<hbm>>
    %dma_start3A_96 = tpu.memref_slice %arg11[%dma_start3A_87] : memref<2x!tpu.dma_semaphore, #tpu.memory_space<semaphore_mem>> -> memref<1x!tpu.dma_semaphore, #tpu.memory_space<semaphore_mem>>
    %dma_start3A_97 = tpu.memref_squeeze %dma_start3A_96 : memref<1x!tpu.dma_semaphore, #tpu.memory_space<semaphore_mem>> -> memref<!tpu.dma_semaphore, #tpu.memory_space<semaphore_mem>>
    %dma_start3A_98 = arith.constant 0 : i32
    %dma_start3A_99 = arith.constant 0 : i32
    %dma_start3A_100 = tpu.memref_slice %arg7[%dma_start3A_86, %dma_start3A_98, %dma_start3A_99] : memref<2x5x80xi32, #tpu.memory_space<vmem>> -> memref<1x5x80xi32, #tpu.memory_space<vmem>>
    %dma_start3A_101 = tpu.memref_squeeze %dma_start3A_100 : memref<1x5x80xi32, #tpu.memory_space<vmem>> -> memref<5x80xi32, #tpu.memory_space<vmem>>
    %dma_start3A_102 = arith.constant 0 : i32
    %dma_start3A_103 = arith.constant 0 : i32
    %dma_start3A_104 = tpu.memref_slice %arg3[%add3A, %dma_start3A_85, %dma_start3A_102, %dma_start3A_103] : memref<32x25x5x80xi32, #tpu.memory_space<hbm>> -> memref<1x1x5x80xi32, #tpu.memory_space<hbm>>
    %dma_start3A_105 = tpu.memref_squeeze %dma_start3A_104 : memref<1x1x5x80xi32, #tpu.memory_space<hbm>> -> memref<5x80xi32, #tpu.memory_space<hbm>>
    tpu.enqueue_dma source(%dma_start3A_105 : memref<5x80xi32, #tpu.memory_space<hbm>>) target(%dma_start3A_101 : memref<5x80xi32, #tpu.memory_space<vmem>>) target_semaphore(%dma_start3A_97 : memref<!tpu.dma_semaphore, #tpu.memory_space<semaphore_mem>>)
    %dma_start3A_106 = arith.constant 1 : i32
    %dma_start3A_107 = arith.constant 1 : i32
    %dma_start3A_108 = arith.constant 1 : i32
    %dma_start3A_109 = arith.constant 0 : i32
    %dma_start3A_110 = arith.constant 0 : i32
    %dma_start3A_111 = tpu.memref_slice %arg8[%dma_start3A_107, %dma_start3A_109, %dma_start3A_110] : memref<2x5x80xi32, #tpu.memory_space<vmem>> -> memref<1x5x80xi32, #tpu.memory_space<vmem>>
    %dma_start3A_112 = tpu.memref_squeeze %dma_start3A_111 : memref<1x5x80xi32, #tpu.memory_space<vmem>> -> memref<5x80xi32, #tpu.memory_space<vmem>>
    %dma_start3A_113 = arith.constant 0 : i32
    %dma_start3A_114 = arith.constant 0 : i32
    %dma_start3A_115 = tpu.memref_slice %arg4[%add3A, %dma_start3A_106, %dma_start3A_113, %dma_start3A_114] : memref<32x25x5x80xi32, #tpu.memory_space<hbm>> -> memref<1x1x5x80xi32, #tpu.memory_space<hbm>>
    %dma_start3A_116 = tpu.memref_squeeze %dma_start3A_115 : memref<1x1x5x80xi32, #tpu.memory_space<hbm>> -> memref<5x80xi32, #tpu.memory_space<hbm>>
    %dma_start3A_117 = tpu.memref_slice %arg11[%dma_start3A_108] : memref<2x!tpu.dma_semaphore, #tpu.memory_space<semaphore_mem>> -> memref<1x!tpu.dma_semaphore, #tpu.memory_space<semaphore_mem>>
    %dma_start3A_118 = tpu.memref_squeeze %dma_start3A_117 : memref<1x!tpu.dma_semaphore, #tpu.memory_space<semaphore_mem>> -> memref<!tpu.dma_semaphore, #tpu.memory_space<semaphore_mem>>
    %dma_start3A_119 = arith.constant 0 : i32
    %dma_start3A_120 = arith.constant 0 : i32
    %dma_start3A_121 = tpu.memref_slice %arg8[%dma_start3A_107, %dma_start3A_119, %dma_start3A_120] : memref<2x5x80xi32, #tpu.memory_space<vmem>> -> memref<1x5x80xi32, #tpu.memory_space<vmem>>
    %dma_start3A_122 = tpu.memref_squeeze %dma_start3A_121 : memref<1x5x80xi32, #tpu.memory_space<vmem>> -> memref<5x80xi32, #tpu.memory_space<vmem>>
    %dma_start3A_123 = arith.constant 0 : i32
    %dma_start3A_124 = arith.constant 0 : i32
    %dma_start3A_125 = tpu.memref_slice %arg4[%add3A, %dma_start3A_106, %dma_start3A_123, %dma_start3A_124] : memref<32x25x5x80xi32, #tpu.memory_space<hbm>> -> memref<1x1x5x80xi32, #tpu.memory_space<hbm>>
    %dma_start3A_126 = tpu.memref_squeeze %dma_start3A_125 : memref<1x1x5x80xi32, #tpu.memory_space<hbm>> -> memref<5x80xi32, #tpu.memory_space<hbm>>
    tpu.enqueue_dma source(%dma_start3A_126 : memref<5x80xi32, #tpu.memory_space<hbm>>) target(%dma_start3A_122 : memref<5x80xi32, #tpu.memory_space<vmem>>) target_semaphore(%dma_start3A_118 : memref<!tpu.dma_semaphore, #tpu.memory_space<semaphore_mem>>)
    %dma_start3A_127 = arith.constant 0 : i32
    %dma_start3A_128 = arith.constant 0 : i32
    %dma_start3A_129 = arith.constant 0 : i32
    %dma_start3A_130 = arith.constant 0 : i32
    %dma_start3A_131 = arith.constant 0 : i32
    %dma_start3A_132 = arith.constant 0 : i32
    %dma_start3A_133 = tpu.memref_slice %arg9[%dma_start3A_129, %dma_start3A_131, %dma_start3A_132] : memref<3x80x128xf32, #tpu.memory_space<vmem>> -> memref<1x80x128xf32, #tpu.memory_space<vmem>>
    %dma_start3A_134 = tpu.memref_squeeze %dma_start3A_133 : memref<1x80x128xf32, #tpu.memory_space<vmem>> -> memref<80x128xf32, #tpu.memory_space<vmem>>
    %dma_start3A_135 = arith.constant 0 : i32
    %dma_start3A_136 = tpu.memref_slice %arg7[%dma_start3A_127, %dma_start3A_128, %dma_start3A_135] : memref<2x5x80xi32, #tpu.memory_space<vmem>> -> memref<1x1x80xi32, #tpu.memory_space<vmem>>
    %dma_start3A_137 = tpu.memref_squeeze %dma_start3A_136 : memref<1x1x80xi32, #tpu.memory_space<vmem>> -> memref<80xi32, #tpu.memory_space<vmem>>
    %dma_start3A_138 = arith.constant 0 : i32
    %dma_start3A_139 = arith.constant 0 : i32
    %dma_start3A_140 = tpu.memref_slice %arg2[%dma_start3A_138, %dma_start3A_139] : memref<10240x128xf32, #tpu.memory_space<hbm>> -> memref<10240x128xf32, #tpu.memory_space<hbm>>
    %dma_start3A_141 = tpu.memref_slice %arg12[%dma_start3A_130] : memref<3x!tpu.dma_semaphore, #tpu.memory_space<semaphore_mem>> -> memref<1x!tpu.dma_semaphore, #tpu.memory_space<semaphore_mem>>
    %dma_start3A_142 = tpu.memref_squeeze %dma_start3A_141 : memref<1x!tpu.dma_semaphore, #tpu.memory_space<semaphore_mem>> -> memref<!tpu.dma_semaphore, #tpu.memory_space<semaphore_mem>>
    tpu.enqueue_indirect_dma source(%dma_start3A_140 : memref<10240x128xf32, #tpu.memory_space<hbm>>) target(%dma_start3A_134 : memref<80x128xf32, #tpu.memory_space<vmem>>) offsets(%dma_start3A_137 : memref<80xi32, #tpu.memory_space<vmem>>) semaphore(%dma_start3A_142 : memref<!tpu.dma_semaphore, #tpu.memory_space<semaphore_mem>>)
    %dma_start3A_143 = arith.constant 0 : i32
    %dma_start3A_144 = arith.constant 1 : i32
    %dma_start3A_145 = arith.constant 1 : i32
    %dma_start3A_146 = arith.constant 1 : i32
    %dma_start3A_147 = arith.constant 0 : i32
    %dma_start3A_148 = arith.constant 0 : i32
    %dma_start3A_149 = tpu.memref_slice %arg9[%dma_start3A_145, %dma_start3A_147, %dma_start3A_148] : memref<3x80x128xf32, #tpu.memory_space<vmem>> -> memref<1x80x128xf32, #tpu.memory_space<vmem>>
    %dma_start3A_150 = tpu.memref_squeeze %dma_start3A_149 : memref<1x80x128xf32, #tpu.memory_space<vmem>> -> memref<80x128xf32, #tpu.memory_space<vmem>>
    %dma_start3A_151 = arith.constant 0 : i32
    %dma_start3A_152 = tpu.memref_slice %arg7[%dma_start3A_143, %dma_start3A_144, %dma_start3A_151] : memref<2x5x80xi32, #tpu.memory_space<vmem>> -> memref<1x1x80xi32, #tpu.memory_space<vmem>>
    %dma_start3A_153 = tpu.memref_squeeze %dma_start3A_152 : memref<1x1x80xi32, #tpu.memory_space<vmem>> -> memref<80xi32, #tpu.memory_space<vmem>>
    %dma_start3A_154 = arith.constant 0 : i32
    %dma_start3A_155 = arith.constant 0 : i32
    %dma_start3A_156 = tpu.memref_slice %arg2[%dma_start3A_154, %dma_start3A_155] : memref<10240x128xf32, #tpu.memory_space<hbm>> -> memref<10240x128xf32, #tpu.memory_space<hbm>>
    %dma_start3A_157 = tpu.memref_slice %arg12[%dma_start3A_146] : memref<3x!tpu.dma_semaphore, #tpu.memory_space<semaphore_mem>> -> memref<1x!tpu.dma_semaphore, #tpu.memory_space<semaphore_mem>>
    %dma_start3A_158 = tpu.memref_squeeze %dma_start3A_157 : memref<1x!tpu.dma_semaphore, #tpu.memory_space<semaphore_mem>> -> memref<!tpu.dma_semaphore, #tpu.memory_space<semaphore_mem>>
    tpu.enqueue_indirect_dma source(%dma_start3A_156 : memref<10240x128xf32, #tpu.memory_space<hbm>>) target(%dma_start3A_150 : memref<80x128xf32, #tpu.memory_space<vmem>>) offsets(%dma_start3A_153 : memref<80xi32, #tpu.memory_space<vmem>>) semaphore(%dma_start3A_158 : memref<!tpu.dma_semaphore, #tpu.memory_space<semaphore_mem>>)
    %scan3A = arith.constant 0 : i32
    %scan3A_159 = arith.constant 0 : i32
    %scan3A_160 = arith.constant 125 : i32
    %scan3A_161 = arith.addi %scan3A_159, %scan3A_160 : i32
    %scan3A_162 = arith.constant 1 : i32
    scf.for %scan3A_181 = %scan3A_159 to %scan3A_161 step %scan3A_162  : i32 {
      %jit3A = arith.constant 3 : i32
      %eq3A = arith.constant 0 : i32
      %eq3A_182 = arith.cmpi eq, %jit3A, %eq3A : i32
      %jit3A_183 = arith.constant 1 : i32
      %select_n3A = arith.select %eq3A_182, %jit3A_183, %jit3A : i32
      %rem3A = arith.remsi %scan3A_181, %select_n3A : i32
      %ne3A = arith.constant 0 : i32
      %ne3A_184 = arith.cmpi ne, %rem3A, %ne3A : i32
      %lt3A = arith.constant 0 : i32
      %lt3A_185 = arith.cmpi slt, %rem3A, %lt3A : i32
      %lt3A_186 = arith.constant 0 : i32
      %lt3A_187 = arith.cmpi slt, %select_n3A, %lt3A_186 : i32
      %ne3A_188 = arith.xori %lt3A_185, %lt3A_187 : i1
      %and3A = arith.andi %ne3A_188, %ne3A_184 : i1
      %add3A_189 = arith.addi %rem3A, %select_n3A : i32
      %select_n3A_190 = arith.select %and3A, %add3A_189, %rem3A : i32
      %jit3A_191 = arith.constant 5 : i32
      %div3A = arith.divsi %scan3A_181, %jit3A_191 : i32
      %sign3A = arith.constant 0 : i32
      %sign3A_192 = arith.cmpi sgt, %scan3A_181, %sign3A : i32
      %sign3A_193 = arith.extui %sign3A_192 : i1 to i32
      %sign3A_194 = arith.constant 0 : i32
      %sign3A_195 = arith.cmpi slt, %scan3A_181, %sign3A_194 : i32
      %sign3A_196 = arith.extui %sign3A_195 : i1 to i32
      %sign3A_197 = arith.subi %sign3A_193, %sign3A_196 : i32
      %sign3A_198 = arith.constant 0 : i32
      %sign3A_199 = arith.cmpi sgt, %jit3A_191, %sign3A_198 : i32
      %sign3A_200 = arith.extui %sign3A_199 : i1 to i32
      %sign3A_201 = arith.constant 0 : i32
      %sign3A_202 = arith.cmpi slt, %jit3A_191, %sign3A_201 : i32
      %sign3A_203 = arith.extui %sign3A_202 : i1 to i32
      %sign3A_204 = arith.subi %sign3A_200, %sign3A_203 : i32
      %ne3A_205 = arith.cmpi ne, %sign3A_197, %sign3A_204 : i32
      %rem3A_206 = arith.remsi %scan3A_181, %jit3A_191 : i32
      %ne3A_207 = arith.constant 0 : i32
      %ne3A_208 = arith.cmpi ne, %rem3A_206, %ne3A_207 : i32
      %and3A_209 = arith.andi %ne3A_205, %ne3A_208 : i1
      %sub3A = arith.constant 1 : i32
      %sub3A_210 = arith.subi %div3A, %sub3A : i32
      %select_n3A_211 = arith.select %and3A_209, %sub3A_210, %div3A : i32
      %jit3A_212 = arith.constant 2 : i32
      %eq3A_213 = arith.constant 0 : i32
      %eq3A_214 = arith.cmpi eq, %jit3A_212, %eq3A_213 : i32
      %jit3A_215 = arith.constant 1 : i32
      %select_n3A_216 = arith.select %eq3A_214, %jit3A_215, %jit3A_212 : i32
      %rem3A_217 = arith.remsi %select_n3A_211, %select_n3A_216 : i32
      %ne3A_218 = arith.constant 0 : i32
      %ne3A_219 = arith.cmpi ne, %rem3A_217, %ne3A_218 : i32
      %lt3A_220 = arith.constant 0 : i32
      %lt3A_221 = arith.cmpi slt, %rem3A_217, %lt3A_220 : i32
      %lt3A_222 = arith.constant 0 : i32
      %lt3A_223 = arith.cmpi slt, %select_n3A_216, %lt3A_222 : i32
      %ne3A_224 = arith.xori %lt3A_221, %lt3A_223 : i1
      %and3A_225 = arith.andi %ne3A_224, %ne3A_219 : i1
      %add3A_226 = arith.addi %rem3A_217, %select_n3A_216 : i32
      %select_n3A_227 = arith.select %and3A_225, %add3A_226, %rem3A_217 : i32
      %mul3A_228 = arith.constant 5 : i32
      %mul3A_229 = arith.muli %select_n3A_211, %mul3A_228 : i32
      %sub3A_230 = arith.subi %scan3A_181, %mul3A_229 : i32
      %dma_wait3A_231 = arith.constant 0 : i32
      %dma_wait3A_232 = arith.constant 0 : i32
      %dma_wait3A_233 = tpu.memref_slice %arg9[%select_n3A_190, %dma_wait3A_231, %dma_wait3A_232] : memref<3x80x128xf32, #tpu.memory_space<vmem>> -> memref<1x80x128xf32, #tpu.memory_space<vmem>>
      %dma_wait3A_234 = tpu.memref_squeeze %dma_wait3A_233 : memref<1x80x128xf32, #tpu.memory_space<vmem>> -> memref<80x128xf32, #tpu.memory_space<vmem>>
      %dma_wait3A_235 = arith.constant 0 : i32
      %dma_wait3A_236 = tpu.memref_slice %arg7[%select_n3A_227, %sub3A_230, %dma_wait3A_235] : memref<2x5x80xi32, #tpu.memory_space<vmem>> -> memref<1x1x80xi32, #tpu.memory_space<vmem>>
      %dma_wait3A_237 = tpu.memref_squeeze %dma_wait3A_236 : memref<1x1x80xi32, #tpu.memory_space<vmem>> -> memref<80xi32, #tpu.memory_space<vmem>>
      %dma_wait3A_238 = arith.constant 0 : i32
      %dma_wait3A_239 = arith.constant 0 : i32
      %dma_wait3A_240 = tpu.memref_slice %arg2[%dma_wait3A_238, %dma_wait3A_239] : memref<10240x128xf32, #tpu.memory_space<hbm>> -> memref<10240x128xf32, #tpu.memory_space<hbm>>
      %dma_wait3A_241 = tpu.memref_slice %arg12[%select_n3A_190] : memref<3x!tpu.dma_semaphore, #tpu.memory_space<semaphore_mem>> -> memref<1x!tpu.dma_semaphore, #tpu.memory_space<semaphore_mem>>
      %dma_wait3A_242 = tpu.memref_squeeze %dma_wait3A_241 : memref<1x!tpu.dma_semaphore, #tpu.memory_space<semaphore_mem>> -> memref<!tpu.dma_semaphore, #tpu.memory_space<semaphore_mem>>
      tpu.wait_indirect_dma semaphore(%dma_wait3A_242 : memref<!tpu.dma_semaphore, #tpu.memory_space<semaphore_mem>>) src(%dma_wait3A_240 : memref<10240x128xf32, #tpu.memory_space<hbm>>) dst(%dma_wait3A_234 : memref<80x128xf32, #tpu.memory_space<vmem>>)
      %gt3A = arith.constant 0 : i32
      %gt3A_243 = arith.cmpi sgt, %scan3A_181, %gt3A : i32
      %convert_element_type3A = arith.extui %gt3A_243 : i1 to i32
      %cond3A = arith.constant 0 : i32
      %cond3A_244 = arith.cmpi ne, %convert_element_type3A, %cond3A : i32
      scf.if %cond3A_244 {
        %add3A_277 = arith.constant 2 : i32
        %add3A_278 = arith.addi %scan3A_181, %add3A_277 : i32
        %jit3A_279 = arith.constant 3 : i32
        %eq3A_280 = arith.constant 0 : i32
        %eq3A_281 = arith.cmpi eq, %jit3A_279, %eq3A_280 : i32
        %jit3A_282 = arith.constant 1 : i32
        %select_n3A_283 = arith.select %eq3A_281, %jit3A_282, %jit3A_279 : i32
        %rem3A_284 = arith.remsi %add3A_278, %select_n3A_283 : i32
        %ne3A_285 = arith.constant 0 : i32
        %ne3A_286 = arith.cmpi ne, %rem3A_284, %ne3A_285 : i32
        %lt3A_287 = arith.constant 0 : i32
        %lt3A_288 = arith.cmpi slt, %rem3A_284, %lt3A_287 : i32
        %lt3A_289 = arith.constant 0 : i32
        %lt3A_290 = arith.cmpi slt, %select_n3A_283, %lt3A_289 : i32
        %ne3A_291 = arith.xori %lt3A_288, %lt3A_290 : i1
        %and3A_292 = arith.andi %ne3A_291, %ne3A_286 : i1
        %add3A_293 = arith.addi %rem3A_284, %select_n3A_283 : i32
        %select_n3A_294 = arith.select %and3A_292, %add3A_293, %rem3A_284 : i32
        %add3A_295 = arith.constant 2 : i32
        %add3A_296 = arith.addi %scan3A_181, %add3A_295 : i32
        %jit3A_297 = arith.constant 3 : i32
        %eq3A_298 = arith.constant 0 : i32
        %eq3A_299 = arith.cmpi eq, %jit3A_297, %eq3A_298 : i32
        %jit3A_300 = arith.constant 1 : i32
        %select_n3A_301 = arith.select %eq3A_299, %jit3A_300, %jit3A_297 : i32
        %rem3A_302 = arith.remsi %add3A_296, %select_n3A_301 : i32
        %ne3A_303 = arith.constant 0 : i32
        %ne3A_304 = arith.cmpi ne, %rem3A_302, %ne3A_303 : i32
        %lt3A_305 = arith.constant 0 : i32
        %lt3A_306 = arith.cmpi slt, %rem3A_302, %lt3A_305 : i32
        %lt3A_307 = arith.constant 0 : i32
        %lt3A_308 = arith.cmpi slt, %select_n3A_301, %lt3A_307 : i32
        %ne3A_309 = arith.xori %lt3A_306, %lt3A_308 : i1
        %and3A_310 = arith.andi %ne3A_309, %ne3A_304 : i1
        %add3A_311 = arith.addi %rem3A_302, %select_n3A_301 : i32
        %select_n3A_312 = arith.select %and3A_310, %add3A_311, %rem3A_302 : i32
        %dma_wait3A_313 = arith.constant 0 : i32
        %dma_wait3A_314 = arith.constant 0 : i32
        %dma_wait3A_315 = tpu.memref_slice %arg9[%select_n3A_294, %dma_wait3A_313, %dma_wait3A_314] : memref<3x80x128xf32, #tpu.memory_space<vmem>> -> memref<1x80x128xf32, #tpu.memory_space<vmem>>
        %dma_wait3A_316 = tpu.memref_squeeze %dma_wait3A_315 : memref<1x80x128xf32, #tpu.memory_space<vmem>> -> memref<80x128xf32, #tpu.memory_space<vmem>>
        %dma_wait3A_317 = arith.constant 0 : i32
        %dma_wait3A_318 = tpu.memref_slice %arg8[%select_n3A_227, %sub3A_230, %dma_wait3A_317] : memref<2x5x80xi32, #tpu.memory_space<vmem>> -> memref<1x1x80xi32, #tpu.memory_space<vmem>>
        %dma_wait3A_319 = tpu.memref_squeeze %dma_wait3A_318 : memref<1x1x80xi32, #tpu.memory_space<vmem>> -> memref<80xi32, #tpu.memory_space<vmem>>
        %dma_wait3A_320 = arith.constant 0 : i32
        %dma_wait3A_321 = arith.constant 0 : i32
        %dma_wait3A_322 = tpu.memref_slice %arg10[%dma_wait3A_320, %dma_wait3A_321] : memref<10240x128xf32, #tpu.memory_space<vmem_shared>> -> memref<10240x128xf32, #tpu.memory_space<vmem_shared>>
        %dma_wait3A_323 = tpu.memref_slice %arg13[%select_n3A_312] : memref<3x!tpu.dma_semaphore, #tpu.memory_space<semaphore_mem>> -> memref<1x!tpu.dma_semaphore, #tpu.memory_space<semaphore_mem>>
        %dma_wait3A_324 = tpu.memref_squeeze %dma_wait3A_323 : memref<1x!tpu.dma_semaphore, #tpu.memory_space<semaphore_mem>> -> memref<!tpu.dma_semaphore, #tpu.memory_space<semaphore_mem>>
        tpu.wait_indirect_dma semaphore(%dma_wait3A_324 : memref<!tpu.dma_semaphore, #tpu.memory_space<semaphore_mem>>) src(%dma_wait3A_316 : memref<80x128xf32, #tpu.memory_space<vmem>>) dst(%dma_wait3A_322 : memref<10240x128xf32, #tpu.memory_space<vmem_shared>>)
      } else {
      }
      %dma_start3A_245 = arith.constant 0 : i32
      %dma_start3A_246 = arith.constant 0 : i32
      %dma_start3A_247 = tpu.memref_slice %arg9[%select_n3A_190, %dma_start3A_245, %dma_start3A_246] : memref<3x80x128xf32, #tpu.memory_space<vmem>> -> memref<1x80x128xf32, #tpu.memory_space<vmem>>
      %dma_start3A_248 = tpu.memref_squeeze %dma_start3A_247 : memref<1x80x128xf32, #tpu.memory_space<vmem>> -> memref<80x128xf32, #tpu.memory_space<vmem>>
      %dma_start3A_249 = arith.constant 0 : i32
      %dma_start3A_250 = tpu.memref_slice %arg8[%select_n3A_227, %sub3A_230, %dma_start3A_249] : memref<2x5x80xi32, #tpu.memory_space<vmem>> -> memref<1x1x80xi32, #tpu.memory_space<vmem>>
      %dma_start3A_251 = tpu.memref_squeeze %dma_start3A_250 : memref<1x1x80xi32, #tpu.memory_space<vmem>> -> memref<80xi32, #tpu.memory_space<vmem>>
      %dma_start3A_252 = arith.constant 0 : i32
      %dma_start3A_253 = arith.constant 0 : i32
      %dma_start3A_254 = tpu.memref_slice %arg10[%dma_start3A_252, %dma_start3A_253] : memref<10240x128xf32, #tpu.memory_space<vmem_shared>> -> memref<10240x128xf32, #tpu.memory_space<vmem_shared>>
      %dma_start3A_255 = tpu.memref_slice %arg13[%select_n3A_190] : memref<3x!tpu.dma_semaphore, #tpu.memory_space<semaphore_mem>> -> memref<1x!tpu.dma_semaphore, #tpu.memory_space<semaphore_mem>>
      %dma_start3A_256 = tpu.memref_squeeze %dma_start3A_255 : memref<1x!tpu.dma_semaphore, #tpu.memory_space<semaphore_mem>> -> memref<!tpu.dma_semaphore, #tpu.memory_space<semaphore_mem>>
      tpu.enqueue_indirect_dma source(%dma_start3A_248 : memref<80x128xf32, #tpu.memory_space<vmem>>) target(%dma_start3A_254 : memref<10240x128xf32, #tpu.memory_space<vmem_shared>>) offsets(%dma_start3A_251 : memref<80xi32, #tpu.memory_space<vmem>>) semaphore(%dma_start3A_256 : memref<!tpu.dma_semaphore, #tpu.memory_space<semaphore_mem>>) {add = true}
      %eq3A_257 = arith.constant 0 : i32
      %eq3A_258 = arith.cmpi eq, %sub3A_230, %eq3A_257 : i32
      %gt3A_259 = arith.constant 0 : i32
      %gt3A_260 = arith.cmpi sgt, %scan3A_181, %gt3A_259 : i32
      %add3A_261 = arith.constant 1 : i32
      %add3A_262 = arith.addi %select_n3A_211, %add3A_261 : i32
      %lt3A_263 = arith.constant 25 : i32
      %lt3A_264 = arith.cmpi slt, %add3A_262, %lt3A_263 : i32
      %and3A_265 = arith.andi %gt3A_260, %lt3A_264 : i1
      %and3A_266 = arith.andi %eq3A_258, %and3A_265 : i1
      %convert_element_type3A_267 = arith.extui %and3A_266 : i1 to i32
      %cond3A_268 = arith.constant 0 : i32
      %cond3A_269 = arith.cmpi ne, %convert_element_type3A_267, %cond3A_268 : i32
      scf.if %cond3A_269 {
        %add3A_277 = arith.constant 1 : i32
        %add3A_278 = arith.addi %select_n3A_211, %add3A_277 : i32
        %jit3A_279 = arith.constant 2 : i32
        %eq3A_280 = arith.constant 0 : i32
        %eq3A_281 = arith.cmpi eq, %jit3A_279, %eq3A_280 : i32
        %jit3A_282 = arith.constant 1 : i32
        %select_n3A_283 = arith.select %eq3A_281, %jit3A_282, %jit3A_279 : i32
        %rem3A_284 = arith.remsi %add3A_278, %select_n3A_283 : i32
        %ne3A_285 = arith.constant 0 : i32
        %ne3A_286 = arith.cmpi ne, %rem3A_284, %ne3A_285 : i32
        %lt3A_287 = arith.constant 0 : i32
        %lt3A_288 = arith.cmpi slt, %rem3A_284, %lt3A_287 : i32
        %lt3A_289 = arith.constant 0 : i32
        %lt3A_290 = arith.cmpi slt, %select_n3A_283, %lt3A_289 : i32
        %ne3A_291 = arith.xori %lt3A_288, %lt3A_290 : i1
        %and3A_292 = arith.andi %ne3A_291, %ne3A_286 : i1
        %add3A_293 = arith.addi %rem3A_284, %select_n3A_283 : i32
        %select_n3A_294 = arith.select %and3A_292, %add3A_293, %rem3A_284 : i32
        %add3A_295 = arith.constant 1 : i32
        %add3A_296 = arith.addi %select_n3A_211, %add3A_295 : i32
        %dma_start3A_297 = arith.constant 0 : i32
        %dma_start3A_298 = arith.constant 0 : i32
        %dma_start3A_299 = tpu.memref_slice %arg7[%select_n3A_294, %dma_start3A_297, %dma_start3A_298] : memref<2x5x80xi32, #tpu.memory_space<vmem>> -> memref<1x5x80xi32, #tpu.memory_space<vmem>>
        %dma_start3A_300 = tpu.memref_squeeze %dma_start3A_299 : memref<1x5x80xi32, #tpu.memory_space<vmem>> -> memref<5x80xi32, #tpu.memory_space<vmem>>
        %dma_start3A_301 = arith.constant 0 : i32
        %dma_start3A_302 = arith.constant 0 : i32
        %dma_start3A_303 = tpu.memref_slice %arg3[%add3A, %add3A_296, %dma_start3A_301, %dma_start3A_302] : memref<32x25x5x80xi32, #tpu.memory_space<hbm>> -> memref<1x1x5x80xi32, #tpu.memory_space<hbm>>
        %dma_start3A_304 = tpu.memref_squeeze %dma_start3A_303 : memref<1x1x5x80xi32, #tpu.memory_space<hbm>> -> memref<5x80xi32, #tpu.memory_space<hbm>>
        %dma_start3A_305 = tpu.memref_slice %arg11[%select_n3A_294] : memref<2x!tpu.dma_semaphore, #tpu.memory_space<semaphore_mem>> -> memref<1x!tpu.dma_semaphore, #tpu.memory_space<semaphore_mem>>
        %dma_start3A_306 = tpu.memref_squeeze %dma_start3A_305 : memref<1x!tpu.dma_semaphore, #tpu.memory_space<semaphore_mem>> -> memref<!tpu.dma_semaphore, #tpu.memory_space<semaphore_mem>>
        %dma_start3A_307 = arith.constant 0 : i32
        %dma_start3A_308 = arith.constant 0 : i32
        %dma_start3A_309 = tpu.memref_slice %arg7[%select_n3A_294, %dma_start3A_307, %dma_start3A_308] : memref<2x5x80xi32, #tpu.memory_space<vmem>> -> memref<1x5x80xi32, #tpu.memory_space<vmem>>
        %dma_start3A_310 = tpu.memref_squeeze %dma_start3A_309 : memref<1x5x80xi32, #tpu.memory_space<vmem>> -> memref<5x80xi32, #tpu.memory_space<vmem>>
        %dma_start3A_311 = arith.constant 0 : i32
        %dma_start3A_312 = arith.constant 0 : i32
        %dma_start3A_313 = tpu.memref_slice %arg3[%add3A, %add3A_296, %dma_start3A_311, %dma_start3A_312] : memref<32x25x5x80xi32, #tpu.memory_space<hbm>> -> memref<1x1x5x80xi32, #tpu.memory_space<hbm>>
        %dma_start3A_314 = tpu.memref_squeeze %dma_start3A_313 : memref<1x1x5x80xi32, #tpu.memory_space<hbm>> -> memref<5x80xi32, #tpu.memory_space<hbm>>
        tpu.enqueue_dma source(%dma_start3A_314 : memref<5x80xi32, #tpu.memory_space<hbm>>) target(%dma_start3A_310 : memref<5x80xi32, #tpu.memory_space<vmem>>) target_semaphore(%dma_start3A_306 : memref<!tpu.dma_semaphore, #tpu.memory_space<semaphore_mem>>)
        %add3A_315 = arith.constant 1 : i32
        %add3A_316 = arith.addi %select_n3A_211, %add3A_315 : i32
        %dma_start3A_317 = arith.constant 0 : i32
        %dma_start3A_318 = arith.constant 0 : i32
        %dma_start3A_319 = tpu.memref_slice %arg8[%select_n3A_294, %dma_start3A_317, %dma_start3A_318] : memref<2x5x80xi32, #tpu.memory_space<vmem>> -> memref<1x5x80xi32, #tpu.memory_space<vmem>>
        %dma_start3A_320 = tpu.memref_squeeze %dma_start3A_319 : memref<1x5x80xi32, #tpu.memory_space<vmem>> -> memref<5x80xi32, #tpu.memory_space<vmem>>
        %dma_start3A_321 = arith.constant 0 : i32
        %dma_start3A_322 = arith.constant 0 : i32
        %dma_start3A_323 = tpu.memref_slice %arg4[%add3A, %add3A_316, %dma_start3A_321, %dma_start3A_322] : memref<32x25x5x80xi32, #tpu.memory_space<hbm>> -> memref<1x1x5x80xi32, #tpu.memory_space<hbm>>
        %dma_start3A_324 = tpu.memref_squeeze %dma_start3A_323 : memref<1x1x5x80xi32, #tpu.memory_space<hbm>> -> memref<5x80xi32, #tpu.memory_space<hbm>>
        %dma_start3A_325 = tpu.memref_slice %arg11[%select_n3A_294] : memref<2x!tpu.dma_semaphore, #tpu.memory_space<semaphore_mem>> -> memref<1x!tpu.dma_semaphore, #tpu.memory_space<semaphore_mem>>
        %dma_start3A_326 = tpu.memref_squeeze %dma_start3A_325 : memref<1x!tpu.dma_semaphore, #tpu.memory_space<semaphore_mem>> -> memref<!tpu.dma_semaphore, #tpu.memory_space<semaphore_mem>>
        %dma_start3A_327 = arith.constant 0 : i32
        %dma_start3A_328 = arith.constant 0 : i32
        %dma_start3A_329 = tpu.memref_slice %arg8[%select_n3A_294, %dma_start3A_327, %dma_start3A_328] : memref<2x5x80xi32, #tpu.memory_space<vmem>> -> memref<1x5x80xi32, #tpu.memory_space<vmem>>
        %dma_start3A_330 = tpu.memref_squeeze %dma_start3A_329 : memref<1x5x80xi32, #tpu.memory_space<vmem>> -> memref<5x80xi32, #tpu.memory_space<vmem>>
        %dma_start3A_331 = arith.constant 0 : i32
        %dma_start3A_332 = arith.constant 0 : i32
        %dma_start3A_333 = tpu.memref_slice %arg4[%add3A, %add3A_316, %dma_start3A_331, %dma_start3A_332] : memref<32x25x5x80xi32, #tpu.memory_space<hbm>> -> memref<1x1x5x80xi32, #tpu.memory_space<hbm>>
        %dma_start3A_334 = tpu.memref_squeeze %dma_start3A_333 : memref<1x1x5x80xi32, #tpu.memory_space<hbm>> -> memref<5x80xi32, #tpu.memory_space<hbm>>
        tpu.enqueue_dma source(%dma_start3A_334 : memref<5x80xi32, #tpu.memory_space<hbm>>) target(%dma_start3A_330 : memref<5x80xi32, #tpu.memory_space<vmem>>) target_semaphore(%dma_start3A_326 : memref<!tpu.dma_semaphore, #tpu.memory_space<semaphore_mem>>)
      } else {
      }
      %add3A_270 = arith.constant 2 : i32
      %add3A_271 = arith.addi %scan3A_181, %add3A_270 : i32
      %lt3A_272 = arith.constant 125 : i32
      %lt3A_273 = arith.cmpi slt, %add3A_271, %lt3A_272 : i32
      %convert_element_type3A_274 = arith.extui %lt3A_273 : i1 to i32
      %cond3A_275 = arith.constant 0 : i32
      %cond3A_276 = arith.cmpi ne, %convert_element_type3A_274, %cond3A_275 : i32
      scf.if %cond3A_276 {
        %jit3A_277 = arith.constant 5 : i32
        %div3A_278 = arith.divsi %add3A_271, %jit3A_277 : i32
        %sign3A_279 = arith.constant 0 : i32
        %sign3A_280 = arith.cmpi sgt, %add3A_271, %sign3A_279 : i32
        %sign3A_281 = arith.extui %sign3A_280 : i1 to i32
        %sign3A_282 = arith.constant 0 : i32
        %sign3A_283 = arith.cmpi slt, %add3A_271, %sign3A_282 : i32
        %sign3A_284 = arith.extui %sign3A_283 : i1 to i32
        %sign3A_285 = arith.subi %sign3A_281, %sign3A_284 : i32
        %sign3A_286 = arith.constant 0 : i32
        %sign3A_287 = arith.cmpi sgt, %jit3A_277, %sign3A_286 : i32
        %sign3A_288 = arith.extui %sign3A_287 : i1 to i32
        %sign3A_289 = arith.constant 0 : i32
        %sign3A_290 = arith.cmpi slt, %jit3A_277, %sign3A_289 : i32
        %sign3A_291 = arith.extui %sign3A_290 : i1 to i32
        %sign3A_292 = arith.subi %sign3A_288, %sign3A_291 : i32
        %ne3A_293 = arith.cmpi ne, %sign3A_285, %sign3A_292 : i32
        %rem3A_294 = arith.remsi %add3A_271, %jit3A_277 : i32
        %ne3A_295 = arith.constant 0 : i32
        %ne3A_296 = arith.cmpi ne, %rem3A_294, %ne3A_295 : i32
        %and3A_297 = arith.andi %ne3A_293, %ne3A_296 : i1
        %sub3A_298 = arith.constant 1 : i32
        %sub3A_299 = arith.subi %div3A_278, %sub3A_298 : i32
        %select_n3A_300 = arith.select %and3A_297, %sub3A_299, %div3A_278 : i32
        %jit3A_301 = arith.constant 2 : i32
        %eq3A_302 = arith.constant 0 : i32
        %eq3A_303 = arith.cmpi eq, %jit3A_301, %eq3A_302 : i32
        %jit3A_304 = arith.constant 1 : i32
        %select_n3A_305 = arith.select %eq3A_303, %jit3A_304, %jit3A_301 : i32
        %rem3A_306 = arith.remsi %select_n3A_300, %select_n3A_305 : i32
        %ne3A_307 = arith.constant 0 : i32
        %ne3A_308 = arith.cmpi ne, %rem3A_306, %ne3A_307 : i32
        %lt3A_309 = arith.constant 0 : i32
        %lt3A_310 = arith.cmpi slt, %rem3A_306, %lt3A_309 : i32
        %lt3A_311 = arith.constant 0 : i32
        %lt3A_312 = arith.cmpi slt, %select_n3A_305, %lt3A_311 : i32
        %ne3A_313 = arith.xori %lt3A_310, %lt3A_312 : i1
        %and3A_314 = arith.andi %ne3A_313, %ne3A_308 : i1
        %add3A_315 = arith.addi %rem3A_306, %select_n3A_305 : i32
        %select_n3A_316 = arith.select %and3A_314, %add3A_315, %rem3A_306 : i32
        %mul3A_317 = arith.constant 5 : i32
        %mul3A_318 = arith.muli %select_n3A_300, %mul3A_317 : i32
        %sub3A_319 = arith.subi %add3A_271, %mul3A_318 : i32
        %eq3A_320 = arith.constant 0 : i32
        %eq3A_321 = arith.cmpi eq, %sub3A_319, %eq3A_320 : i32
        %convert_element_type3A_322 = arith.extui %eq3A_321 : i1 to i32
        %cond3A_323 = arith.constant 0 : i32
        %cond3A_324 = arith.cmpi ne, %convert_element_type3A_322, %cond3A_323 : i32
        scf.if %cond3A_324 {
          %dma_wait3A_369 = arith.constant 0 : i32
          %dma_wait3A_370 = arith.constant 0 : i32
          %dma_wait3A_371 = tpu.memref_slice %arg7[%select_n3A_316, %dma_wait3A_369, %dma_wait3A_370] : memref<2x5x80xi32, #tpu.memory_space<vmem>> -> memref<1x5x80xi32, #tpu.memory_space<vmem>>
          %dma_wait3A_372 = tpu.memref_squeeze %dma_wait3A_371 : memref<1x5x80xi32, #tpu.memory_space<vmem>> -> memref<5x80xi32, #tpu.memory_space<vmem>>
          %dma_wait3A_373 = arith.constant 0 : i32
          %dma_wait3A_374 = arith.constant 0 : i32
          %dma_wait3A_375 = tpu.memref_slice %arg3[%add3A, %select_n3A_300, %dma_wait3A_373, %dma_wait3A_374] : memref<32x25x5x80xi32, #tpu.memory_space<hbm>> -> memref<1x1x5x80xi32, #tpu.memory_space<hbm>>
          %dma_wait3A_376 = tpu.memref_squeeze %dma_wait3A_375 : memref<1x1x5x80xi32, #tpu.memory_space<hbm>> -> memref<5x80xi32, #tpu.memory_space<hbm>>
          %dma_wait3A_377 = tpu.memref_slice %arg11[%select_n3A_316] : memref<2x!tpu.dma_semaphore, #tpu.memory_space<semaphore_mem>> -> memref<1x!tpu.dma_semaphore, #tpu.memory_space<semaphore_mem>>
          %dma_wait3A_378 = tpu.memref_squeeze %dma_wait3A_377 : memref<1x!tpu.dma_semaphore, #tpu.memory_space<semaphore_mem>> -> memref<!tpu.dma_semaphore, #tpu.memory_space<semaphore_mem>>
          %dma_wait3A_379 = arith.constant 0 : i32
          %dma_wait3A_380 = arith.constant 0 : i32
          %dma_wait3A_381 = tpu.memref_slice %arg7[%select_n3A_316, %dma_wait3A_379, %dma_wait3A_380] : memref<2x5x80xi32, #tpu.memory_space<vmem>> -> memref<1x5x80xi32, #tpu.memory_space<vmem>>
          %dma_wait3A_382 = tpu.memref_squeeze %dma_wait3A_381 : memref<1x5x80xi32, #tpu.memory_space<vmem>> -> memref<5x80xi32, #tpu.memory_space<vmem>>
          %dma_wait3A_383 = arith.constant 0 : i32
          %dma_wait3A_384 = arith.constant 0 : i32
          %dma_wait3A_385 = tpu.memref_slice %arg3[%add3A, %select_n3A_300, %dma_wait3A_383, %dma_wait3A_384] : memref<32x25x5x80xi32, #tpu.memory_space<hbm>> -> memref<1x1x5x80xi32, #tpu.memory_space<hbm>>
          %dma_wait3A_386 = tpu.memref_squeeze %dma_wait3A_385 : memref<1x1x5x80xi32, #tpu.memory_space<hbm>> -> memref<5x80xi32, #tpu.memory_space<hbm>>
          tpu.wait_dma2 semaphore(%dma_wait3A_378 : memref<!tpu.dma_semaphore, #tpu.memory_space<semaphore_mem>>) src(%dma_wait3A_386 : memref<5x80xi32, #tpu.memory_space<hbm>>) dst(%dma_wait3A_382 : memref<5x80xi32, #tpu.memory_space<vmem>>)
          %dma_wait3A_387 = arith.constant 0 : i32
          %dma_wait3A_388 = arith.constant 0 : i32
          %dma_wait3A_389 = tpu.memref_slice %arg8[%select_n3A_316, %dma_wait3A_387, %dma_wait3A_388] : memref<2x5x80xi32, #tpu.memory_space<vmem>> -> memref<1x5x80xi32, #tpu.memory_space<vmem>>
          %dma_wait3A_390 = tpu.memref_squeeze %dma_wait3A_389 : memref<1x5x80xi32, #tpu.memory_space<vmem>> -> memref<5x80xi32, #tpu.memory_space<vmem>>
          %dma_wait3A_391 = arith.constant 0 : i32
          %dma_wait3A_392 = arith.constant 0 : i32
          %dma_wait3A_393 = tpu.memref_slice %arg4[%add3A, %select_n3A_300, %dma_wait3A_391, %dma_wait3A_392] : memref<32x25x5x80xi32, #tpu.memory_space<hbm>> -> memref<1x1x5x80xi32, #tpu.memory_space<hbm>>
          %dma_wait3A_394 = tpu.memref_squeeze %dma_wait3A_393 : memref<1x1x5x80xi32, #tpu.memory_space<hbm>> -> memref<5x80xi32, #tpu.memory_space<hbm>>
          %dma_wait3A_395 = tpu.memref_slice %arg11[%select_n3A_316] : memref<2x!tpu.dma_semaphore, #tpu.memory_space<semaphore_mem>> -> memref<1x!tpu.dma_semaphore, #tpu.memory_space<semaphore_mem>>
          %dma_wait3A_396 = tpu.memref_squeeze %dma_wait3A_395 : memref<1x!tpu.dma_semaphore, #tpu.memory_space<semaphore_mem>> -> memref<!tpu.dma_semaphore, #tpu.memory_space<semaphore_mem>>
          %dma_wait3A_397 = arith.constant 0 : i32
          %dma_wait3A_398 = arith.constant 0 : i32
          %dma_wait3A_399 = tpu.memref_slice %arg8[%select_n3A_316, %dma_wait3A_397, %dma_wait3A_398] : memref<2x5x80xi32, #tpu.memory_space<vmem>> -> memref<1x5x80xi32, #tpu.memory_space<vmem>>
          %dma_wait3A_400 = tpu.memref_squeeze %dma_wait3A_399 : memref<1x5x80xi32, #tpu.memory_space<vmem>> -> memref<5x80xi32, #tpu.memory_space<vmem>>
          %dma_wait3A_401 = arith.constant 0 : i32
          %dma_wait3A_402 = arith.constant 0 : i32
          %dma_wait3A_403 = tpu.memref_slice %arg4[%add3A, %select_n3A_300, %dma_wait3A_401, %dma_wait3A_402] : memref<32x25x5x80xi32, #tpu.memory_space<hbm>> -> memref<1x1x5x80xi32, #tpu.memory_space<hbm>>
          %dma_wait3A_404 = tpu.memref_squeeze %dma_wait3A_403 : memref<1x1x5x80xi32, #tpu.memory_space<hbm>> -> memref<5x80xi32, #tpu.memory_space<hbm>>
          tpu.wait_dma2 semaphore(%dma_wait3A_396 : memref<!tpu.dma_semaphore, #tpu.memory_space<semaphore_mem>>) src(%dma_wait3A_404 : memref<5x80xi32, #tpu.memory_space<hbm>>) dst(%dma_wait3A_400 : memref<5x80xi32, #tpu.memory_space<vmem>>)
        } else {
        }
        %jit3A_325 = arith.constant 3 : i32
        %eq3A_326 = arith.constant 0 : i32
        %eq3A_327 = arith.cmpi eq, %jit3A_325, %eq3A_326 : i32
        %jit3A_328 = arith.constant 1 : i32
        %select_n3A_329 = arith.select %eq3A_327, %jit3A_328, %jit3A_325 : i32
        %rem3A_330 = arith.remsi %add3A_271, %select_n3A_329 : i32
        %ne3A_331 = arith.constant 0 : i32
        %ne3A_332 = arith.cmpi ne, %rem3A_330, %ne3A_331 : i32
        %lt3A_333 = arith.constant 0 : i32
        %lt3A_334 = arith.cmpi slt, %rem3A_330, %lt3A_333 : i32
        %lt3A_335 = arith.constant 0 : i32
        %lt3A_336 = arith.cmpi slt, %select_n3A_329, %lt3A_335 : i32
        %ne3A_337 = arith.xori %lt3A_334, %lt3A_336 : i1
        %and3A_338 = arith.andi %ne3A_337, %ne3A_332 : i1
        %add3A_339 = arith.addi %rem3A_330, %select_n3A_329 : i32
        %select_n3A_340 = arith.select %and3A_338, %add3A_339, %rem3A_330 : i32
        %jit3A_341 = arith.constant 3 : i32
        %eq3A_342 = arith.constant 0 : i32
        %eq3A_343 = arith.cmpi eq, %jit3A_341, %eq3A_342 : i32
        %jit3A_344 = arith.constant 1 : i32
        %select_n3A_345 = arith.select %eq3A_343, %jit3A_344, %jit3A_341 : i32
        %rem3A_346 = arith.remsi %add3A_271, %select_n3A_345 : i32
        %ne3A_347 = arith.constant 0 : i32
        %ne3A_348 = arith.cmpi ne, %rem3A_346, %ne3A_347 : i32
        %lt3A_349 = arith.constant 0 : i32
        %lt3A_350 = arith.cmpi slt, %rem3A_346, %lt3A_349 : i32
        %lt3A_351 = arith.constant 0 : i32
        %lt3A_352 = arith.cmpi slt, %select_n3A_345, %lt3A_351 : i32
        %ne3A_353 = arith.xori %lt3A_350, %lt3A_352 : i1
        %and3A_354 = arith.andi %ne3A_353, %ne3A_348 : i1
        %add3A_355 = arith.addi %rem3A_346, %select_n3A_345 : i32
        %select_n3A_356 = arith.select %and3A_354, %add3A_355, %rem3A_346 : i32
        %dma_start3A_357 = arith.constant 0 : i32
        %dma_start3A_358 = arith.constant 0 : i32
        %dma_start3A_359 = tpu.memref_slice %arg9[%select_n3A_340, %dma_start3A_357, %dma_start3A_358] : memref<3x80x128xf32, #tpu.memory_space<vmem>> -> memref<1x80x128xf32, #tpu.memory_space<vmem>>
        %dma_start3A_360 = tpu.memref_squeeze %dma_start3A_359 : memref<1x80x128xf32, #tpu.memory_space<vmem>> -> memref<80x128xf32, #tpu.memory_space<vmem>>
        %dma_start3A_361 = arith.constant 0 : i32
        %dma_start3A_362 = tpu.memref_slice %arg7[%select_n3A_316, %sub3A_319, %dma_start3A_361] : memref<2x5x80xi32, #tpu.memory_space<vmem>> -> memref<1x1x80xi32, #tpu.memory_space<vmem>>
        %dma_start3A_363 = tpu.memref_squeeze %dma_start3A_362 : memref<1x1x80xi32, #tpu.memory_space<vmem>> -> memref<80xi32, #tpu.memory_space<vmem>>
        %dma_start3A_364 = arith.constant 0 : i32
        %dma_start3A_365 = arith.constant 0 : i32
        %dma_start3A_366 = tpu.memref_slice %arg2[%dma_start3A_364, %dma_start3A_365] : memref<10240x128xf32, #tpu.memory_space<hbm>> -> memref<10240x128xf32, #tpu.memory_space<hbm>>
        %dma_start3A_367 = tpu.memref_slice %arg12[%select_n3A_356] : memref<3x!tpu.dma_semaphore, #tpu.memory_space<semaphore_mem>> -> memref<1x!tpu.dma_semaphore, #tpu.memory_space<semaphore_mem>>
        %dma_start3A_368 = tpu.memref_squeeze %dma_start3A_367 : memref<1x!tpu.dma_semaphore, #tpu.memory_space<semaphore_mem>> -> memref<!tpu.dma_semaphore, #tpu.memory_space<semaphore_mem>>
        tpu.enqueue_indirect_dma source(%dma_start3A_366 : memref<10240x128xf32, #tpu.memory_space<hbm>>) target(%dma_start3A_360 : memref<80x128xf32, #tpu.memory_space<vmem>>) offsets(%dma_start3A_363 : memref<80xi32, #tpu.memory_space<vmem>>) semaphore(%dma_start3A_368 : memref<!tpu.dma_semaphore, #tpu.memory_space<semaphore_mem>>)
      } else {
      }
    }
    %scan3A_163 = arith.constant 125 : i32
    %dma_wait3A_164 = arith.constant 1 : i32
    %dma_wait3A_165 = arith.constant 0 : i32
    %dma_wait3A_166 = arith.constant 0 : i32
    %dma_wait3A_167 = arith.constant 1 : i32
    %dma_wait3A_168 = arith.constant 0 : i32
    %dma_wait3A_169 = arith.constant 0 : i32
    %dma_wait3A_170 = tpu.memref_slice %arg9[%dma_wait3A_164, %dma_wait3A_168, %dma_wait3A_169] : memref<3x80x128xf32, #tpu.memory_space<vmem>> -> memref<1x80x128xf32, #tpu.memory_space<vmem>>
    %dma_wait3A_171 = tpu.memref_squeeze %dma_wait3A_170 : memref<1x80x128xf32, #tpu.memory_space<vmem>> -> memref<80x128xf32, #tpu.memory_space<vmem>>
    %dma_wait3A_172 = arith.constant 0 : i32
    %dma_wait3A_173 = tpu.memref_slice %arg8[%dma_wait3A_165, %dma_wait3A_166, %dma_wait3A_172] : memref<2x5x80xi32, #tpu.memory_space<vmem>> -> memref<1x1x80xi32, #tpu.memory_space<vmem>>
    %dma_wait3A_174 = tpu.memref_squeeze %dma_wait3A_173 : memref<1x1x80xi32, #tpu.memory_space<vmem>> -> memref<80xi32, #tpu.memory_space<vmem>>
    %dma_wait3A_175 = arith.constant 0 : i32
    %dma_wait3A_176 = arith.constant 0 : i32
    %dma_wait3A_177 = tpu.memref_slice %arg10[%dma_wait3A_175, %dma_wait3A_176] : memref<10240x128xf32, #tpu.memory_space<vmem_shared>> -> memref<10240x128xf32, #tpu.memory_space<vmem_shared>>
    %dma_wait3A_178 = tpu.memref_slice %arg13[%dma_wait3A_167] : memref<3x!tpu.dma_semaphore, #tpu.memory_space<semaphore_mem>> -> memref<1x!tpu.dma_semaphore, #tpu.memory_space<semaphore_mem>>
    %dma_wait3A_179 = tpu.memref_squeeze %dma_wait3A_178 : memref<1x!tpu.dma_semaphore, #tpu.memory_space<semaphore_mem>> -> memref<!tpu.dma_semaphore, #tpu.memory_space<semaphore_mem>>
    tpu.wait_indirect_dma semaphore(%dma_wait3A_179 : memref<!tpu.dma_semaphore, #tpu.memory_space<semaphore_mem>>) src(%dma_wait3A_171 : memref<80x128xf32, #tpu.memory_space<vmem>>) dst(%dma_wait3A_177 : memref<10240x128xf32, #tpu.memory_space<vmem_shared>>)
    %barrier3A_180 = arith.constant 0 : index
    tpu.barrier barrier_id(%barrier3A_180)
    "tpu.region"() ({
      %run_scoped3A = tpu.sem_alloc : memref<!tpu.dma_semaphore, #tpu.memory_space<semaphore_mem>>
      %dma_start3A_181 = arith.constant 0 : i32
      %dma_start3A_182 = tpu.memref_slice %arg6[%arg0, %mul3A_43, %dma_start3A_181] : memref<2x10240x128xf32, #tpu.memory_space<hbm>> -> memref<1x640x128xf32, #tpu.memory_space<hbm>>
      %dma_start3A_183 = tpu.memref_squeeze %dma_start3A_182 : memref<1x640x128xf32, #tpu.memory_space<hbm>> -> memref<640x128xf32, #tpu.memory_space<hbm>>
      %dma_start3A_184 = arith.constant 0 : i32
      %dma_start3A_185 = tpu.memref_slice %arg10[%mul3A_43, %dma_start3A_184] : memref<10240x128xf32, #tpu.memory_space<vmem_shared>> -> memref<640x128xf32, #tpu.memory_space<vmem_shared>>
      tpu.enqueue_dma source(%dma_start3A_185 : memref<640x128xf32, #tpu.memory_space<vmem_shared>>) target(%dma_start3A_183 : memref<640x128xf32, #tpu.memory_space<hbm>>) target_semaphore(%run_scoped3A : memref<!tpu.dma_semaphore, #tpu.memory_space<semaphore_mem>>)
      %dma_wait3A_186 = arith.constant 0 : i32
      %dma_wait3A_187 = tpu.memref_slice %arg6[%arg0, %mul3A_43, %dma_wait3A_186] : memref<2x10240x128xf32, #tpu.memory_space<hbm>> -> memref<1x640x128xf32, #tpu.memory_space<hbm>>
      %dma_wait3A_188 = tpu.memref_squeeze %dma_wait3A_187 : memref<1x640x128xf32, #tpu.memory_space<hbm>> -> memref<640x128xf32, #tpu.memory_space<hbm>>
      %dma_wait3A_189 = arith.constant 0 : i32
      %dma_wait3A_190 = tpu.memref_slice %arg10[%mul3A_43, %dma_wait3A_189] : memref<10240x128xf32, #tpu.memory_space<vmem_shared>> -> memref<640x128xf32, #tpu.memory_space<vmem_shared>>
      tpu.wait_dma2 semaphore(%run_scoped3A : memref<!tpu.dma_semaphore, #tpu.memory_space<semaphore_mem>>) src(%dma_wait3A_190 : memref<640x128xf32, #tpu.memory_space<vmem_shared>>) dst(%dma_wait3A_188 : memref<640x128xf32, #tpu.memory_space<hbm>>)
      tpu.yield
    }) : () -> ()
    return
  }
}

#map = affine_map<(d0, d1) -> (0, 0)>
#map1 = affine_map<(d0, d1) -> (0, 0, 0, 0)>
#map2 = affine_map<(d0, d1) -> (0, 0, 0)>
module attributes {stable_mosaic.version = 14 : i64} {
  func.func @_sc_aggregate(%arg0: i32, %arg1: i32, %arg2: memref<10240x128xf32, #tpu.memory_space<hbm>>, %arg3: memref<32x25x5x80xi32, #tpu.memory_space<hbm>>, %arg4: memref<32x25x5x80xi32, #tpu.memory_space<hbm>>, %arg5: memref<10240x128xf32, #tpu.memory_space<hbm>>, %arg6: memref<2x10240x128xf32, #tpu.memory_space<hbm>>, %arg7: memref<2x5x80xi32, #tpu.memory_space<vmem>>, %arg8: memref<2x5x80xi32, #tpu.memory_space<vmem>>, %arg9: memref<3x80x128xf32, #tpu.memory_space<vmem>>, %arg10: memref<10240x128xf32, #tpu.memory_space<vmem_shared>>, %arg11: memref<2x!tpu.dma_semaphore, #tpu.memory_space<semaphore_mem>>, %arg12: memref<3x!tpu.dma_semaphore, #tpu.memory_space<semaphore_mem>>, %arg13: memref<3x!tpu.dma_semaphore, #tpu.memory_space<semaphore_mem>>) attributes {dimension_semantics = [#tpu.dimension_semantics<core_parallel>, #tpu.dimension_semantics<subcore_parallel>], iteration_bounds = array<i64: 2, 16>, scalar_prefetch = 0 : i64, scratch_operands = 7 : i64, tpu.core_type = #tpu.core_type<sc_vector_subcore>, window_params = [{transform_indices = #map}, {transform_indices = #map1}, {transform_indices = #map1}, {transform_indices = #map}, {transform_indices = #map2}]} {
    %mul3A = arith.constant 16 : i32
    %mul3A_0 = arith.muli %arg0, %mul3A : i32
    %add3A = arith.addi %mul3A_0, %arg1 : i32
    %dma_start3A = arith.constant 0 : i32
    %dma_start3A_1 = arith.constant 0 : i32
    %dma_start3A_2 = arith.constant 0 : i32
    %dma_start3A_3 = arith.constant 0 : i32
    %dma_start3A_4 = arith.constant 0 : i32
    %dma_start3A_5 = tpu.memref_slice %arg7[%dma_start3A_1, %dma_start3A_3, %dma_start3A_4] : memref<2x5x80xi32, #tpu.memory_space<vmem>> -> memref<1x5x80xi32, #tpu.memory_space<vmem>>
    %dma_start3A_6 = tpu.memref_squeeze %dma_start3A_5 : memref<1x5x80xi32, #tpu.memory_space<vmem>> -> memref<5x80xi32, #tpu.memory_space<vmem>>
    %dma_start3A_7 = arith.constant 0 : i32
    %dma_start3A_8 = arith.constant 0 : i32
    %dma_start3A_9 = tpu.memref_slice %arg3[%add3A, %dma_start3A, %dma_start3A_7, %dma_start3A_8] : memref<32x25x5x80xi32, #tpu.memory_space<hbm>> -> memref<1x1x5x80xi32, #tpu.memory_space<hbm>>
    %dma_start3A_10 = tpu.memref_squeeze %dma_start3A_9 : memref<1x1x5x80xi32, #tpu.memory_space<hbm>> -> memref<5x80xi32, #tpu.memory_space<hbm>>
    %dma_start3A_11 = tpu.memref_slice %arg11[%dma_start3A_2] : memref<2x!tpu.dma_semaphore, #tpu.memory_space<semaphore_mem>> -> memref<1x!tpu.dma_semaphore, #tpu.memory_space<semaphore_mem>>
    %dma_start3A_12 = tpu.memref_squeeze %dma_start3A_11 : memref<1x!tpu.dma_semaphore, #tpu.memory_space<semaphore_mem>> -> memref<!tpu.dma_semaphore, #tpu.memory_space<semaphore_mem>>
    %dma_start3A_13 = arith.constant 0 : i32
    %dma_start3A_14 = arith.constant 0 : i32
    %dma_start3A_15 = tpu.memref_slice %arg7[%dma_start3A_1, %dma_start3A_13, %dma_start3A_14] : memref<2x5x80xi32, #tpu.memory_space<vmem>> -> memref<1x5x80xi32, #tpu.memory_space<vmem>>
    %dma_start3A_16 = tpu.memref_squeeze %dma_start3A_15 : memref<1x5x80xi32, #tpu.memory_space<vmem>> -> memref<5x80xi32, #tpu.memory_space<vmem>>
    %dma_start3A_17 = arith.constant 0 : i32
    %dma_start3A_18 = arith.constant 0 : i32
    %dma_start3A_19 = tpu.memref_slice %arg3[%add3A, %dma_start3A, %dma_start3A_17, %dma_start3A_18] : memref<32x25x5x80xi32, #tpu.memory_space<hbm>> -> memref<1x1x5x80xi32, #tpu.memory_space<hbm>>
    %dma_start3A_20 = tpu.memref_squeeze %dma_start3A_19 : memref<1x1x5x80xi32, #tpu.memory_space<hbm>> -> memref<5x80xi32, #tpu.memory_space<hbm>>
    tpu.enqueue_dma source(%dma_start3A_20 : memref<5x80xi32, #tpu.memory_space<hbm>>) target(%dma_start3A_16 : memref<5x80xi32, #tpu.memory_space<vmem>>) target_semaphore(%dma_start3A_12 : memref<!tpu.dma_semaphore, #tpu.memory_space<semaphore_mem>>)
    %dma_start3A_21 = arith.constant 0 : i32
    %dma_start3A_22 = arith.constant 0 : i32
    %dma_start3A_23 = arith.constant 0 : i32
    %dma_start3A_24 = arith.constant 0 : i32
    %dma_start3A_25 = arith.constant 0 : i32
    %dma_start3A_26 = tpu.memref_slice %arg8[%dma_start3A_22, %dma_start3A_24, %dma_start3A_25] : memref<2x5x80xi32, #tpu.memory_space<vmem>> -> memref<1x5x80xi32, #tpu.memory_space<vmem>>
    %dma_start3A_27 = tpu.memref_squeeze %dma_start3A_26 : memref<1x5x80xi32, #tpu.memory_space<vmem>> -> memref<5x80xi32, #tpu.memory_space<vmem>>
    %dma_start3A_28 = arith.constant 0 : i32
    %dma_start3A_29 = arith.constant 0 : i32
    %dma_start3A_30 = tpu.memref_slice %arg4[%add3A, %dma_start3A_21, %dma_start3A_28, %dma_start3A_29] : memref<32x25x5x80xi32, #tpu.memory_space<hbm>> -> memref<1x1x5x80xi32, #tpu.memory_space<hbm>>
    %dma_start3A_31 = tpu.memref_squeeze %dma_start3A_30 : memref<1x1x5x80xi32, #tpu.memory_space<hbm>> -> memref<5x80xi32, #tpu.memory_space<hbm>>
    %dma_start3A_32 = tpu.memref_slice %arg11[%dma_start3A_23] : memref<2x!tpu.dma_semaphore, #tpu.memory_space<semaphore_mem>> -> memref<1x!tpu.dma_semaphore, #tpu.memory_space<semaphore_mem>>
    %dma_start3A_33 = tpu.memref_squeeze %dma_start3A_32 : memref<1x!tpu.dma_semaphore, #tpu.memory_space<semaphore_mem>> -> memref<!tpu.dma_semaphore, #tpu.memory_space<semaphore_mem>>
    %dma_start3A_34 = arith.constant 0 : i32
    %dma_start3A_35 = arith.constant 0 : i32
    %dma_start3A_36 = tpu.memref_slice %arg8[%dma_start3A_22, %dma_start3A_34, %dma_start3A_35] : memref<2x5x80xi32, #tpu.memory_space<vmem>> -> memref<1x5x80xi32, #tpu.memory_space<vmem>>
    %dma_start3A_37 = tpu.memref_squeeze %dma_start3A_36 : memref<1x5x80xi32, #tpu.memory_space<vmem>> -> memref<5x80xi32, #tpu.memory_space<vmem>>
    %dma_start3A_38 = arith.constant 0 : i32
    %dma_start3A_39 = arith.constant 0 : i32
    %dma_start3A_40 = tpu.memref_slice %arg4[%add3A, %dma_start3A_21, %dma_start3A_38, %dma_start3A_39] : memref<32x25x5x80xi32, #tpu.memory_space<hbm>> -> memref<1x1x5x80xi32, #tpu.memory_space<hbm>>
    %dma_start3A_41 = tpu.memref_squeeze %dma_start3A_40 : memref<1x1x5x80xi32, #tpu.memory_space<hbm>> -> memref<5x80xi32, #tpu.memory_space<hbm>>
    tpu.enqueue_dma source(%dma_start3A_41 : memref<5x80xi32, #tpu.memory_space<hbm>>) target(%dma_start3A_37 : memref<5x80xi32, #tpu.memory_space<vmem>>) target_semaphore(%dma_start3A_33 : memref<!tpu.dma_semaphore, #tpu.memory_space<semaphore_mem>>)
    %mul3A_42 = arith.constant 640 : i32
    %mul3A_43 = arith.muli %arg1, %mul3A_42 : i32
    "tpu.region"() ({
      %run_scoped3A = tpu.sem_alloc : memref<!tpu.dma_semaphore, #tpu.memory_space<semaphore_mem>>
      %dma_start3A_181 = arith.constant 0 : i32
      %dma_start3A_182 = tpu.memref_slice %arg10[%mul3A_43, %dma_start3A_181] : memref<10240x128xf32, #tpu.memory_space<vmem_shared>> -> memref<640x128xf32, #tpu.memory_space<vmem_shared>>
      %dma_start3A_183 = arith.constant 0 : i32
      %dma_start3A_184 = tpu.memref_slice %arg5[%mul3A_43, %dma_start3A_183] : memref<10240x128xf32, #tpu.memory_space<hbm>> -> memref<640x128xf32, #tpu.memory_space<hbm>>
      tpu.enqueue_dma source(%dma_start3A_184 : memref<640x128xf32, #tpu.memory_space<hbm>>) target(%dma_start3A_182 : memref<640x128xf32, #tpu.memory_space<vmem_shared>>) target_semaphore(%run_scoped3A : memref<!tpu.dma_semaphore, #tpu.memory_space<semaphore_mem>>)
      %dma_wait3A_185 = arith.constant 0 : i32
      %dma_wait3A_186 = tpu.memref_slice %arg10[%mul3A_43, %dma_wait3A_185] : memref<10240x128xf32, #tpu.memory_space<vmem_shared>> -> memref<640x128xf32, #tpu.memory_space<vmem_shared>>
      %dma_wait3A_187 = arith.constant 0 : i32
      %dma_wait3A_188 = tpu.memref_slice %arg5[%mul3A_43, %dma_wait3A_187] : memref<10240x128xf32, #tpu.memory_space<hbm>> -> memref<640x128xf32, #tpu.memory_space<hbm>>
      tpu.wait_dma2 semaphore(%run_scoped3A : memref<!tpu.dma_semaphore, #tpu.memory_space<semaphore_mem>>) src(%dma_wait3A_188 : memref<640x128xf32, #tpu.memory_space<hbm>>) dst(%dma_wait3A_186 : memref<640x128xf32, #tpu.memory_space<vmem_shared>>)
      tpu.yield
    }) : () -> ()
    %barrier3A = arith.constant 0 : index
    tpu.barrier barrier_id(%barrier3A)
    %dma_wait3A = arith.constant 0 : i32
    %dma_wait3A_44 = arith.constant 0 : i32
    %dma_wait3A_45 = arith.constant 0 : i32
    %dma_wait3A_46 = arith.constant 0 : i32
    %dma_wait3A_47 = arith.constant 0 : i32
    %dma_wait3A_48 = tpu.memref_slice %arg7[%dma_wait3A_44, %dma_wait3A_46, %dma_wait3A_47] : memref<2x5x80xi32, #tpu.memory_space<vmem>> -> memref<1x5x80xi32, #tpu.memory_space<vmem>>
    %dma_wait3A_49 = tpu.memref_squeeze %dma_wait3A_48 : memref<1x5x80xi32, #tpu.memory_space<vmem>> -> memref<5x80xi32, #tpu.memory_space<vmem>>
    %dma_wait3A_50 = arith.constant 0 : i32
    %dma_wait3A_51 = arith.constant 0 : i32
    %dma_wait3A_52 = tpu.memref_slice %arg3[%add3A, %dma_wait3A, %dma_wait3A_50, %dma_wait3A_51] : memref<32x25x5x80xi32, #tpu.memory_space<hbm>> -> memref<1x1x5x80xi32, #tpu.memory_space<hbm>>
    %dma_wait3A_53 = tpu.memref_squeeze %dma_wait3A_52 : memref<1x1x5x80xi32, #tpu.memory_space<hbm>> -> memref<5x80xi32, #tpu.memory_space<hbm>>
    %dma_wait3A_54 = tpu.memref_slice %arg11[%dma_wait3A_45] : memref<2x!tpu.dma_semaphore, #tpu.memory_space<semaphore_mem>> -> memref<1x!tpu.dma_semaphore, #tpu.memory_space<semaphore_mem>>
    %dma_wait3A_55 = tpu.memref_squeeze %dma_wait3A_54 : memref<1x!tpu.dma_semaphore, #tpu.memory_space<semaphore_mem>> -> memref<!tpu.dma_semaphore, #tpu.memory_space<semaphore_mem>>
    %dma_wait3A_56 = arith.constant 0 : i32
    %dma_wait3A_57 = arith.constant 0 : i32
    %dma_wait3A_58 = tpu.memref_slice %arg7[%dma_wait3A_44, %dma_wait3A_56, %dma_wait3A_57] : memref<2x5x80xi32, #tpu.memory_space<vmem>> -> memref<1x5x80xi32, #tpu.memory_space<vmem>>
    %dma_wait3A_59 = tpu.memref_squeeze %dma_wait3A_58 : memref<1x5x80xi32, #tpu.memory_space<vmem>> -> memref<5x80xi32, #tpu.memory_space<vmem>>
    %dma_wait3A_60 = arith.constant 0 : i32
    %dma_wait3A_61 = arith.constant 0 : i32
    %dma_wait3A_62 = tpu.memref_slice %arg3[%add3A, %dma_wait3A, %dma_wait3A_60, %dma_wait3A_61] : memref<32x25x5x80xi32, #tpu.memory_space<hbm>> -> memref<1x1x5x80xi32, #tpu.memory_space<hbm>>
    %dma_wait3A_63 = tpu.memref_squeeze %dma_wait3A_62 : memref<1x1x5x80xi32, #tpu.memory_space<hbm>> -> memref<5x80xi32, #tpu.memory_space<hbm>>
    tpu.wait_dma2 semaphore(%dma_wait3A_55 : memref<!tpu.dma_semaphore, #tpu.memory_space<semaphore_mem>>) src(%dma_wait3A_63 : memref<5x80xi32, #tpu.memory_space<hbm>>) dst(%dma_wait3A_59 : memref<5x80xi32, #tpu.memory_space<vmem>>)
    %dma_wait3A_64 = arith.constant 0 : i32
    %dma_wait3A_65 = arith.constant 0 : i32
    %dma_wait3A_66 = arith.constant 0 : i32
    %dma_wait3A_67 = arith.constant 0 : i32
    %dma_wait3A_68 = arith.constant 0 : i32
    %dma_wait3A_69 = tpu.memref_slice %arg8[%dma_wait3A_65, %dma_wait3A_67, %dma_wait3A_68] : memref<2x5x80xi32, #tpu.memory_space<vmem>> -> memref<1x5x80xi32, #tpu.memory_space<vmem>>
    %dma_wait3A_70 = tpu.memref_squeeze %dma_wait3A_69 : memref<1x5x80xi32, #tpu.memory_space<vmem>> -> memref<5x80xi32, #tpu.memory_space<vmem>>
    %dma_wait3A_71 = arith.constant 0 : i32
    %dma_wait3A_72 = arith.constant 0 : i32
    %dma_wait3A_73 = tpu.memref_slice %arg4[%add3A, %dma_wait3A_64, %dma_wait3A_71, %dma_wait3A_72] : memref<32x25x5x80xi32, #tpu.memory_space<hbm>> -> memref<1x1x5x80xi32, #tpu.memory_space<hbm>>
    %dma_wait3A_74 = tpu.memref_squeeze %dma_wait3A_73 : memref<1x1x5x80xi32, #tpu.memory_space<hbm>> -> memref<5x80xi32, #tpu.memory_space<hbm>>
    %dma_wait3A_75 = tpu.memref_slice %arg11[%dma_wait3A_66] : memref<2x!tpu.dma_semaphore, #tpu.memory_space<semaphore_mem>> -> memref<1x!tpu.dma_semaphore, #tpu.memory_space<semaphore_mem>>
    %dma_wait3A_76 = tpu.memref_squeeze %dma_wait3A_75 : memref<1x!tpu.dma_semaphore, #tpu.memory_space<semaphore_mem>> -> memref<!tpu.dma_semaphore, #tpu.memory_space<semaphore_mem>>
    %dma_wait3A_77 = arith.constant 0 : i32
    %dma_wait3A_78 = arith.constant 0 : i32
    %dma_wait3A_79 = tpu.memref_slice %arg8[%dma_wait3A_65, %dma_wait3A_77, %dma_wait3A_78] : memref<2x5x80xi32, #tpu.memory_space<vmem>> -> memref<1x5x80xi32, #tpu.memory_space<vmem>>
    %dma_wait3A_80 = tpu.memref_squeeze %dma_wait3A_79 : memref<1x5x80xi32, #tpu.memory_space<vmem>> -> memref<5x80xi32, #tpu.memory_space<vmem>>
    %dma_wait3A_81 = arith.constant 0 : i32
    %dma_wait3A_82 = arith.constant 0 : i32
    %dma_wait3A_83 = tpu.memref_slice %arg4[%add3A, %dma_wait3A_64, %dma_wait3A_81, %dma_wait3A_82] : memref<32x25x5x80xi32, #tpu.memory_space<hbm>> -> memref<1x1x5x80xi32, #tpu.memory_space<hbm>>
    %dma_wait3A_84 = tpu.memref_squeeze %dma_wait3A_83 : memref<1x1x5x80xi32, #tpu.memory_space<hbm>> -> memref<5x80xi32, #tpu.memory_space<hbm>>
    tpu.wait_dma2 semaphore(%dma_wait3A_76 : memref<!tpu.dma_semaphore, #tpu.memory_space<semaphore_mem>>) src(%dma_wait3A_84 : memref<5x80xi32, #tpu.memory_space<hbm>>) dst(%dma_wait3A_80 : memref<5x80xi32, #tpu.memory_space<vmem>>)
    %dma_start3A_85 = arith.constant 1 : i32
    %dma_start3A_86 = arith.constant 1 : i32
    %dma_start3A_87 = arith.constant 1 : i32
    %dma_start3A_88 = arith.constant 0 : i32
    %dma_start3A_89 = arith.constant 0 : i32
    %dma_start3A_90 = tpu.memref_slice %arg7[%dma_start3A_86, %dma_start3A_88, %dma_start3A_89] : memref<2x5x80xi32, #tpu.memory_space<vmem>> -> memref<1x5x80xi32, #tpu.memory_space<vmem>>
    %dma_start3A_91 = tpu.memref_squeeze %dma_start3A_90 : memref<1x5x80xi32, #tpu.memory_space<vmem>> -> memref<5x80xi32, #tpu.memory_space<vmem>>
    %dma_start3A_92 = arith.constant 0 : i32
    %dma_start3A_93 = arith.constant 0 : i32
    %dma_start3A_94 = tpu.memref_slice %arg3[%add3A, %dma_start3A_85, %dma_start3A_92, %dma_start3A_93] : memref<32x25x5x80xi32, #tpu.memory_space<hbm>> -> memref<1x1x5x80xi32, #tpu.memory_space<hbm>>
    %dma_start3A_95 = tpu.memref_squeeze %dma_start3A_94 : memref<1x1x5x80xi32, #tpu.memory_space<hbm>> -> memref<5x80xi32, #tpu.memory_space<hbm>>
    %dma_start3A_96 = tpu.memref_slice %arg11[%dma_start3A_87] : memref<2x!tpu.dma_semaphore, #tpu.memory_space<semaphore_mem>> -> memref<1x!tpu.dma_semaphore, #tpu.memory_space<semaphore_mem>>
    %dma_start3A_97 = tpu.memref_squeeze %dma_start3A_96 : memref<1x!tpu.dma_semaphore, #tpu.memory_space<semaphore_mem>> -> memref<!tpu.dma_semaphore, #tpu.memory_space<semaphore_mem>>
    %dma_start3A_98 = arith.constant 0 : i32
    %dma_start3A_99 = arith.constant 0 : i32
    %dma_start3A_100 = tpu.memref_slice %arg7[%dma_start3A_86, %dma_start3A_98, %dma_start3A_99] : memref<2x5x80xi32, #tpu.memory_space<vmem>> -> memref<1x5x80xi32, #tpu.memory_space<vmem>>
    %dma_start3A_101 = tpu.memref_squeeze %dma_start3A_100 : memref<1x5x80xi32, #tpu.memory_space<vmem>> -> memref<5x80xi32, #tpu.memory_space<vmem>>
    %dma_start3A_102 = arith.constant 0 : i32
    %dma_start3A_103 = arith.constant 0 : i32
    %dma_start3A_104 = tpu.memref_slice %arg3[%add3A, %dma_start3A_85, %dma_start3A_102, %dma_start3A_103] : memref<32x25x5x80xi32, #tpu.memory_space<hbm>> -> memref<1x1x5x80xi32, #tpu.memory_space<hbm>>
    %dma_start3A_105 = tpu.memref_squeeze %dma_start3A_104 : memref<1x1x5x80xi32, #tpu.memory_space<hbm>> -> memref<5x80xi32, #tpu.memory_space<hbm>>
    tpu.enqueue_dma source(%dma_start3A_105 : memref<5x80xi32, #tpu.memory_space<hbm>>) target(%dma_start3A_101 : memref<5x80xi32, #tpu.memory_space<vmem>>) target_semaphore(%dma_start3A_97 : memref<!tpu.dma_semaphore, #tpu.memory_space<semaphore_mem>>)
    %dma_start3A_106 = arith.constant 1 : i32
    %dma_start3A_107 = arith.constant 1 : i32
    %dma_start3A_108 = arith.constant 1 : i32
    %dma_start3A_109 = arith.constant 0 : i32
    %dma_start3A_110 = arith.constant 0 : i32
    %dma_start3A_111 = tpu.memref_slice %arg8[%dma_start3A_107, %dma_start3A_109, %dma_start3A_110] : memref<2x5x80xi32, #tpu.memory_space<vmem>> -> memref<1x5x80xi32, #tpu.memory_space<vmem>>
    %dma_start3A_112 = tpu.memref_squeeze %dma_start3A_111 : memref<1x5x80xi32, #tpu.memory_space<vmem>> -> memref<5x80xi32, #tpu.memory_space<vmem>>
    %dma_start3A_113 = arith.constant 0 : i32
    %dma_start3A_114 = arith.constant 0 : i32
    %dma_start3A_115 = tpu.memref_slice %arg4[%add3A, %dma_start3A_106, %dma_start3A_113, %dma_start3A_114] : memref<32x25x5x80xi32, #tpu.memory_space<hbm>> -> memref<1x1x5x80xi32, #tpu.memory_space<hbm>>
    %dma_start3A_116 = tpu.memref_squeeze %dma_start3A_115 : memref<1x1x5x80xi32, #tpu.memory_space<hbm>> -> memref<5x80xi32, #tpu.memory_space<hbm>>
    %dma_start3A_117 = tpu.memref_slice %arg11[%dma_start3A_108] : memref<2x!tpu.dma_semaphore, #tpu.memory_space<semaphore_mem>> -> memref<1x!tpu.dma_semaphore, #tpu.memory_space<semaphore_mem>>
    %dma_start3A_118 = tpu.memref_squeeze %dma_start3A_117 : memref<1x!tpu.dma_semaphore, #tpu.memory_space<semaphore_mem>> -> memref<!tpu.dma_semaphore, #tpu.memory_space<semaphore_mem>>
    %dma_start3A_119 = arith.constant 0 : i32
    %dma_start3A_120 = arith.constant 0 : i32
    %dma_start3A_121 = tpu.memref_slice %arg8[%dma_start3A_107, %dma_start3A_119, %dma_start3A_120] : memref<2x5x80xi32, #tpu.memory_space<vmem>> -> memref<1x5x80xi32, #tpu.memory_space<vmem>>
    %dma_start3A_122 = tpu.memref_squeeze %dma_start3A_121 : memref<1x5x80xi32, #tpu.memory_space<vmem>> -> memref<5x80xi32, #tpu.memory_space<vmem>>
    %dma_start3A_123 = arith.constant 0 : i32
    %dma_start3A_124 = arith.constant 0 : i32
    %dma_start3A_125 = tpu.memref_slice %arg4[%add3A, %dma_start3A_106, %dma_start3A_123, %dma_start3A_124] : memref<32x25x5x80xi32, #tpu.memory_space<hbm>> -> memref<1x1x5x80xi32, #tpu.memory_space<hbm>>
    %dma_start3A_126 = tpu.memref_squeeze %dma_start3A_125 : memref<1x1x5x80xi32, #tpu.memory_space<hbm>> -> memref<5x80xi32, #tpu.memory_space<hbm>>
    tpu.enqueue_dma source(%dma_start3A_126 : memref<5x80xi32, #tpu.memory_space<hbm>>) target(%dma_start3A_122 : memref<5x80xi32, #tpu.memory_space<vmem>>) target_semaphore(%dma_start3A_118 : memref<!tpu.dma_semaphore, #tpu.memory_space<semaphore_mem>>)
    %dma_start3A_127 = arith.constant 0 : i32
    %dma_start3A_128 = arith.constant 0 : i32
    %dma_start3A_129 = arith.constant 0 : i32
    %dma_start3A_130 = arith.constant 0 : i32
    %dma_start3A_131 = arith.constant 0 : i32
    %dma_start3A_132 = arith.constant 0 : i32
    %dma_start3A_133 = tpu.memref_slice %arg9[%dma_start3A_129, %dma_start3A_131, %dma_start3A_132] : memref<3x80x128xf32, #tpu.memory_space<vmem>> -> memref<1x80x128xf32, #tpu.memory_space<vmem>>
    %dma_start3A_134 = tpu.memref_squeeze %dma_start3A_133 : memref<1x80x128xf32, #tpu.memory_space<vmem>> -> memref<80x128xf32, #tpu.memory_space<vmem>>
    %dma_start3A_135 = arith.constant 0 : i32
    %dma_start3A_136 = tpu.memref_slice %arg7[%dma_start3A_127, %dma_start3A_128, %dma_start3A_135] : memref<2x5x80xi32, #tpu.memory_space<vmem>> -> memref<1x1x80xi32, #tpu.memory_space<vmem>>
    %dma_start3A_137 = tpu.memref_squeeze %dma_start3A_136 : memref<1x1x80xi32, #tpu.memory_space<vmem>> -> memref<80xi32, #tpu.memory_space<vmem>>
    %dma_start3A_138 = arith.constant 0 : i32
    %dma_start3A_139 = arith.constant 0 : i32
    %dma_start3A_140 = tpu.memref_slice %arg2[%dma_start3A_138, %dma_start3A_139] : memref<10240x128xf32, #tpu.memory_space<hbm>> -> memref<10240x128xf32, #tpu.memory_space<hbm>>
    %dma_start3A_141 = tpu.memref_slice %arg12[%dma_start3A_130] : memref<3x!tpu.dma_semaphore, #tpu.memory_space<semaphore_mem>> -> memref<1x!tpu.dma_semaphore, #tpu.memory_space<semaphore_mem>>
    %dma_start3A_142 = tpu.memref_squeeze %dma_start3A_141 : memref<1x!tpu.dma_semaphore, #tpu.memory_space<semaphore_mem>> -> memref<!tpu.dma_semaphore, #tpu.memory_space<semaphore_mem>>
    tpu.enqueue_indirect_dma source(%dma_start3A_140 : memref<10240x128xf32, #tpu.memory_space<hbm>>) target(%dma_start3A_134 : memref<80x128xf32, #tpu.memory_space<vmem>>) offsets(%dma_start3A_137 : memref<80xi32, #tpu.memory_space<vmem>>) semaphore(%dma_start3A_142 : memref<!tpu.dma_semaphore, #tpu.memory_space<semaphore_mem>>)
    %dma_start3A_143 = arith.constant 0 : i32
    %dma_start3A_144 = arith.constant 1 : i32
    %dma_start3A_145 = arith.constant 1 : i32
    %dma_start3A_146 = arith.constant 1 : i32
    %dma_start3A_147 = arith.constant 0 : i32
    %dma_start3A_148 = arith.constant 0 : i32
    %dma_start3A_149 = tpu.memref_slice %arg9[%dma_start3A_145, %dma_start3A_147, %dma_start3A_148] : memref<3x80x128xf32, #tpu.memory_space<vmem>> -> memref<1x80x128xf32, #tpu.memory_space<vmem>>
    %dma_start3A_150 = tpu.memref_squeeze %dma_start3A_149 : memref<1x80x128xf32, #tpu.memory_space<vmem>> -> memref<80x128xf32, #tpu.memory_space<vmem>>
    %dma_start3A_151 = arith.constant 0 : i32
    %dma_start3A_152 = tpu.memref_slice %arg7[%dma_start3A_143, %dma_start3A_144, %dma_start3A_151] : memref<2x5x80xi32, #tpu.memory_space<vmem>> -> memref<1x1x80xi32, #tpu.memory_space<vmem>>
    %dma_start3A_153 = tpu.memref_squeeze %dma_start3A_152 : memref<1x1x80xi32, #tpu.memory_space<vmem>> -> memref<80xi32, #tpu.memory_space<vmem>>
    %dma_start3A_154 = arith.constant 0 : i32
    %dma_start3A_155 = arith.constant 0 : i32
    %dma_start3A_156 = tpu.memref_slice %arg2[%dma_start3A_154, %dma_start3A_155] : memref<10240x128xf32, #tpu.memory_space<hbm>> -> memref<10240x128xf32, #tpu.memory_space<hbm>>
    %dma_start3A_157 = tpu.memref_slice %arg12[%dma_start3A_146] : memref<3x!tpu.dma_semaphore, #tpu.memory_space<semaphore_mem>> -> memref<1x!tpu.dma_semaphore, #tpu.memory_space<semaphore_mem>>
    %dma_start3A_158 = tpu.memref_squeeze %dma_start3A_157 : memref<1x!tpu.dma_semaphore, #tpu.memory_space<semaphore_mem>> -> memref<!tpu.dma_semaphore, #tpu.memory_space<semaphore_mem>>
    tpu.enqueue_indirect_dma source(%dma_start3A_156 : memref<10240x128xf32, #tpu.memory_space<hbm>>) target(%dma_start3A_150 : memref<80x128xf32, #tpu.memory_space<vmem>>) offsets(%dma_start3A_153 : memref<80xi32, #tpu.memory_space<vmem>>) semaphore(%dma_start3A_158 : memref<!tpu.dma_semaphore, #tpu.memory_space<semaphore_mem>>)
    %scan3A = arith.constant 0 : i32
    %scan3A_159 = arith.constant 0 : i32
    %scan3A_160 = arith.constant 125 : i32
    %scan3A_161 = arith.addi %scan3A_159, %scan3A_160 : i32
    %scan3A_162 = arith.constant 1 : i32
    scf.for %scan3A_181 = %scan3A_159 to %scan3A_161 step %scan3A_162  : i32 {
      %jit3A = arith.constant 3 : i32
      %eq3A = arith.constant 0 : i32
      %eq3A_182 = arith.cmpi eq, %jit3A, %eq3A : i32
      %jit3A_183 = arith.constant 1 : i32
      %select_n3A = arith.select %eq3A_182, %jit3A_183, %jit3A : i32
      %rem3A = arith.remsi %scan3A_181, %select_n3A : i32
      %ne3A = arith.constant 0 : i32
      %ne3A_184 = arith.cmpi ne, %rem3A, %ne3A : i32
      %lt3A = arith.constant 0 : i32
      %lt3A_185 = arith.cmpi slt, %rem3A, %lt3A : i32
      %lt3A_186 = arith.constant 0 : i32
      %lt3A_187 = arith.cmpi slt, %select_n3A, %lt3A_186 : i32
      %ne3A_188 = arith.xori %lt3A_185, %lt3A_187 : i1
      %and3A = arith.andi %ne3A_188, %ne3A_184 : i1
      %add3A_189 = arith.addi %rem3A, %select_n3A : i32
      %select_n3A_190 = arith.select %and3A, %add3A_189, %rem3A : i32
      %jit3A_191 = arith.constant 5 : i32
      %div3A = arith.divsi %scan3A_181, %jit3A_191 : i32
      %sign3A = arith.constant 0 : i32
      %sign3A_192 = arith.cmpi sgt, %scan3A_181, %sign3A : i32
      %sign3A_193 = arith.extui %sign3A_192 : i1 to i32
      %sign3A_194 = arith.constant 0 : i32
      %sign3A_195 = arith.cmpi slt, %scan3A_181, %sign3A_194 : i32
      %sign3A_196 = arith.extui %sign3A_195 : i1 to i32
      %sign3A_197 = arith.subi %sign3A_193, %sign3A_196 : i32
      %sign3A_198 = arith.constant 0 : i32
      %sign3A_199 = arith.cmpi sgt, %jit3A_191, %sign3A_198 : i32
      %sign3A_200 = arith.extui %sign3A_199 : i1 to i32
      %sign3A_201 = arith.constant 0 : i32
      %sign3A_202 = arith.cmpi slt, %jit3A_191, %sign3A_201 : i32
      %sign3A_203 = arith.extui %sign3A_202 : i1 to i32
      %sign3A_204 = arith.subi %sign3A_200, %sign3A_203 : i32
      %ne3A_205 = arith.cmpi ne, %sign3A_197, %sign3A_204 : i32
      %rem3A_206 = arith.remsi %scan3A_181, %jit3A_191 : i32
      %ne3A_207 = arith.constant 0 : i32
      %ne3A_208 = arith.cmpi ne, %rem3A_206, %ne3A_207 : i32
      %and3A_209 = arith.andi %ne3A_205, %ne3A_208 : i1
      %sub3A = arith.constant 1 : i32
      %sub3A_210 = arith.subi %div3A, %sub3A : i32
      %select_n3A_211 = arith.select %and3A_209, %sub3A_210, %div3A : i32
      %jit3A_212 = arith.constant 2 : i32
      %eq3A_213 = arith.constant 0 : i32
      %eq3A_214 = arith.cmpi eq, %jit3A_212, %eq3A_213 : i32
      %jit3A_215 = arith.constant 1 : i32
      %select_n3A_216 = arith.select %eq3A_214, %jit3A_215, %jit3A_212 : i32
      %rem3A_217 = arith.remsi %select_n3A_211, %select_n3A_216 : i32
      %ne3A_218 = arith.constant 0 : i32
      %ne3A_219 = arith.cmpi ne, %rem3A_217, %ne3A_218 : i32
      %lt3A_220 = arith.constant 0 : i32
      %lt3A_221 = arith.cmpi slt, %rem3A_217, %lt3A_220 : i32
      %lt3A_222 = arith.constant 0 : i32
      %lt3A_223 = arith.cmpi slt, %select_n3A_216, %lt3A_222 : i32
      %ne3A_224 = arith.xori %lt3A_221, %lt3A_223 : i1
      %and3A_225 = arith.andi %ne3A_224, %ne3A_219 : i1
      %add3A_226 = arith.addi %rem3A_217, %select_n3A_216 : i32
      %select_n3A_227 = arith.select %and3A_225, %add3A_226, %rem3A_217 : i32
      %mul3A_228 = arith.constant 5 : i32
      %mul3A_229 = arith.muli %select_n3A_211, %mul3A_228 : i32
      %sub3A_230 = arith.subi %scan3A_181, %mul3A_229 : i32
      %dma_wait3A_231 = arith.constant 0 : i32
      %dma_wait3A_232 = arith.constant 0 : i32
      %dma_wait3A_233 = tpu.memref_slice %arg9[%select_n3A_190, %dma_wait3A_231, %dma_wait3A_232] : memref<3x80x128xf32, #tpu.memory_space<vmem>> -> memref<1x80x128xf32, #tpu.memory_space<vmem>>
      %dma_wait3A_234 = tpu.memref_squeeze %dma_wait3A_233 : memref<1x80x128xf32, #tpu.memory_space<vmem>> -> memref<80x128xf32, #tpu.memory_space<vmem>>
      %dma_wait3A_235 = arith.constant 0 : i32
      %dma_wait3A_236 = tpu.memref_slice %arg7[%select_n3A_227, %sub3A_230, %dma_wait3A_235] : memref<2x5x80xi32, #tpu.memory_space<vmem>> -> memref<1x1x80xi32, #tpu.memory_space<vmem>>
      %dma_wait3A_237 = tpu.memref_squeeze %dma_wait3A_236 : memref<1x1x80xi32, #tpu.memory_space<vmem>> -> memref<80xi32, #tpu.memory_space<vmem>>
      %dma_wait3A_238 = arith.constant 0 : i32
      %dma_wait3A_239 = arith.constant 0 : i32
      %dma_wait3A_240 = tpu.memref_slice %arg2[%dma_wait3A_238, %dma_wait3A_239] : memref<10240x128xf32, #tpu.memory_space<hbm>> -> memref<10240x128xf32, #tpu.memory_space<hbm>>
      %dma_wait3A_241 = tpu.memref_slice %arg12[%select_n3A_190] : memref<3x!tpu.dma_semaphore, #tpu.memory_space<semaphore_mem>> -> memref<1x!tpu.dma_semaphore, #tpu.memory_space<semaphore_mem>>
      %dma_wait3A_242 = tpu.memref_squeeze %dma_wait3A_241 : memref<1x!tpu.dma_semaphore, #tpu.memory_space<semaphore_mem>> -> memref<!tpu.dma_semaphore, #tpu.memory_space<semaphore_mem>>
      tpu.wait_indirect_dma semaphore(%dma_wait3A_242 : memref<!tpu.dma_semaphore, #tpu.memory_space<semaphore_mem>>) src(%dma_wait3A_240 : memref<10240x128xf32, #tpu.memory_space<hbm>>) dst(%dma_wait3A_234 : memref<80x128xf32, #tpu.memory_space<vmem>>)
      %gt3A = arith.constant 0 : i32
      %gt3A_243 = arith.cmpi sgt, %scan3A_181, %gt3A : i32
      %convert_element_type3A = arith.extui %gt3A_243 : i1 to i32
      %cond3A = arith.constant 0 : i32
      %cond3A_244 = arith.cmpi ne, %convert_element_type3A, %cond3A : i32
      scf.if %cond3A_244 {
        %add3A_277 = arith.constant 2 : i32
        %add3A_278 = arith.addi %scan3A_181, %add3A_277 : i32
        %jit3A_279 = arith.constant 3 : i32
        %eq3A_280 = arith.constant 0 : i32
        %eq3A_281 = arith.cmpi eq, %jit3A_279, %eq3A_280 : i32
        %jit3A_282 = arith.constant 1 : i32
        %select_n3A_283 = arith.select %eq3A_281, %jit3A_282, %jit3A_279 : i32
        %rem3A_284 = arith.remsi %add3A_278, %select_n3A_283 : i32
        %ne3A_285 = arith.constant 0 : i32
        %ne3A_286 = arith.cmpi ne, %rem3A_284, %ne3A_285 : i32
        %lt3A_287 = arith.constant 0 : i32
        %lt3A_288 = arith.cmpi slt, %rem3A_284, %lt3A_287 : i32
        %lt3A_289 = arith.constant 0 : i32
        %lt3A_290 = arith.cmpi slt, %select_n3A_283, %lt3A_289 : i32
        %ne3A_291 = arith.xori %lt3A_288, %lt3A_290 : i1
        %and3A_292 = arith.andi %ne3A_291, %ne3A_286 : i1
        %add3A_293 = arith.addi %rem3A_284, %select_n3A_283 : i32
        %select_n3A_294 = arith.select %and3A_292, %add3A_293, %rem3A_284 : i32
        %add3A_295 = arith.constant 2 : i32
        %add3A_296 = arith.addi %scan3A_181, %add3A_295 : i32
        %jit3A_297 = arith.constant 3 : i32
        %eq3A_298 = arith.constant 0 : i32
        %eq3A_299 = arith.cmpi eq, %jit3A_297, %eq3A_298 : i32
        %jit3A_300 = arith.constant 1 : i32
        %select_n3A_301 = arith.select %eq3A_299, %jit3A_300, %jit3A_297 : i32
        %rem3A_302 = arith.remsi %add3A_296, %select_n3A_301 : i32
        %ne3A_303 = arith.constant 0 : i32
        %ne3A_304 = arith.cmpi ne, %rem3A_302, %ne3A_303 : i32
        %lt3A_305 = arith.constant 0 : i32
        %lt3A_306 = arith.cmpi slt, %rem3A_302, %lt3A_305 : i32
        %lt3A_307 = arith.constant 0 : i32
        %lt3A_308 = arith.cmpi slt, %select_n3A_301, %lt3A_307 : i32
        %ne3A_309 = arith.xori %lt3A_306, %lt3A_308 : i1
        %and3A_310 = arith.andi %ne3A_309, %ne3A_304 : i1
        %add3A_311 = arith.addi %rem3A_302, %select_n3A_301 : i32
        %select_n3A_312 = arith.select %and3A_310, %add3A_311, %rem3A_302 : i32
        %dma_wait3A_313 = arith.constant 0 : i32
        %dma_wait3A_314 = arith.constant 0 : i32
        %dma_wait3A_315 = tpu.memref_slice %arg9[%select_n3A_294, %dma_wait3A_313, %dma_wait3A_314] : memref<3x80x128xf32, #tpu.memory_space<vmem>> -> memref<1x80x128xf32, #tpu.memory_space<vmem>>
        %dma_wait3A_316 = tpu.memref_squeeze %dma_wait3A_315 : memref<1x80x128xf32, #tpu.memory_space<vmem>> -> memref<80x128xf32, #tpu.memory_space<vmem>>
        %dma_wait3A_317 = arith.constant 0 : i32
        %dma_wait3A_318 = tpu.memref_slice %arg8[%select_n3A_227, %sub3A_230, %dma_wait3A_317] : memref<2x5x80xi32, #tpu.memory_space<vmem>> -> memref<1x1x80xi32, #tpu.memory_space<vmem>>
        %dma_wait3A_319 = tpu.memref_squeeze %dma_wait3A_318 : memref<1x1x80xi32, #tpu.memory_space<vmem>> -> memref<80xi32, #tpu.memory_space<vmem>>
        %dma_wait3A_320 = arith.constant 0 : i32
        %dma_wait3A_321 = arith.constant 0 : i32
        %dma_wait3A_322 = tpu.memref_slice %arg10[%dma_wait3A_320, %dma_wait3A_321] : memref<10240x128xf32, #tpu.memory_space<vmem_shared>> -> memref<10240x128xf32, #tpu.memory_space<vmem_shared>>
        %dma_wait3A_323 = tpu.memref_slice %arg13[%select_n3A_312] : memref<3x!tpu.dma_semaphore, #tpu.memory_space<semaphore_mem>> -> memref<1x!tpu.dma_semaphore, #tpu.memory_space<semaphore_mem>>
        %dma_wait3A_324 = tpu.memref_squeeze %dma_wait3A_323 : memref<1x!tpu.dma_semaphore, #tpu.memory_space<semaphore_mem>> -> memref<!tpu.dma_semaphore, #tpu.memory_space<semaphore_mem>>
        tpu.wait_indirect_dma semaphore(%dma_wait3A_324 : memref<!tpu.dma_semaphore, #tpu.memory_space<semaphore_mem>>) src(%dma_wait3A_316 : memref<80x128xf32, #tpu.memory_space<vmem>>) dst(%dma_wait3A_322 : memref<10240x128xf32, #tpu.memory_space<vmem_shared>>)
      } else {
      }
      %dma_start3A_245 = arith.constant 0 : i32
      %dma_start3A_246 = arith.constant 0 : i32
      %dma_start3A_247 = tpu.memref_slice %arg9[%select_n3A_190, %dma_start3A_245, %dma_start3A_246] : memref<3x80x128xf32, #tpu.memory_space<vmem>> -> memref<1x80x128xf32, #tpu.memory_space<vmem>>
      %dma_start3A_248 = tpu.memref_squeeze %dma_start3A_247 : memref<1x80x128xf32, #tpu.memory_space<vmem>> -> memref<80x128xf32, #tpu.memory_space<vmem>>
      %dma_start3A_249 = arith.constant 0 : i32
      %dma_start3A_250 = tpu.memref_slice %arg8[%select_n3A_227, %sub3A_230, %dma_start3A_249] : memref<2x5x80xi32, #tpu.memory_space<vmem>> -> memref<1x1x80xi32, #tpu.memory_space<vmem>>
      %dma_start3A_251 = tpu.memref_squeeze %dma_start3A_250 : memref<1x1x80xi32, #tpu.memory_space<vmem>> -> memref<80xi32, #tpu.memory_space<vmem>>
      %dma_start3A_252 = arith.constant 0 : i32
      %dma_start3A_253 = arith.constant 0 : i32
      %dma_start3A_254 = tpu.memref_slice %arg10[%dma_start3A_252, %dma_start3A_253] : memref<10240x128xf32, #tpu.memory_space<vmem_shared>> -> memref<10240x128xf32, #tpu.memory_space<vmem_shared>>
      %dma_start3A_255 = tpu.memref_slice %arg13[%select_n3A_190] : memref<3x!tpu.dma_semaphore, #tpu.memory_space<semaphore_mem>> -> memref<1x!tpu.dma_semaphore, #tpu.memory_space<semaphore_mem>>
      %dma_start3A_256 = tpu.memref_squeeze %dma_start3A_255 : memref<1x!tpu.dma_semaphore, #tpu.memory_space<semaphore_mem>> -> memref<!tpu.dma_semaphore, #tpu.memory_space<semaphore_mem>>
      tpu.enqueue_indirect_dma source(%dma_start3A_248 : memref<80x128xf32, #tpu.memory_space<vmem>>) target(%dma_start3A_254 : memref<10240x128xf32, #tpu.memory_space<vmem_shared>>) offsets(%dma_start3A_251 : memref<80xi32, #tpu.memory_space<vmem>>) semaphore(%dma_start3A_256 : memref<!tpu.dma_semaphore, #tpu.memory_space<semaphore_mem>>) {add = true}
      %eq3A_257 = arith.constant 0 : i32
      %eq3A_258 = arith.cmpi eq, %sub3A_230, %eq3A_257 : i32
      %gt3A_259 = arith.constant 0 : i32
      %gt3A_260 = arith.cmpi sgt, %scan3A_181, %gt3A_259 : i32
      %add3A_261 = arith.constant 1 : i32
      %add3A_262 = arith.addi %select_n3A_211, %add3A_261 : i32
      %lt3A_263 = arith.constant 25 : i32
      %lt3A_264 = arith.cmpi slt, %add3A_262, %lt3A_263 : i32
      %and3A_265 = arith.andi %gt3A_260, %lt3A_264 : i1
      %and3A_266 = arith.andi %eq3A_258, %and3A_265 : i1
      %convert_element_type3A_267 = arith.extui %and3A_266 : i1 to i32
      %cond3A_268 = arith.constant 0 : i32
      %cond3A_269 = arith.cmpi ne, %convert_element_type3A_267, %cond3A_268 : i32
      scf.if %cond3A_269 {
        %add3A_277 = arith.constant 1 : i32
        %add3A_278 = arith.addi %select_n3A_211, %add3A_277 : i32
        %jit3A_279 = arith.constant 2 : i32
        %eq3A_280 = arith.constant 0 : i32
        %eq3A_281 = arith.cmpi eq, %jit3A_279, %eq3A_280 : i32
        %jit3A_282 = arith.constant 1 : i32
        %select_n3A_283 = arith.select %eq3A_281, %jit3A_282, %jit3A_279 : i32
        %rem3A_284 = arith.remsi %add3A_278, %select_n3A_283 : i32
        %ne3A_285 = arith.constant 0 : i32
        %ne3A_286 = arith.cmpi ne, %rem3A_284, %ne3A_285 : i32
        %lt3A_287 = arith.constant 0 : i32
        %lt3A_288 = arith.cmpi slt, %rem3A_284, %lt3A_287 : i32
        %lt3A_289 = arith.constant 0 : i32
        %lt3A_290 = arith.cmpi slt, %select_n3A_283, %lt3A_289 : i32
        %ne3A_291 = arith.xori %lt3A_288, %lt3A_290 : i1
        %and3A_292 = arith.andi %ne3A_291, %ne3A_286 : i1
        %add3A_293 = arith.addi %rem3A_284, %select_n3A_283 : i32
        %select_n3A_294 = arith.select %and3A_292, %add3A_293, %rem3A_284 : i32
        %add3A_295 = arith.constant 1 : i32
        %add3A_296 = arith.addi %select_n3A_211, %add3A_295 : i32
        %dma_start3A_297 = arith.constant 0 : i32
        %dma_start3A_298 = arith.constant 0 : i32
        %dma_start3A_299 = tpu.memref_slice %arg7[%select_n3A_294, %dma_start3A_297, %dma_start3A_298] : memref<2x5x80xi32, #tpu.memory_space<vmem>> -> memref<1x5x80xi32, #tpu.memory_space<vmem>>
        %dma_start3A_300 = tpu.memref_squeeze %dma_start3A_299 : memref<1x5x80xi32, #tpu.memory_space<vmem>> -> memref<5x80xi32, #tpu.memory_space<vmem>>
        %dma_start3A_301 = arith.constant 0 : i32
        %dma_start3A_302 = arith.constant 0 : i32
        %dma_start3A_303 = tpu.memref_slice %arg3[%add3A, %add3A_296, %dma_start3A_301, %dma_start3A_302] : memref<32x25x5x80xi32, #tpu.memory_space<hbm>> -> memref<1x1x5x80xi32, #tpu.memory_space<hbm>>
        %dma_start3A_304 = tpu.memref_squeeze %dma_start3A_303 : memref<1x1x5x80xi32, #tpu.memory_space<hbm>> -> memref<5x80xi32, #tpu.memory_space<hbm>>
        %dma_start3A_305 = tpu.memref_slice %arg11[%select_n3A_294] : memref<2x!tpu.dma_semaphore, #tpu.memory_space<semaphore_mem>> -> memref<1x!tpu.dma_semaphore, #tpu.memory_space<semaphore_mem>>
        %dma_start3A_306 = tpu.memref_squeeze %dma_start3A_305 : memref<1x!tpu.dma_semaphore, #tpu.memory_space<semaphore_mem>> -> memref<!tpu.dma_semaphore, #tpu.memory_space<semaphore_mem>>
        %dma_start3A_307 = arith.constant 0 : i32
        %dma_start3A_308 = arith.constant 0 : i32
        %dma_start3A_309 = tpu.memref_slice %arg7[%select_n3A_294, %dma_start3A_307, %dma_start3A_308] : memref<2x5x80xi32, #tpu.memory_space<vmem>> -> memref<1x5x80xi32, #tpu.memory_space<vmem>>
        %dma_start3A_310 = tpu.memref_squeeze %dma_start3A_309 : memref<1x5x80xi32, #tpu.memory_space<vmem>> -> memref<5x80xi32, #tpu.memory_space<vmem>>
        %dma_start3A_311 = arith.constant 0 : i32
        %dma_start3A_312 = arith.constant 0 : i32
        %dma_start3A_313 = tpu.memref_slice %arg3[%add3A, %add3A_296, %dma_start3A_311, %dma_start3A_312] : memref<32x25x5x80xi32, #tpu.memory_space<hbm>> -> memref<1x1x5x80xi32, #tpu.memory_space<hbm>>
        %dma_start3A_314 = tpu.memref_squeeze %dma_start3A_313 : memref<1x1x5x80xi32, #tpu.memory_space<hbm>> -> memref<5x80xi32, #tpu.memory_space<hbm>>
        tpu.enqueue_dma source(%dma_start3A_314 : memref<5x80xi32, #tpu.memory_space<hbm>>) target(%dma_start3A_310 : memref<5x80xi32, #tpu.memory_space<vmem>>) target_semaphore(%dma_start3A_306 : memref<!tpu.dma_semaphore, #tpu.memory_space<semaphore_mem>>)
        %add3A_315 = arith.constant 1 : i32
        %add3A_316 = arith.addi %select_n3A_211, %add3A_315 : i32
        %dma_start3A_317 = arith.constant 0 : i32
        %dma_start3A_318 = arith.constant 0 : i32
        %dma_start3A_319 = tpu.memref_slice %arg8[%select_n3A_294, %dma_start3A_317, %dma_start3A_318] : memref<2x5x80xi32, #tpu.memory_space<vmem>> -> memref<1x5x80xi32, #tpu.memory_space<vmem>>
        %dma_start3A_320 = tpu.memref_squeeze %dma_start3A_319 : memref<1x5x80xi32, #tpu.memory_space<vmem>> -> memref<5x80xi32, #tpu.memory_space<vmem>>
        %dma_start3A_321 = arith.constant 0 : i32
        %dma_start3A_322 = arith.constant 0 : i32
        %dma_start3A_323 = tpu.memref_slice %arg4[%add3A, %add3A_316, %dma_start3A_321, %dma_start3A_322] : memref<32x25x5x80xi32, #tpu.memory_space<hbm>> -> memref<1x1x5x80xi32, #tpu.memory_space<hbm>>
        %dma_start3A_324 = tpu.memref_squeeze %dma_start3A_323 : memref<1x1x5x80xi32, #tpu.memory_space<hbm>> -> memref<5x80xi32, #tpu.memory_space<hbm>>
        %dma_start3A_325 = tpu.memref_slice %arg11[%select_n3A_294] : memref<2x!tpu.dma_semaphore, #tpu.memory_space<semaphore_mem>> -> memref<1x!tpu.dma_semaphore, #tpu.memory_space<semaphore_mem>>
        %dma_start3A_326 = tpu.memref_squeeze %dma_start3A_325 : memref<1x!tpu.dma_semaphore, #tpu.memory_space<semaphore_mem>> -> memref<!tpu.dma_semaphore, #tpu.memory_space<semaphore_mem>>
        %dma_start3A_327 = arith.constant 0 : i32
        %dma_start3A_328 = arith.constant 0 : i32
        %dma_start3A_329 = tpu.memref_slice %arg8[%select_n3A_294, %dma_start3A_327, %dma_start3A_328] : memref<2x5x80xi32, #tpu.memory_space<vmem>> -> memref<1x5x80xi32, #tpu.memory_space<vmem>>
        %dma_start3A_330 = tpu.memref_squeeze %dma_start3A_329 : memref<1x5x80xi32, #tpu.memory_space<vmem>> -> memref<5x80xi32, #tpu.memory_space<vmem>>
        %dma_start3A_331 = arith.constant 0 : i32
        %dma_start3A_332 = arith.constant 0 : i32
        %dma_start3A_333 = tpu.memref_slice %arg4[%add3A, %add3A_316, %dma_start3A_331, %dma_start3A_332] : memref<32x25x5x80xi32, #tpu.memory_space<hbm>> -> memref<1x1x5x80xi32, #tpu.memory_space<hbm>>
        %dma_start3A_334 = tpu.memref_squeeze %dma_start3A_333 : memref<1x1x5x80xi32, #tpu.memory_space<hbm>> -> memref<5x80xi32, #tpu.memory_space<hbm>>
        tpu.enqueue_dma source(%dma_start3A_334 : memref<5x80xi32, #tpu.memory_space<hbm>>) target(%dma_start3A_330 : memref<5x80xi32, #tpu.memory_space<vmem>>) target_semaphore(%dma_start3A_326 : memref<!tpu.dma_semaphore, #tpu.memory_space<semaphore_mem>>)
      } else {
      }
      %add3A_270 = arith.constant 2 : i32
      %add3A_271 = arith.addi %scan3A_181, %add3A_270 : i32
      %lt3A_272 = arith.constant 125 : i32
      %lt3A_273 = arith.cmpi slt, %add3A_271, %lt3A_272 : i32
      %convert_element_type3A_274 = arith.extui %lt3A_273 : i1 to i32
      %cond3A_275 = arith.constant 0 : i32
      %cond3A_276 = arith.cmpi ne, %convert_element_type3A_274, %cond3A_275 : i32
      scf.if %cond3A_276 {
        %jit3A_277 = arith.constant 5 : i32
        %div3A_278 = arith.divsi %add3A_271, %jit3A_277 : i32
        %sign3A_279 = arith.constant 0 : i32
        %sign3A_280 = arith.cmpi sgt, %add3A_271, %sign3A_279 : i32
        %sign3A_281 = arith.extui %sign3A_280 : i1 to i32
        %sign3A_282 = arith.constant 0 : i32
        %sign3A_283 = arith.cmpi slt, %add3A_271, %sign3A_282 : i32
        %sign3A_284 = arith.extui %sign3A_283 : i1 to i32
        %sign3A_285 = arith.subi %sign3A_281, %sign3A_284 : i32
        %sign3A_286 = arith.constant 0 : i32
        %sign3A_287 = arith.cmpi sgt, %jit3A_277, %sign3A_286 : i32
        %sign3A_288 = arith.extui %sign3A_287 : i1 to i32
        %sign3A_289 = arith.constant 0 : i32
        %sign3A_290 = arith.cmpi slt, %jit3A_277, %sign3A_289 : i32
        %sign3A_291 = arith.extui %sign3A_290 : i1 to i32
        %sign3A_292 = arith.subi %sign3A_288, %sign3A_291 : i32
        %ne3A_293 = arith.cmpi ne, %sign3A_285, %sign3A_292 : i32
        %rem3A_294 = arith.remsi %add3A_271, %jit3A_277 : i32
        %ne3A_295 = arith.constant 0 : i32
        %ne3A_296 = arith.cmpi ne, %rem3A_294, %ne3A_295 : i32
        %and3A_297 = arith.andi %ne3A_293, %ne3A_296 : i1
        %sub3A_298 = arith.constant 1 : i32
        %sub3A_299 = arith.subi %div3A_278, %sub3A_298 : i32
        %select_n3A_300 = arith.select %and3A_297, %sub3A_299, %div3A_278 : i32
        %jit3A_301 = arith.constant 2 : i32
        %eq3A_302 = arith.constant 0 : i32
        %eq3A_303 = arith.cmpi eq, %jit3A_301, %eq3A_302 : i32
        %jit3A_304 = arith.constant 1 : i32
        %select_n3A_305 = arith.select %eq3A_303, %jit3A_304, %jit3A_301 : i32
        %rem3A_306 = arith.remsi %select_n3A_300, %select_n3A_305 : i32
        %ne3A_307 = arith.constant 0 : i32
        %ne3A_308 = arith.cmpi ne, %rem3A_306, %ne3A_307 : i32
        %lt3A_309 = arith.constant 0 : i32
        %lt3A_310 = arith.cmpi slt, %rem3A_306, %lt3A_309 : i32
        %lt3A_311 = arith.constant 0 : i32
        %lt3A_312 = arith.cmpi slt, %select_n3A_305, %lt3A_311 : i32
        %ne3A_313 = arith.xori %lt3A_310, %lt3A_312 : i1
        %and3A_314 = arith.andi %ne3A_313, %ne3A_308 : i1
        %add3A_315 = arith.addi %rem3A_306, %select_n3A_305 : i32
        %select_n3A_316 = arith.select %and3A_314, %add3A_315, %rem3A_306 : i32
        %mul3A_317 = arith.constant 5 : i32
        %mul3A_318 = arith.muli %select_n3A_300, %mul3A_317 : i32
        %sub3A_319 = arith.subi %add3A_271, %mul3A_318 : i32
        %eq3A_320 = arith.constant 0 : i32
        %eq3A_321 = arith.cmpi eq, %sub3A_319, %eq3A_320 : i32
        %convert_element_type3A_322 = arith.extui %eq3A_321 : i1 to i32
        %cond3A_323 = arith.constant 0 : i32
        %cond3A_324 = arith.cmpi ne, %convert_element_type3A_322, %cond3A_323 : i32
        scf.if %cond3A_324 {
          %dma_wait3A_369 = arith.constant 0 : i32
          %dma_wait3A_370 = arith.constant 0 : i32
          %dma_wait3A_371 = tpu.memref_slice %arg7[%select_n3A_316, %dma_wait3A_369, %dma_wait3A_370] : memref<2x5x80xi32, #tpu.memory_space<vmem>> -> memref<1x5x80xi32, #tpu.memory_space<vmem>>
          %dma_wait3A_372 = tpu.memref_squeeze %dma_wait3A_371 : memref<1x5x80xi32, #tpu.memory_space<vmem>> -> memref<5x80xi32, #tpu.memory_space<vmem>>
          %dma_wait3A_373 = arith.constant 0 : i32
          %dma_wait3A_374 = arith.constant 0 : i32
          %dma_wait3A_375 = tpu.memref_slice %arg3[%add3A, %select_n3A_300, %dma_wait3A_373, %dma_wait3A_374] : memref<32x25x5x80xi32, #tpu.memory_space<hbm>> -> memref<1x1x5x80xi32, #tpu.memory_space<hbm>>
          %dma_wait3A_376 = tpu.memref_squeeze %dma_wait3A_375 : memref<1x1x5x80xi32, #tpu.memory_space<hbm>> -> memref<5x80xi32, #tpu.memory_space<hbm>>
          %dma_wait3A_377 = tpu.memref_slice %arg11[%select_n3A_316] : memref<2x!tpu.dma_semaphore, #tpu.memory_space<semaphore_mem>> -> memref<1x!tpu.dma_semaphore, #tpu.memory_space<semaphore_mem>>
          %dma_wait3A_378 = tpu.memref_squeeze %dma_wait3A_377 : memref<1x!tpu.dma_semaphore, #tpu.memory_space<semaphore_mem>> -> memref<!tpu.dma_semaphore, #tpu.memory_space<semaphore_mem>>
          %dma_wait3A_379 = arith.constant 0 : i32
          %dma_wait3A_380 = arith.constant 0 : i32
          %dma_wait3A_381 = tpu.memref_slice %arg7[%select_n3A_316, %dma_wait3A_379, %dma_wait3A_380] : memref<2x5x80xi32, #tpu.memory_space<vmem>> -> memref<1x5x80xi32, #tpu.memory_space<vmem>>
          %dma_wait3A_382 = tpu.memref_squeeze %dma_wait3A_381 : memref<1x5x80xi32, #tpu.memory_space<vmem>> -> memref<5x80xi32, #tpu.memory_space<vmem>>
          %dma_wait3A_383 = arith.constant 0 : i32
          %dma_wait3A_384 = arith.constant 0 : i32
          %dma_wait3A_385 = tpu.memref_slice %arg3[%add3A, %select_n3A_300, %dma_wait3A_383, %dma_wait3A_384] : memref<32x25x5x80xi32, #tpu.memory_space<hbm>> -> memref<1x1x5x80xi32, #tpu.memory_space<hbm>>
          %dma_wait3A_386 = tpu.memref_squeeze %dma_wait3A_385 : memref<1x1x5x80xi32, #tpu.memory_space<hbm>> -> memref<5x80xi32, #tpu.memory_space<hbm>>
          tpu.wait_dma2 semaphore(%dma_wait3A_378 : memref<!tpu.dma_semaphore, #tpu.memory_space<semaphore_mem>>) src(%dma_wait3A_386 : memref<5x80xi32, #tpu.memory_space<hbm>>) dst(%dma_wait3A_382 : memref<5x80xi32, #tpu.memory_space<vmem>>)
          %dma_wait3A_387 = arith.constant 0 : i32
          %dma_wait3A_388 = arith.constant 0 : i32
          %dma_wait3A_389 = tpu.memref_slice %arg8[%select_n3A_316, %dma_wait3A_387, %dma_wait3A_388] : memref<2x5x80xi32, #tpu.memory_space<vmem>> -> memref<1x5x80xi32, #tpu.memory_space<vmem>>
          %dma_wait3A_390 = tpu.memref_squeeze %dma_wait3A_389 : memref<1x5x80xi32, #tpu.memory_space<vmem>> -> memref<5x80xi32, #tpu.memory_space<vmem>>
          %dma_wait3A_391 = arith.constant 0 : i32
          %dma_wait3A_392 = arith.constant 0 : i32
          %dma_wait3A_393 = tpu.memref_slice %arg4[%add3A, %select_n3A_300, %dma_wait3A_391, %dma_wait3A_392] : memref<32x25x5x80xi32, #tpu.memory_space<hbm>> -> memref<1x1x5x80xi32, #tpu.memory_space<hbm>>
          %dma_wait3A_394 = tpu.memref_squeeze %dma_wait3A_393 : memref<1x1x5x80xi32, #tpu.memory_space<hbm>> -> memref<5x80xi32, #tpu.memory_space<hbm>>
          %dma_wait3A_395 = tpu.memref_slice %arg11[%select_n3A_316] : memref<2x!tpu.dma_semaphore, #tpu.memory_space<semaphore_mem>> -> memref<1x!tpu.dma_semaphore, #tpu.memory_space<semaphore_mem>>
          %dma_wait3A_396 = tpu.memref_squeeze %dma_wait3A_395 : memref<1x!tpu.dma_semaphore, #tpu.memory_space<semaphore_mem>> -> memref<!tpu.dma_semaphore, #tpu.memory_space<semaphore_mem>>
          %dma_wait3A_397 = arith.constant 0 : i32
          %dma_wait3A_398 = arith.constant 0 : i32
          %dma_wait3A_399 = tpu.memref_slice %arg8[%select_n3A_316, %dma_wait3A_397, %dma_wait3A_398] : memref<2x5x80xi32, #tpu.memory_space<vmem>> -> memref<1x5x80xi32, #tpu.memory_space<vmem>>
          %dma_wait3A_400 = tpu.memref_squeeze %dma_wait3A_399 : memref<1x5x80xi32, #tpu.memory_space<vmem>> -> memref<5x80xi32, #tpu.memory_space<vmem>>
          %dma_wait3A_401 = arith.constant 0 : i32
          %dma_wait3A_402 = arith.constant 0 : i32
          %dma_wait3A_403 = tpu.memref_slice %arg4[%add3A, %select_n3A_300, %dma_wait3A_401, %dma_wait3A_402] : memref<32x25x5x80xi32, #tpu.memory_space<hbm>> -> memref<1x1x5x80xi32, #tpu.memory_space<hbm>>
          %dma_wait3A_404 = tpu.memref_squeeze %dma_wait3A_403 : memref<1x1x5x80xi32, #tpu.memory_space<hbm>> -> memref<5x80xi32, #tpu.memory_space<hbm>>
          tpu.wait_dma2 semaphore(%dma_wait3A_396 : memref<!tpu.dma_semaphore, #tpu.memory_space<semaphore_mem>>) src(%dma_wait3A_404 : memref<5x80xi32, #tpu.memory_space<hbm>>) dst(%dma_wait3A_400 : memref<5x80xi32, #tpu.memory_space<vmem>>)
        } else {
        }
        %jit3A_325 = arith.constant 3 : i32
        %eq3A_326 = arith.constant 0 : i32
        %eq3A_327 = arith.cmpi eq, %jit3A_325, %eq3A_326 : i32
        %jit3A_328 = arith.constant 1 : i32
        %select_n3A_329 = arith.select %eq3A_327, %jit3A_328, %jit3A_325 : i32
        %rem3A_330 = arith.remsi %add3A_271, %select_n3A_329 : i32
        %ne3A_331 = arith.constant 0 : i32
        %ne3A_332 = arith.cmpi ne, %rem3A_330, %ne3A_331 : i32
        %lt3A_333 = arith.constant 0 : i32
        %lt3A_334 = arith.cmpi slt, %rem3A_330, %lt3A_333 : i32
        %lt3A_335 = arith.constant 0 : i32
        %lt3A_336 = arith.cmpi slt, %select_n3A_329, %lt3A_335 : i32
        %ne3A_337 = arith.xori %lt3A_334, %lt3A_336 : i1
        %and3A_338 = arith.andi %ne3A_337, %ne3A_332 : i1
        %add3A_339 = arith.addi %rem3A_330, %select_n3A_329 : i32
        %select_n3A_340 = arith.select %and3A_338, %add3A_339, %rem3A_330 : i32
        %jit3A_341 = arith.constant 3 : i32
        %eq3A_342 = arith.constant 0 : i32
        %eq3A_343 = arith.cmpi eq, %jit3A_341, %eq3A_342 : i32
        %jit3A_344 = arith.constant 1 : i32
        %select_n3A_345 = arith.select %eq3A_343, %jit3A_344, %jit3A_341 : i32
        %rem3A_346 = arith.remsi %add3A_271, %select_n3A_345 : i32
        %ne3A_347 = arith.constant 0 : i32
        %ne3A_348 = arith.cmpi ne, %rem3A_346, %ne3A_347 : i32
        %lt3A_349 = arith.constant 0 : i32
        %lt3A_350 = arith.cmpi slt, %rem3A_346, %lt3A_349 : i32
        %lt3A_351 = arith.constant 0 : i32
        %lt3A_352 = arith.cmpi slt, %select_n3A_345, %lt3A_351 : i32
        %ne3A_353 = arith.xori %lt3A_350, %lt3A_352 : i1
        %and3A_354 = arith.andi %ne3A_353, %ne3A_348 : i1
        %add3A_355 = arith.addi %rem3A_346, %select_n3A_345 : i32
        %select_n3A_356 = arith.select %and3A_354, %add3A_355, %rem3A_346 : i32
        %dma_start3A_357 = arith.constant 0 : i32
        %dma_start3A_358 = arith.constant 0 : i32
        %dma_start3A_359 = tpu.memref_slice %arg9[%select_n3A_340, %dma_start3A_357, %dma_start3A_358] : memref<3x80x128xf32, #tpu.memory_space<vmem>> -> memref<1x80x128xf32, #tpu.memory_space<vmem>>
        %dma_start3A_360 = tpu.memref_squeeze %dma_start3A_359 : memref<1x80x128xf32, #tpu.memory_space<vmem>> -> memref<80x128xf32, #tpu.memory_space<vmem>>
        %dma_start3A_361 = arith.constant 0 : i32
        %dma_start3A_362 = tpu.memref_slice %arg7[%select_n3A_316, %sub3A_319, %dma_start3A_361] : memref<2x5x80xi32, #tpu.memory_space<vmem>> -> memref<1x1x80xi32, #tpu.memory_space<vmem>>
        %dma_start3A_363 = tpu.memref_squeeze %dma_start3A_362 : memref<1x1x80xi32, #tpu.memory_space<vmem>> -> memref<80xi32, #tpu.memory_space<vmem>>
        %dma_start3A_364 = arith.constant 0 : i32
        %dma_start3A_365 = arith.constant 0 : i32
        %dma_start3A_366 = tpu.memref_slice %arg2[%dma_start3A_364, %dma_start3A_365] : memref<10240x128xf32, #tpu.memory_space<hbm>> -> memref<10240x128xf32, #tpu.memory_space<hbm>>
        %dma_start3A_367 = tpu.memref_slice %arg12[%select_n3A_356] : memref<3x!tpu.dma_semaphore, #tpu.memory_space<semaphore_mem>> -> memref<1x!tpu.dma_semaphore, #tpu.memory_space<semaphore_mem>>
        %dma_start3A_368 = tpu.memref_squeeze %dma_start3A_367 : memref<1x!tpu.dma_semaphore, #tpu.memory_space<semaphore_mem>> -> memref<!tpu.dma_semaphore, #tpu.memory_space<semaphore_mem>>
        tpu.enqueue_indirect_dma source(%dma_start3A_366 : memref<10240x128xf32, #tpu.memory_space<hbm>>) target(%dma_start3A_360 : memref<80x128xf32, #tpu.memory_space<vmem>>) offsets(%dma_start3A_363 : memref<80xi32, #tpu.memory_space<vmem>>) semaphore(%dma_start3A_368 : memref<!tpu.dma_semaphore, #tpu.memory_space<semaphore_mem>>)
      } else {
      }
    }
    %scan3A_163 = arith.constant 125 : i32
    %dma_wait3A_164 = arith.constant 1 : i32
    %dma_wait3A_165 = arith.constant 0 : i32
    %dma_wait3A_166 = arith.constant 0 : i32
    %dma_wait3A_167 = arith.constant 1 : i32
    %dma_wait3A_168 = arith.constant 0 : i32
    %dma_wait3A_169 = arith.constant 0 : i32
    %dma_wait3A_170 = tpu.memref_slice %arg9[%dma_wait3A_164, %dma_wait3A_168, %dma_wait3A_169] : memref<3x80x128xf32, #tpu.memory_space<vmem>> -> memref<1x80x128xf32, #tpu.memory_space<vmem>>
    %dma_wait3A_171 = tpu.memref_squeeze %dma_wait3A_170 : memref<1x80x128xf32, #tpu.memory_space<vmem>> -> memref<80x128xf32, #tpu.memory_space<vmem>>
    %dma_wait3A_172 = arith.constant 0 : i32
    %dma_wait3A_173 = tpu.memref_slice %arg8[%dma_wait3A_165, %dma_wait3A_166, %dma_wait3A_172] : memref<2x5x80xi32, #tpu.memory_space<vmem>> -> memref<1x1x80xi32, #tpu.memory_space<vmem>>
    %dma_wait3A_174 = tpu.memref_squeeze %dma_wait3A_173 : memref<1x1x80xi32, #tpu.memory_space<vmem>> -> memref<80xi32, #tpu.memory_space<vmem>>
    %dma_wait3A_175 = arith.constant 0 : i32
    %dma_wait3A_176 = arith.constant 0 : i32
    %dma_wait3A_177 = tpu.memref_slice %arg10[%dma_wait3A_175, %dma_wait3A_176] : memref<10240x128xf32, #tpu.memory_space<vmem_shared>> -> memref<10240x128xf32, #tpu.memory_space<vmem_shared>>
    %dma_wait3A_178 = tpu.memref_slice %arg13[%dma_wait3A_167] : memref<3x!tpu.dma_semaphore, #tpu.memory_space<semaphore_mem>> -> memref<1x!tpu.dma_semaphore, #tpu.memory_space<semaphore_mem>>
    %dma_wait3A_179 = tpu.memref_squeeze %dma_wait3A_178 : memref<1x!tpu.dma_semaphore, #tpu.memory_space<semaphore_mem>> -> memref<!tpu.dma_semaphore, #tpu.memory_space<semaphore_mem>>
    tpu.wait_indirect_dma semaphore(%dma_wait3A_179 : memref<!tpu.dma_semaphore, #tpu.memory_space<semaphore_mem>>) src(%dma_wait3A_171 : memref<80x128xf32, #tpu.memory_space<vmem>>) dst(%dma_wait3A_177 : memref<10240x128xf32, #tpu.memory_space<vmem_shared>>)
    %barrier3A_180 = arith.constant 0 : index
    tpu.barrier barrier_id(%barrier3A_180)
    "tpu.region"() ({
      %run_scoped3A = tpu.sem_alloc : memref<!tpu.dma_semaphore, #tpu.memory_space<semaphore_mem>>
      %dma_start3A_181 = arith.constant 0 : i32
      %dma_start3A_182 = tpu.memref_slice %arg6[%arg0, %mul3A_43, %dma_start3A_181] : memref<2x10240x128xf32, #tpu.memory_space<hbm>> -> memref<1x640x128xf32, #tpu.memory_space<hbm>>
      %dma_start3A_183 = tpu.memref_squeeze %dma_start3A_182 : memref<1x640x128xf32, #tpu.memory_space<hbm>> -> memref<640x128xf32, #tpu.memory_space<hbm>>
      %dma_start3A_184 = arith.constant 0 : i32
      %dma_start3A_185 = tpu.memref_slice %arg10[%mul3A_43, %dma_start3A_184] : memref<10240x128xf32, #tpu.memory_space<vmem_shared>> -> memref<640x128xf32, #tpu.memory_space<vmem_shared>>
      tpu.enqueue_dma source(%dma_start3A_185 : memref<640x128xf32, #tpu.memory_space<vmem_shared>>) target(%dma_start3A_183 : memref<640x128xf32, #tpu.memory_space<hbm>>) target_semaphore(%run_scoped3A : memref<!tpu.dma_semaphore, #tpu.memory_space<semaphore_mem>>)
      %dma_wait3A_186 = arith.constant 0 : i32
      %dma_wait3A_187 = tpu.memref_slice %arg6[%arg0, %mul3A_43, %dma_wait3A_186] : memref<2x10240x128xf32, #tpu.memory_space<hbm>> -> memref<1x640x128xf32, #tpu.memory_space<hbm>>
      %dma_wait3A_188 = tpu.memref_squeeze %dma_wait3A_187 : memref<1x640x128xf32, #tpu.memory_space<hbm>> -> memref<640x128xf32, #tpu.memory_space<hbm>>
      %dma_wait3A_189 = arith.constant 0 : i32
      %dma_wait3A_190 = tpu.memref_slice %arg10[%mul3A_43, %dma_wait3A_189] : memref<10240x128xf32, #tpu.memory_space<vmem_shared>> -> memref<640x128xf32, #tpu.memory_space<vmem_shared>>
      tpu.wait_dma2 semaphore(%run_scoped3A : memref<!tpu.dma_semaphore, #tpu.memory_space<semaphore_mem>>) src(%dma_wait3A_190 : memref<640x128xf32, #tpu.memory_space<vmem_shared>>) dst(%dma_wait3A_188 : memref<640x128xf32, #tpu.memory_space<hbm>>)
      tpu.yield
    }) : () -> ()
    return
  }
}

#map = affine_map<(d0, d1) -> (0, 0)>
#map1 = affine_map<(d0, d1) -> (0, 0, 0, 0)>
#map2 = affine_map<(d0, d1) -> (0, 0, 0)>
module attributes {stable_mosaic.version = 14 : i64} {
  func.func @_sc_aggregate(%arg0: i32, %arg1: i32, %arg2: memref<10240x128xf32, #tpu.memory_space<hbm>>, %arg3: memref<32x25x5x80xi32, #tpu.memory_space<hbm>>, %arg4: memref<32x25x5x80xi32, #tpu.memory_space<hbm>>, %arg5: memref<10240x128xf32, #tpu.memory_space<hbm>>, %arg6: memref<2x10240x128xf32, #tpu.memory_space<hbm>>, %arg7: memref<2x5x80xi32, #tpu.memory_space<vmem>>, %arg8: memref<2x5x80xi32, #tpu.memory_space<vmem>>, %arg9: memref<3x80x128xf32, #tpu.memory_space<vmem>>, %arg10: memref<10240x128xf32, #tpu.memory_space<vmem_shared>>, %arg11: memref<2x!tpu.dma_semaphore, #tpu.memory_space<semaphore_mem>>, %arg12: memref<3x!tpu.dma_semaphore, #tpu.memory_space<semaphore_mem>>, %arg13: memref<3x!tpu.dma_semaphore, #tpu.memory_space<semaphore_mem>>) attributes {dimension_semantics = [#tpu.dimension_semantics<core_parallel>, #tpu.dimension_semantics<subcore_parallel>], iteration_bounds = array<i64: 2, 16>, scalar_prefetch = 0 : i64, scratch_operands = 7 : i64, tpu.core_type = #tpu.core_type<sc_vector_subcore>, window_params = [{transform_indices = #map}, {transform_indices = #map1}, {transform_indices = #map1}, {transform_indices = #map}, {transform_indices = #map2}]} {
    %mul3A = arith.constant 16 : i32
    %mul3A_0 = arith.muli %arg0, %mul3A : i32
    %add3A = arith.addi %mul3A_0, %arg1 : i32
    %dma_start3A = arith.constant 0 : i32
    %dma_start3A_1 = arith.constant 0 : i32
    %dma_start3A_2 = arith.constant 0 : i32
    %dma_start3A_3 = arith.constant 0 : i32
    %dma_start3A_4 = arith.constant 0 : i32
    %dma_start3A_5 = tpu.memref_slice %arg7[%dma_start3A_1, %dma_start3A_3, %dma_start3A_4] : memref<2x5x80xi32, #tpu.memory_space<vmem>> -> memref<1x5x80xi32, #tpu.memory_space<vmem>>
    %dma_start3A_6 = tpu.memref_squeeze %dma_start3A_5 : memref<1x5x80xi32, #tpu.memory_space<vmem>> -> memref<5x80xi32, #tpu.memory_space<vmem>>
    %dma_start3A_7 = arith.constant 0 : i32
    %dma_start3A_8 = arith.constant 0 : i32
    %dma_start3A_9 = tpu.memref_slice %arg3[%add3A, %dma_start3A, %dma_start3A_7, %dma_start3A_8] : memref<32x25x5x80xi32, #tpu.memory_space<hbm>> -> memref<1x1x5x80xi32, #tpu.memory_space<hbm>>
    %dma_start3A_10 = tpu.memref_squeeze %dma_start3A_9 : memref<1x1x5x80xi32, #tpu.memory_space<hbm>> -> memref<5x80xi32, #tpu.memory_space<hbm>>
    %dma_start3A_11 = tpu.memref_slice %arg11[%dma_start3A_2] : memref<2x!tpu.dma_semaphore, #tpu.memory_space<semaphore_mem>> -> memref<1x!tpu.dma_semaphore, #tpu.memory_space<semaphore_mem>>
    %dma_start3A_12 = tpu.memref_squeeze %dma_start3A_11 : memref<1x!tpu.dma_semaphore, #tpu.memory_space<semaphore_mem>> -> memref<!tpu.dma_semaphore, #tpu.memory_space<semaphore_mem>>
    %dma_start3A_13 = arith.constant 0 : i32
    %dma_start3A_14 = arith.constant 0 : i32
    %dma_start3A_15 = tpu.memref_slice %arg7[%dma_start3A_1, %dma_start3A_13, %dma_start3A_14] : memref<2x5x80xi32, #tpu.memory_space<vmem>> -> memref<1x5x80xi32, #tpu.memory_space<vmem>>
    %dma_start3A_16 = tpu.memref_squeeze %dma_start3A_15 : memref<1x5x80xi32, #tpu.memory_space<vmem>> -> memref<5x80xi32, #tpu.memory_space<vmem>>
    %dma_start3A_17 = arith.constant 0 : i32
    %dma_start3A_18 = arith.constant 0 : i32
    %dma_start3A_19 = tpu.memref_slice %arg3[%add3A, %dma_start3A, %dma_start3A_17, %dma_start3A_18] : memref<32x25x5x80xi32, #tpu.memory_space<hbm>> -> memref<1x1x5x80xi32, #tpu.memory_space<hbm>>
    %dma_start3A_20 = tpu.memref_squeeze %dma_start3A_19 : memref<1x1x5x80xi32, #tpu.memory_space<hbm>> -> memref<5x80xi32, #tpu.memory_space<hbm>>
    tpu.enqueue_dma source(%dma_start3A_20 : memref<5x80xi32, #tpu.memory_space<hbm>>) target(%dma_start3A_16 : memref<5x80xi32, #tpu.memory_space<vmem>>) target_semaphore(%dma_start3A_12 : memref<!tpu.dma_semaphore, #tpu.memory_space<semaphore_mem>>)
    %dma_start3A_21 = arith.constant 0 : i32
    %dma_start3A_22 = arith.constant 0 : i32
    %dma_start3A_23 = arith.constant 0 : i32
    %dma_start3A_24 = arith.constant 0 : i32
    %dma_start3A_25 = arith.constant 0 : i32
    %dma_start3A_26 = tpu.memref_slice %arg8[%dma_start3A_22, %dma_start3A_24, %dma_start3A_25] : memref<2x5x80xi32, #tpu.memory_space<vmem>> -> memref<1x5x80xi32, #tpu.memory_space<vmem>>
    %dma_start3A_27 = tpu.memref_squeeze %dma_start3A_26 : memref<1x5x80xi32, #tpu.memory_space<vmem>> -> memref<5x80xi32, #tpu.memory_space<vmem>>
    %dma_start3A_28 = arith.constant 0 : i32
    %dma_start3A_29 = arith.constant 0 : i32
    %dma_start3A_30 = tpu.memref_slice %arg4[%add3A, %dma_start3A_21, %dma_start3A_28, %dma_start3A_29] : memref<32x25x5x80xi32, #tpu.memory_space<hbm>> -> memref<1x1x5x80xi32, #tpu.memory_space<hbm>>
    %dma_start3A_31 = tpu.memref_squeeze %dma_start3A_30 : memref<1x1x5x80xi32, #tpu.memory_space<hbm>> -> memref<5x80xi32, #tpu.memory_space<hbm>>
    %dma_start3A_32 = tpu.memref_slice %arg11[%dma_start3A_23] : memref<2x!tpu.dma_semaphore, #tpu.memory_space<semaphore_mem>> -> memref<1x!tpu.dma_semaphore, #tpu.memory_space<semaphore_mem>>
    %dma_start3A_33 = tpu.memref_squeeze %dma_start3A_32 : memref<1x!tpu.dma_semaphore, #tpu.memory_space<semaphore_mem>> -> memref<!tpu.dma_semaphore, #tpu.memory_space<semaphore_mem>>
    %dma_start3A_34 = arith.constant 0 : i32
    %dma_start3A_35 = arith.constant 0 : i32
    %dma_start3A_36 = tpu.memref_slice %arg8[%dma_start3A_22, %dma_start3A_34, %dma_start3A_35] : memref<2x5x80xi32, #tpu.memory_space<vmem>> -> memref<1x5x80xi32, #tpu.memory_space<vmem>>
    %dma_start3A_37 = tpu.memref_squeeze %dma_start3A_36 : memref<1x5x80xi32, #tpu.memory_space<vmem>> -> memref<5x80xi32, #tpu.memory_space<vmem>>
    %dma_start3A_38 = arith.constant 0 : i32
    %dma_start3A_39 = arith.constant 0 : i32
    %dma_start3A_40 = tpu.memref_slice %arg4[%add3A, %dma_start3A_21, %dma_start3A_38, %dma_start3A_39] : memref<32x25x5x80xi32, #tpu.memory_space<hbm>> -> memref<1x1x5x80xi32, #tpu.memory_space<hbm>>
    %dma_start3A_41 = tpu.memref_squeeze %dma_start3A_40 : memref<1x1x5x80xi32, #tpu.memory_space<hbm>> -> memref<5x80xi32, #tpu.memory_space<hbm>>
    tpu.enqueue_dma source(%dma_start3A_41 : memref<5x80xi32, #tpu.memory_space<hbm>>) target(%dma_start3A_37 : memref<5x80xi32, #tpu.memory_space<vmem>>) target_semaphore(%dma_start3A_33 : memref<!tpu.dma_semaphore, #tpu.memory_space<semaphore_mem>>)
    %mul3A_42 = arith.constant 640 : i32
    %mul3A_43 = arith.muli %arg1, %mul3A_42 : i32
    "tpu.region"() ({
      %run_scoped3A = tpu.sem_alloc : memref<!tpu.dma_semaphore, #tpu.memory_space<semaphore_mem>>
      %dma_start3A_181 = arith.constant 0 : i32
      %dma_start3A_182 = tpu.memref_slice %arg10[%mul3A_43, %dma_start3A_181] : memref<10240x128xf32, #tpu.memory_space<vmem_shared>> -> memref<640x128xf32, #tpu.memory_space<vmem_shared>>
      %dma_start3A_183 = arith.constant 0 : i32
      %dma_start3A_184 = tpu.memref_slice %arg5[%mul3A_43, %dma_start3A_183] : memref<10240x128xf32, #tpu.memory_space<hbm>> -> memref<640x128xf32, #tpu.memory_space<hbm>>
      tpu.enqueue_dma source(%dma_start3A_184 : memref<640x128xf32, #tpu.memory_space<hbm>>) target(%dma_start3A_182 : memref<640x128xf32, #tpu.memory_space<vmem_shared>>) target_semaphore(%run_scoped3A : memref<!tpu.dma_semaphore, #tpu.memory_space<semaphore_mem>>)
      %dma_wait3A_185 = arith.constant 0 : i32
      %dma_wait3A_186 = tpu.memref_slice %arg10[%mul3A_43, %dma_wait3A_185] : memref<10240x128xf32, #tpu.memory_space<vmem_shared>> -> memref<640x128xf32, #tpu.memory_space<vmem_shared>>
      %dma_wait3A_187 = arith.constant 0 : i32
      %dma_wait3A_188 = tpu.memref_slice %arg5[%mul3A_43, %dma_wait3A_187] : memref<10240x128xf32, #tpu.memory_space<hbm>> -> memref<640x128xf32, #tpu.memory_space<hbm>>
      tpu.wait_dma2 semaphore(%run_scoped3A : memref<!tpu.dma_semaphore, #tpu.memory_space<semaphore_mem>>) src(%dma_wait3A_188 : memref<640x128xf32, #tpu.memory_space<hbm>>) dst(%dma_wait3A_186 : memref<640x128xf32, #tpu.memory_space<vmem_shared>>)
      tpu.yield
    }) : () -> ()
    %barrier3A = arith.constant 0 : index
    tpu.barrier barrier_id(%barrier3A)
    %dma_wait3A = arith.constant 0 : i32
    %dma_wait3A_44 = arith.constant 0 : i32
    %dma_wait3A_45 = arith.constant 0 : i32
    %dma_wait3A_46 = arith.constant 0 : i32
    %dma_wait3A_47 = arith.constant 0 : i32
    %dma_wait3A_48 = tpu.memref_slice %arg7[%dma_wait3A_44, %dma_wait3A_46, %dma_wait3A_47] : memref<2x5x80xi32, #tpu.memory_space<vmem>> -> memref<1x5x80xi32, #tpu.memory_space<vmem>>
    %dma_wait3A_49 = tpu.memref_squeeze %dma_wait3A_48 : memref<1x5x80xi32, #tpu.memory_space<vmem>> -> memref<5x80xi32, #tpu.memory_space<vmem>>
    %dma_wait3A_50 = arith.constant 0 : i32
    %dma_wait3A_51 = arith.constant 0 : i32
    %dma_wait3A_52 = tpu.memref_slice %arg3[%add3A, %dma_wait3A, %dma_wait3A_50, %dma_wait3A_51] : memref<32x25x5x80xi32, #tpu.memory_space<hbm>> -> memref<1x1x5x80xi32, #tpu.memory_space<hbm>>
    %dma_wait3A_53 = tpu.memref_squeeze %dma_wait3A_52 : memref<1x1x5x80xi32, #tpu.memory_space<hbm>> -> memref<5x80xi32, #tpu.memory_space<hbm>>
    %dma_wait3A_54 = tpu.memref_slice %arg11[%dma_wait3A_45] : memref<2x!tpu.dma_semaphore, #tpu.memory_space<semaphore_mem>> -> memref<1x!tpu.dma_semaphore, #tpu.memory_space<semaphore_mem>>
    %dma_wait3A_55 = tpu.memref_squeeze %dma_wait3A_54 : memref<1x!tpu.dma_semaphore, #tpu.memory_space<semaphore_mem>> -> memref<!tpu.dma_semaphore, #tpu.memory_space<semaphore_mem>>
    %dma_wait3A_56 = arith.constant 0 : i32
    %dma_wait3A_57 = arith.constant 0 : i32
    %dma_wait3A_58 = tpu.memref_slice %arg7[%dma_wait3A_44, %dma_wait3A_56, %dma_wait3A_57] : memref<2x5x80xi32, #tpu.memory_space<vmem>> -> memref<1x5x80xi32, #tpu.memory_space<vmem>>
    %dma_wait3A_59 = tpu.memref_squeeze %dma_wait3A_58 : memref<1x5x80xi32, #tpu.memory_space<vmem>> -> memref<5x80xi32, #tpu.memory_space<vmem>>
    %dma_wait3A_60 = arith.constant 0 : i32
    %dma_wait3A_61 = arith.constant 0 : i32
    %dma_wait3A_62 = tpu.memref_slice %arg3[%add3A, %dma_wait3A, %dma_wait3A_60, %dma_wait3A_61] : memref<32x25x5x80xi32, #tpu.memory_space<hbm>> -> memref<1x1x5x80xi32, #tpu.memory_space<hbm>>
    %dma_wait3A_63 = tpu.memref_squeeze %dma_wait3A_62 : memref<1x1x5x80xi32, #tpu.memory_space<hbm>> -> memref<5x80xi32, #tpu.memory_space<hbm>>
    tpu.wait_dma2 semaphore(%dma_wait3A_55 : memref<!tpu.dma_semaphore, #tpu.memory_space<semaphore_mem>>) src(%dma_wait3A_63 : memref<5x80xi32, #tpu.memory_space<hbm>>) dst(%dma_wait3A_59 : memref<5x80xi32, #tpu.memory_space<vmem>>)
    %dma_wait3A_64 = arith.constant 0 : i32
    %dma_wait3A_65 = arith.constant 0 : i32
    %dma_wait3A_66 = arith.constant 0 : i32
    %dma_wait3A_67 = arith.constant 0 : i32
    %dma_wait3A_68 = arith.constant 0 : i32
    %dma_wait3A_69 = tpu.memref_slice %arg8[%dma_wait3A_65, %dma_wait3A_67, %dma_wait3A_68] : memref<2x5x80xi32, #tpu.memory_space<vmem>> -> memref<1x5x80xi32, #tpu.memory_space<vmem>>
    %dma_wait3A_70 = tpu.memref_squeeze %dma_wait3A_69 : memref<1x5x80xi32, #tpu.memory_space<vmem>> -> memref<5x80xi32, #tpu.memory_space<vmem>>
    %dma_wait3A_71 = arith.constant 0 : i32
    %dma_wait3A_72 = arith.constant 0 : i32
    %dma_wait3A_73 = tpu.memref_slice %arg4[%add3A, %dma_wait3A_64, %dma_wait3A_71, %dma_wait3A_72] : memref<32x25x5x80xi32, #tpu.memory_space<hbm>> -> memref<1x1x5x80xi32, #tpu.memory_space<hbm>>
    %dma_wait3A_74 = tpu.memref_squeeze %dma_wait3A_73 : memref<1x1x5x80xi32, #tpu.memory_space<hbm>> -> memref<5x80xi32, #tpu.memory_space<hbm>>
    %dma_wait3A_75 = tpu.memref_slice %arg11[%dma_wait3A_66] : memref<2x!tpu.dma_semaphore, #tpu.memory_space<semaphore_mem>> -> memref<1x!tpu.dma_semaphore, #tpu.memory_space<semaphore_mem>>
    %dma_wait3A_76 = tpu.memref_squeeze %dma_wait3A_75 : memref<1x!tpu.dma_semaphore, #tpu.memory_space<semaphore_mem>> -> memref<!tpu.dma_semaphore, #tpu.memory_space<semaphore_mem>>
    %dma_wait3A_77 = arith.constant 0 : i32
    %dma_wait3A_78 = arith.constant 0 : i32
    %dma_wait3A_79 = tpu.memref_slice %arg8[%dma_wait3A_65, %dma_wait3A_77, %dma_wait3A_78] : memref<2x5x80xi32, #tpu.memory_space<vmem>> -> memref<1x5x80xi32, #tpu.memory_space<vmem>>
    %dma_wait3A_80 = tpu.memref_squeeze %dma_wait3A_79 : memref<1x5x80xi32, #tpu.memory_space<vmem>> -> memref<5x80xi32, #tpu.memory_space<vmem>>
    %dma_wait3A_81 = arith.constant 0 : i32
    %dma_wait3A_82 = arith.constant 0 : i32
    %dma_wait3A_83 = tpu.memref_slice %arg4[%add3A, %dma_wait3A_64, %dma_wait3A_81, %dma_wait3A_82] : memref<32x25x5x80xi32, #tpu.memory_space<hbm>> -> memref<1x1x5x80xi32, #tpu.memory_space<hbm>>
    %dma_wait3A_84 = tpu.memref_squeeze %dma_wait3A_83 : memref<1x1x5x80xi32, #tpu.memory_space<hbm>> -> memref<5x80xi32, #tpu.memory_space<hbm>>
    tpu.wait_dma2 semaphore(%dma_wait3A_76 : memref<!tpu.dma_semaphore, #tpu.memory_space<semaphore_mem>>) src(%dma_wait3A_84 : memref<5x80xi32, #tpu.memory_space<hbm>>) dst(%dma_wait3A_80 : memref<5x80xi32, #tpu.memory_space<vmem>>)
    %dma_start3A_85 = arith.constant 1 : i32
    %dma_start3A_86 = arith.constant 1 : i32
    %dma_start3A_87 = arith.constant 1 : i32
    %dma_start3A_88 = arith.constant 0 : i32
    %dma_start3A_89 = arith.constant 0 : i32
    %dma_start3A_90 = tpu.memref_slice %arg7[%dma_start3A_86, %dma_start3A_88, %dma_start3A_89] : memref<2x5x80xi32, #tpu.memory_space<vmem>> -> memref<1x5x80xi32, #tpu.memory_space<vmem>>
    %dma_start3A_91 = tpu.memref_squeeze %dma_start3A_90 : memref<1x5x80xi32, #tpu.memory_space<vmem>> -> memref<5x80xi32, #tpu.memory_space<vmem>>
    %dma_start3A_92 = arith.constant 0 : i32
    %dma_start3A_93 = arith.constant 0 : i32
    %dma_start3A_94 = tpu.memref_slice %arg3[%add3A, %dma_start3A_85, %dma_start3A_92, %dma_start3A_93] : memref<32x25x5x80xi32, #tpu.memory_space<hbm>> -> memref<1x1x5x80xi32, #tpu.memory_space<hbm>>
    %dma_start3A_95 = tpu.memref_squeeze %dma_start3A_94 : memref<1x1x5x80xi32, #tpu.memory_space<hbm>> -> memref<5x80xi32, #tpu.memory_space<hbm>>
    %dma_start3A_96 = tpu.memref_slice %arg11[%dma_start3A_87] : memref<2x!tpu.dma_semaphore, #tpu.memory_space<semaphore_mem>> -> memref<1x!tpu.dma_semaphore, #tpu.memory_space<semaphore_mem>>
    %dma_start3A_97 = tpu.memref_squeeze %dma_start3A_96 : memref<1x!tpu.dma_semaphore, #tpu.memory_space<semaphore_mem>> -> memref<!tpu.dma_semaphore, #tpu.memory_space<semaphore_mem>>
    %dma_start3A_98 = arith.constant 0 : i32
    %dma_start3A_99 = arith.constant 0 : i32
    %dma_start3A_100 = tpu.memref_slice %arg7[%dma_start3A_86, %dma_start3A_98, %dma_start3A_99] : memref<2x5x80xi32, #tpu.memory_space<vmem>> -> memref<1x5x80xi32, #tpu.memory_space<vmem>>
    %dma_start3A_101 = tpu.memref_squeeze %dma_start3A_100 : memref<1x5x80xi32, #tpu.memory_space<vmem>> -> memref<5x80xi32, #tpu.memory_space<vmem>>
    %dma_start3A_102 = arith.constant 0 : i32
    %dma_start3A_103 = arith.constant 0 : i32
    %dma_start3A_104 = tpu.memref_slice %arg3[%add3A, %dma_start3A_85, %dma_start3A_102, %dma_start3A_103] : memref<32x25x5x80xi32, #tpu.memory_space<hbm>> -> memref<1x1x5x80xi32, #tpu.memory_space<hbm>>
    %dma_start3A_105 = tpu.memref_squeeze %dma_start3A_104 : memref<1x1x5x80xi32, #tpu.memory_space<hbm>> -> memref<5x80xi32, #tpu.memory_space<hbm>>
    tpu.enqueue_dma source(%dma_start3A_105 : memref<5x80xi32, #tpu.memory_space<hbm>>) target(%dma_start3A_101 : memref<5x80xi32, #tpu.memory_space<vmem>>) target_semaphore(%dma_start3A_97 : memref<!tpu.dma_semaphore, #tpu.memory_space<semaphore_mem>>)
    %dma_start3A_106 = arith.constant 1 : i32
    %dma_start3A_107 = arith.constant 1 : i32
    %dma_start3A_108 = arith.constant 1 : i32
    %dma_start3A_109 = arith.constant 0 : i32
    %dma_start3A_110 = arith.constant 0 : i32
    %dma_start3A_111 = tpu.memref_slice %arg8[%dma_start3A_107, %dma_start3A_109, %dma_start3A_110] : memref<2x5x80xi32, #tpu.memory_space<vmem>> -> memref<1x5x80xi32, #tpu.memory_space<vmem>>
    %dma_start3A_112 = tpu.memref_squeeze %dma_start3A_111 : memref<1x5x80xi32, #tpu.memory_space<vmem>> -> memref<5x80xi32, #tpu.memory_space<vmem>>
    %dma_start3A_113 = arith.constant 0 : i32
    %dma_start3A_114 = arith.constant 0 : i32
    %dma_start3A_115 = tpu.memref_slice %arg4[%add3A, %dma_start3A_106, %dma_start3A_113, %dma_start3A_114] : memref<32x25x5x80xi32, #tpu.memory_space<hbm>> -> memref<1x1x5x80xi32, #tpu.memory_space<hbm>>
    %dma_start3A_116 = tpu.memref_squeeze %dma_start3A_115 : memref<1x1x5x80xi32, #tpu.memory_space<hbm>> -> memref<5x80xi32, #tpu.memory_space<hbm>>
    %dma_start3A_117 = tpu.memref_slice %arg11[%dma_start3A_108] : memref<2x!tpu.dma_semaphore, #tpu.memory_space<semaphore_mem>> -> memref<1x!tpu.dma_semaphore, #tpu.memory_space<semaphore_mem>>
    %dma_start3A_118 = tpu.memref_squeeze %dma_start3A_117 : memref<1x!tpu.dma_semaphore, #tpu.memory_space<semaphore_mem>> -> memref<!tpu.dma_semaphore, #tpu.memory_space<semaphore_mem>>
    %dma_start3A_119 = arith.constant 0 : i32
    %dma_start3A_120 = arith.constant 0 : i32
    %dma_start3A_121 = tpu.memref_slice %arg8[%dma_start3A_107, %dma_start3A_119, %dma_start3A_120] : memref<2x5x80xi32, #tpu.memory_space<vmem>> -> memref<1x5x80xi32, #tpu.memory_space<vmem>>
    %dma_start3A_122 = tpu.memref_squeeze %dma_start3A_121 : memref<1x5x80xi32, #tpu.memory_space<vmem>> -> memref<5x80xi32, #tpu.memory_space<vmem>>
    %dma_start3A_123 = arith.constant 0 : i32
    %dma_start3A_124 = arith.constant 0 : i32
    %dma_start3A_125 = tpu.memref_slice %arg4[%add3A, %dma_start3A_106, %dma_start3A_123, %dma_start3A_124] : memref<32x25x5x80xi32, #tpu.memory_space<hbm>> -> memref<1x1x5x80xi32, #tpu.memory_space<hbm>>
    %dma_start3A_126 = tpu.memref_squeeze %dma_start3A_125 : memref<1x1x5x80xi32, #tpu.memory_space<hbm>> -> memref<5x80xi32, #tpu.memory_space<hbm>>
    tpu.enqueue_dma source(%dma_start3A_126 : memref<5x80xi32, #tpu.memory_space<hbm>>) target(%dma_start3A_122 : memref<5x80xi32, #tpu.memory_space<vmem>>) target_semaphore(%dma_start3A_118 : memref<!tpu.dma_semaphore, #tpu.memory_space<semaphore_mem>>)
    %dma_start3A_127 = arith.constant 0 : i32
    %dma_start3A_128 = arith.constant 0 : i32
    %dma_start3A_129 = arith.constant 0 : i32
    %dma_start3A_130 = arith.constant 0 : i32
    %dma_start3A_131 = arith.constant 0 : i32
    %dma_start3A_132 = arith.constant 0 : i32
    %dma_start3A_133 = tpu.memref_slice %arg9[%dma_start3A_129, %dma_start3A_131, %dma_start3A_132] : memref<3x80x128xf32, #tpu.memory_space<vmem>> -> memref<1x80x128xf32, #tpu.memory_space<vmem>>
    %dma_start3A_134 = tpu.memref_squeeze %dma_start3A_133 : memref<1x80x128xf32, #tpu.memory_space<vmem>> -> memref<80x128xf32, #tpu.memory_space<vmem>>
    %dma_start3A_135 = arith.constant 0 : i32
    %dma_start3A_136 = tpu.memref_slice %arg7[%dma_start3A_127, %dma_start3A_128, %dma_start3A_135] : memref<2x5x80xi32, #tpu.memory_space<vmem>> -> memref<1x1x80xi32, #tpu.memory_space<vmem>>
    %dma_start3A_137 = tpu.memref_squeeze %dma_start3A_136 : memref<1x1x80xi32, #tpu.memory_space<vmem>> -> memref<80xi32, #tpu.memory_space<vmem>>
    %dma_start3A_138 = arith.constant 0 : i32
    %dma_start3A_139 = arith.constant 0 : i32
    %dma_start3A_140 = tpu.memref_slice %arg2[%dma_start3A_138, %dma_start3A_139] : memref<10240x128xf32, #tpu.memory_space<hbm>> -> memref<10240x128xf32, #tpu.memory_space<hbm>>
    %dma_start3A_141 = tpu.memref_slice %arg12[%dma_start3A_130] : memref<3x!tpu.dma_semaphore, #tpu.memory_space<semaphore_mem>> -> memref<1x!tpu.dma_semaphore, #tpu.memory_space<semaphore_mem>>
    %dma_start3A_142 = tpu.memref_squeeze %dma_start3A_141 : memref<1x!tpu.dma_semaphore, #tpu.memory_space<semaphore_mem>> -> memref<!tpu.dma_semaphore, #tpu.memory_space<semaphore_mem>>
    tpu.enqueue_indirect_dma source(%dma_start3A_140 : memref<10240x128xf32, #tpu.memory_space<hbm>>) target(%dma_start3A_134 : memref<80x128xf32, #tpu.memory_space<vmem>>) offsets(%dma_start3A_137 : memref<80xi32, #tpu.memory_space<vmem>>) semaphore(%dma_start3A_142 : memref<!tpu.dma_semaphore, #tpu.memory_space<semaphore_mem>>)
    %dma_start3A_143 = arith.constant 0 : i32
    %dma_start3A_144 = arith.constant 1 : i32
    %dma_start3A_145 = arith.constant 1 : i32
    %dma_start3A_146 = arith.constant 1 : i32
    %dma_start3A_147 = arith.constant 0 : i32
    %dma_start3A_148 = arith.constant 0 : i32
    %dma_start3A_149 = tpu.memref_slice %arg9[%dma_start3A_145, %dma_start3A_147, %dma_start3A_148] : memref<3x80x128xf32, #tpu.memory_space<vmem>> -> memref<1x80x128xf32, #tpu.memory_space<vmem>>
    %dma_start3A_150 = tpu.memref_squeeze %dma_start3A_149 : memref<1x80x128xf32, #tpu.memory_space<vmem>> -> memref<80x128xf32, #tpu.memory_space<vmem>>
    %dma_start3A_151 = arith.constant 0 : i32
    %dma_start3A_152 = tpu.memref_slice %arg7[%dma_start3A_143, %dma_start3A_144, %dma_start3A_151] : memref<2x5x80xi32, #tpu.memory_space<vmem>> -> memref<1x1x80xi32, #tpu.memory_space<vmem>>
    %dma_start3A_153 = tpu.memref_squeeze %dma_start3A_152 : memref<1x1x80xi32, #tpu.memory_space<vmem>> -> memref<80xi32, #tpu.memory_space<vmem>>
    %dma_start3A_154 = arith.constant 0 : i32
    %dma_start3A_155 = arith.constant 0 : i32
    %dma_start3A_156 = tpu.memref_slice %arg2[%dma_start3A_154, %dma_start3A_155] : memref<10240x128xf32, #tpu.memory_space<hbm>> -> memref<10240x128xf32, #tpu.memory_space<hbm>>
    %dma_start3A_157 = tpu.memref_slice %arg12[%dma_start3A_146] : memref<3x!tpu.dma_semaphore, #tpu.memory_space<semaphore_mem>> -> memref<1x!tpu.dma_semaphore, #tpu.memory_space<semaphore_mem>>
    %dma_start3A_158 = tpu.memref_squeeze %dma_start3A_157 : memref<1x!tpu.dma_semaphore, #tpu.memory_space<semaphore_mem>> -> memref<!tpu.dma_semaphore, #tpu.memory_space<semaphore_mem>>
    tpu.enqueue_indirect_dma source(%dma_start3A_156 : memref<10240x128xf32, #tpu.memory_space<hbm>>) target(%dma_start3A_150 : memref<80x128xf32, #tpu.memory_space<vmem>>) offsets(%dma_start3A_153 : memref<80xi32, #tpu.memory_space<vmem>>) semaphore(%dma_start3A_158 : memref<!tpu.dma_semaphore, #tpu.memory_space<semaphore_mem>>)
    %scan3A = arith.constant 0 : i32
    %scan3A_159 = arith.constant 0 : i32
    %scan3A_160 = arith.constant 125 : i32
    %scan3A_161 = arith.addi %scan3A_159, %scan3A_160 : i32
    %scan3A_162 = arith.constant 1 : i32
    scf.for %scan3A_181 = %scan3A_159 to %scan3A_161 step %scan3A_162  : i32 {
      %jit3A = arith.constant 3 : i32
      %eq3A = arith.constant 0 : i32
      %eq3A_182 = arith.cmpi eq, %jit3A, %eq3A : i32
      %jit3A_183 = arith.constant 1 : i32
      %select_n3A = arith.select %eq3A_182, %jit3A_183, %jit3A : i32
      %rem3A = arith.remsi %scan3A_181, %select_n3A : i32
      %ne3A = arith.constant 0 : i32
      %ne3A_184 = arith.cmpi ne, %rem3A, %ne3A : i32
      %lt3A = arith.constant 0 : i32
      %lt3A_185 = arith.cmpi slt, %rem3A, %lt3A : i32
      %lt3A_186 = arith.constant 0 : i32
      %lt3A_187 = arith.cmpi slt, %select_n3A, %lt3A_186 : i32
      %ne3A_188 = arith.xori %lt3A_185, %lt3A_187 : i1
      %and3A = arith.andi %ne3A_188, %ne3A_184 : i1
      %add3A_189 = arith.addi %rem3A, %select_n3A : i32
      %select_n3A_190 = arith.select %and3A, %add3A_189, %rem3A : i32
      %jit3A_191 = arith.constant 5 : i32
      %div3A = arith.divsi %scan3A_181, %jit3A_191 : i32
      %sign3A = arith.constant 0 : i32
      %sign3A_192 = arith.cmpi sgt, %scan3A_181, %sign3A : i32
      %sign3A_193 = arith.extui %sign3A_192 : i1 to i32
      %sign3A_194 = arith.constant 0 : i32
      %sign3A_195 = arith.cmpi slt, %scan3A_181, %sign3A_194 : i32
      %sign3A_196 = arith.extui %sign3A_195 : i1 to i32
      %sign3A_197 = arith.subi %sign3A_193, %sign3A_196 : i32
      %sign3A_198 = arith.constant 0 : i32
      %sign3A_199 = arith.cmpi sgt, %jit3A_191, %sign3A_198 : i32
      %sign3A_200 = arith.extui %sign3A_199 : i1 to i32
      %sign3A_201 = arith.constant 0 : i32
      %sign3A_202 = arith.cmpi slt, %jit3A_191, %sign3A_201 : i32
      %sign3A_203 = arith.extui %sign3A_202 : i1 to i32
      %sign3A_204 = arith.subi %sign3A_200, %sign3A_203 : i32
      %ne3A_205 = arith.cmpi ne, %sign3A_197, %sign3A_204 : i32
      %rem3A_206 = arith.remsi %scan3A_181, %jit3A_191 : i32
      %ne3A_207 = arith.constant 0 : i32
      %ne3A_208 = arith.cmpi ne, %rem3A_206, %ne3A_207 : i32
      %and3A_209 = arith.andi %ne3A_205, %ne3A_208 : i1
      %sub3A = arith.constant 1 : i32
      %sub3A_210 = arith.subi %div3A, %sub3A : i32
      %select_n3A_211 = arith.select %and3A_209, %sub3A_210, %div3A : i32
      %jit3A_212 = arith.constant 2 : i32
      %eq3A_213 = arith.constant 0 : i32
      %eq3A_214 = arith.cmpi eq, %jit3A_212, %eq3A_213 : i32
      %jit3A_215 = arith.constant 1 : i32
      %select_n3A_216 = arith.select %eq3A_214, %jit3A_215, %jit3A_212 : i32
      %rem3A_217 = arith.remsi %select_n3A_211, %select_n3A_216 : i32
      %ne3A_218 = arith.constant 0 : i32
      %ne3A_219 = arith.cmpi ne, %rem3A_217, %ne3A_218 : i32
      %lt3A_220 = arith.constant 0 : i32
      %lt3A_221 = arith.cmpi slt, %rem3A_217, %lt3A_220 : i32
      %lt3A_222 = arith.constant 0 : i32
      %lt3A_223 = arith.cmpi slt, %select_n3A_216, %lt3A_222 : i32
      %ne3A_224 = arith.xori %lt3A_221, %lt3A_223 : i1
      %and3A_225 = arith.andi %ne3A_224, %ne3A_219 : i1
      %add3A_226 = arith.addi %rem3A_217, %select_n3A_216 : i32
      %select_n3A_227 = arith.select %and3A_225, %add3A_226, %rem3A_217 : i32
      %mul3A_228 = arith.constant 5 : i32
      %mul3A_229 = arith.muli %select_n3A_211, %mul3A_228 : i32
      %sub3A_230 = arith.subi %scan3A_181, %mul3A_229 : i32
      %dma_wait3A_231 = arith.constant 0 : i32
      %dma_wait3A_232 = arith.constant 0 : i32
      %dma_wait3A_233 = tpu.memref_slice %arg9[%select_n3A_190, %dma_wait3A_231, %dma_wait3A_232] : memref<3x80x128xf32, #tpu.memory_space<vmem>> -> memref<1x80x128xf32, #tpu.memory_space<vmem>>
      %dma_wait3A_234 = tpu.memref_squeeze %dma_wait3A_233 : memref<1x80x128xf32, #tpu.memory_space<vmem>> -> memref<80x128xf32, #tpu.memory_space<vmem>>
      %dma_wait3A_235 = arith.constant 0 : i32
      %dma_wait3A_236 = tpu.memref_slice %arg7[%select_n3A_227, %sub3A_230, %dma_wait3A_235] : memref<2x5x80xi32, #tpu.memory_space<vmem>> -> memref<1x1x80xi32, #tpu.memory_space<vmem>>
      %dma_wait3A_237 = tpu.memref_squeeze %dma_wait3A_236 : memref<1x1x80xi32, #tpu.memory_space<vmem>> -> memref<80xi32, #tpu.memory_space<vmem>>
      %dma_wait3A_238 = arith.constant 0 : i32
      %dma_wait3A_239 = arith.constant 0 : i32
      %dma_wait3A_240 = tpu.memref_slice %arg2[%dma_wait3A_238, %dma_wait3A_239] : memref<10240x128xf32, #tpu.memory_space<hbm>> -> memref<10240x128xf32, #tpu.memory_space<hbm>>
      %dma_wait3A_241 = tpu.memref_slice %arg12[%select_n3A_190] : memref<3x!tpu.dma_semaphore, #tpu.memory_space<semaphore_mem>> -> memref<1x!tpu.dma_semaphore, #tpu.memory_space<semaphore_mem>>
      %dma_wait3A_242 = tpu.memref_squeeze %dma_wait3A_241 : memref<1x!tpu.dma_semaphore, #tpu.memory_space<semaphore_mem>> -> memref<!tpu.dma_semaphore, #tpu.memory_space<semaphore_mem>>
      tpu.wait_indirect_dma semaphore(%dma_wait3A_242 : memref<!tpu.dma_semaphore, #tpu.memory_space<semaphore_mem>>) src(%dma_wait3A_240 : memref<10240x128xf32, #tpu.memory_space<hbm>>) dst(%dma_wait3A_234 : memref<80x128xf32, #tpu.memory_space<vmem>>)
      %gt3A = arith.constant 0 : i32
      %gt3A_243 = arith.cmpi sgt, %scan3A_181, %gt3A : i32
      %convert_element_type3A = arith.extui %gt3A_243 : i1 to i32
      %cond3A = arith.constant 0 : i32
      %cond3A_244 = arith.cmpi ne, %convert_element_type3A, %cond3A : i32
      scf.if %cond3A_244 {
        %add3A_277 = arith.constant 2 : i32
        %add3A_278 = arith.addi %scan3A_181, %add3A_277 : i32
        %jit3A_279 = arith.constant 3 : i32
        %eq3A_280 = arith.constant 0 : i32
        %eq3A_281 = arith.cmpi eq, %jit3A_279, %eq3A_280 : i32
        %jit3A_282 = arith.constant 1 : i32
        %select_n3A_283 = arith.select %eq3A_281, %jit3A_282, %jit3A_279 : i32
        %rem3A_284 = arith.remsi %add3A_278, %select_n3A_283 : i32
        %ne3A_285 = arith.constant 0 : i32
        %ne3A_286 = arith.cmpi ne, %rem3A_284, %ne3A_285 : i32
        %lt3A_287 = arith.constant 0 : i32
        %lt3A_288 = arith.cmpi slt, %rem3A_284, %lt3A_287 : i32
        %lt3A_289 = arith.constant 0 : i32
        %lt3A_290 = arith.cmpi slt, %select_n3A_283, %lt3A_289 : i32
        %ne3A_291 = arith.xori %lt3A_288, %lt3A_290 : i1
        %and3A_292 = arith.andi %ne3A_291, %ne3A_286 : i1
        %add3A_293 = arith.addi %rem3A_284, %select_n3A_283 : i32
        %select_n3A_294 = arith.select %and3A_292, %add3A_293, %rem3A_284 : i32
        %add3A_295 = arith.constant 2 : i32
        %add3A_296 = arith.addi %scan3A_181, %add3A_295 : i32
        %jit3A_297 = arith.constant 3 : i32
        %eq3A_298 = arith.constant 0 : i32
        %eq3A_299 = arith.cmpi eq, %jit3A_297, %eq3A_298 : i32
        %jit3A_300 = arith.constant 1 : i32
        %select_n3A_301 = arith.select %eq3A_299, %jit3A_300, %jit3A_297 : i32
        %rem3A_302 = arith.remsi %add3A_296, %select_n3A_301 : i32
        %ne3A_303 = arith.constant 0 : i32
        %ne3A_304 = arith.cmpi ne, %rem3A_302, %ne3A_303 : i32
        %lt3A_305 = arith.constant 0 : i32
        %lt3A_306 = arith.cmpi slt, %rem3A_302, %lt3A_305 : i32
        %lt3A_307 = arith.constant 0 : i32
        %lt3A_308 = arith.cmpi slt, %select_n3A_301, %lt3A_307 : i32
        %ne3A_309 = arith.xori %lt3A_306, %lt3A_308 : i1
        %and3A_310 = arith.andi %ne3A_309, %ne3A_304 : i1
        %add3A_311 = arith.addi %rem3A_302, %select_n3A_301 : i32
        %select_n3A_312 = arith.select %and3A_310, %add3A_311, %rem3A_302 : i32
        %dma_wait3A_313 = arith.constant 0 : i32
        %dma_wait3A_314 = arith.constant 0 : i32
        %dma_wait3A_315 = tpu.memref_slice %arg9[%select_n3A_294, %dma_wait3A_313, %dma_wait3A_314] : memref<3x80x128xf32, #tpu.memory_space<vmem>> -> memref<1x80x128xf32, #tpu.memory_space<vmem>>
        %dma_wait3A_316 = tpu.memref_squeeze %dma_wait3A_315 : memref<1x80x128xf32, #tpu.memory_space<vmem>> -> memref<80x128xf32, #tpu.memory_space<vmem>>
        %dma_wait3A_317 = arith.constant 0 : i32
        %dma_wait3A_318 = tpu.memref_slice %arg8[%select_n3A_227, %sub3A_230, %dma_wait3A_317] : memref<2x5x80xi32, #tpu.memory_space<vmem>> -> memref<1x1x80xi32, #tpu.memory_space<vmem>>
        %dma_wait3A_319 = tpu.memref_squeeze %dma_wait3A_318 : memref<1x1x80xi32, #tpu.memory_space<vmem>> -> memref<80xi32, #tpu.memory_space<vmem>>
        %dma_wait3A_320 = arith.constant 0 : i32
        %dma_wait3A_321 = arith.constant 0 : i32
        %dma_wait3A_322 = tpu.memref_slice %arg10[%dma_wait3A_320, %dma_wait3A_321] : memref<10240x128xf32, #tpu.memory_space<vmem_shared>> -> memref<10240x128xf32, #tpu.memory_space<vmem_shared>>
        %dma_wait3A_323 = tpu.memref_slice %arg13[%select_n3A_312] : memref<3x!tpu.dma_semaphore, #tpu.memory_space<semaphore_mem>> -> memref<1x!tpu.dma_semaphore, #tpu.memory_space<semaphore_mem>>
        %dma_wait3A_324 = tpu.memref_squeeze %dma_wait3A_323 : memref<1x!tpu.dma_semaphore, #tpu.memory_space<semaphore_mem>> -> memref<!tpu.dma_semaphore, #tpu.memory_space<semaphore_mem>>
        tpu.wait_indirect_dma semaphore(%dma_wait3A_324 : memref<!tpu.dma_semaphore, #tpu.memory_space<semaphore_mem>>) src(%dma_wait3A_316 : memref<80x128xf32, #tpu.memory_space<vmem>>) dst(%dma_wait3A_322 : memref<10240x128xf32, #tpu.memory_space<vmem_shared>>)
      } else {
      }
      %dma_start3A_245 = arith.constant 0 : i32
      %dma_start3A_246 = arith.constant 0 : i32
      %dma_start3A_247 = tpu.memref_slice %arg9[%select_n3A_190, %dma_start3A_245, %dma_start3A_246] : memref<3x80x128xf32, #tpu.memory_space<vmem>> -> memref<1x80x128xf32, #tpu.memory_space<vmem>>
      %dma_start3A_248 = tpu.memref_squeeze %dma_start3A_247 : memref<1x80x128xf32, #tpu.memory_space<vmem>> -> memref<80x128xf32, #tpu.memory_space<vmem>>
      %dma_start3A_249 = arith.constant 0 : i32
      %dma_start3A_250 = tpu.memref_slice %arg8[%select_n3A_227, %sub3A_230, %dma_start3A_249] : memref<2x5x80xi32, #tpu.memory_space<vmem>> -> memref<1x1x80xi32, #tpu.memory_space<vmem>>
      %dma_start3A_251 = tpu.memref_squeeze %dma_start3A_250 : memref<1x1x80xi32, #tpu.memory_space<vmem>> -> memref<80xi32, #tpu.memory_space<vmem>>
      %dma_start3A_252 = arith.constant 0 : i32
      %dma_start3A_253 = arith.constant 0 : i32
      %dma_start3A_254 = tpu.memref_slice %arg10[%dma_start3A_252, %dma_start3A_253] : memref<10240x128xf32, #tpu.memory_space<vmem_shared>> -> memref<10240x128xf32, #tpu.memory_space<vmem_shared>>
      %dma_start3A_255 = tpu.memref_slice %arg13[%select_n3A_190] : memref<3x!tpu.dma_semaphore, #tpu.memory_space<semaphore_mem>> -> memref<1x!tpu.dma_semaphore, #tpu.memory_space<semaphore_mem>>
      %dma_start3A_256 = tpu.memref_squeeze %dma_start3A_255 : memref<1x!tpu.dma_semaphore, #tpu.memory_space<semaphore_mem>> -> memref<!tpu.dma_semaphore, #tpu.memory_space<semaphore_mem>>
      tpu.enqueue_indirect_dma source(%dma_start3A_248 : memref<80x128xf32, #tpu.memory_space<vmem>>) target(%dma_start3A_254 : memref<10240x128xf32, #tpu.memory_space<vmem_shared>>) offsets(%dma_start3A_251 : memref<80xi32, #tpu.memory_space<vmem>>) semaphore(%dma_start3A_256 : memref<!tpu.dma_semaphore, #tpu.memory_space<semaphore_mem>>) {add = true}
      %eq3A_257 = arith.constant 0 : i32
      %eq3A_258 = arith.cmpi eq, %sub3A_230, %eq3A_257 : i32
      %gt3A_259 = arith.constant 0 : i32
      %gt3A_260 = arith.cmpi sgt, %scan3A_181, %gt3A_259 : i32
      %add3A_261 = arith.constant 1 : i32
      %add3A_262 = arith.addi %select_n3A_211, %add3A_261 : i32
      %lt3A_263 = arith.constant 25 : i32
      %lt3A_264 = arith.cmpi slt, %add3A_262, %lt3A_263 : i32
      %and3A_265 = arith.andi %gt3A_260, %lt3A_264 : i1
      %and3A_266 = arith.andi %eq3A_258, %and3A_265 : i1
      %convert_element_type3A_267 = arith.extui %and3A_266 : i1 to i32
      %cond3A_268 = arith.constant 0 : i32
      %cond3A_269 = arith.cmpi ne, %convert_element_type3A_267, %cond3A_268 : i32
      scf.if %cond3A_269 {
        %add3A_277 = arith.constant 1 : i32
        %add3A_278 = arith.addi %select_n3A_211, %add3A_277 : i32
        %jit3A_279 = arith.constant 2 : i32
        %eq3A_280 = arith.constant 0 : i32
        %eq3A_281 = arith.cmpi eq, %jit3A_279, %eq3A_280 : i32
        %jit3A_282 = arith.constant 1 : i32
        %select_n3A_283 = arith.select %eq3A_281, %jit3A_282, %jit3A_279 : i32
        %rem3A_284 = arith.remsi %add3A_278, %select_n3A_283 : i32
        %ne3A_285 = arith.constant 0 : i32
        %ne3A_286 = arith.cmpi ne, %rem3A_284, %ne3A_285 : i32
        %lt3A_287 = arith.constant 0 : i32
        %lt3A_288 = arith.cmpi slt, %rem3A_284, %lt3A_287 : i32
        %lt3A_289 = arith.constant 0 : i32
        %lt3A_290 = arith.cmpi slt, %select_n3A_283, %lt3A_289 : i32
        %ne3A_291 = arith.xori %lt3A_288, %lt3A_290 : i1
        %and3A_292 = arith.andi %ne3A_291, %ne3A_286 : i1
        %add3A_293 = arith.addi %rem3A_284, %select_n3A_283 : i32
        %select_n3A_294 = arith.select %and3A_292, %add3A_293, %rem3A_284 : i32
        %add3A_295 = arith.constant 1 : i32
        %add3A_296 = arith.addi %select_n3A_211, %add3A_295 : i32
        %dma_start3A_297 = arith.constant 0 : i32
        %dma_start3A_298 = arith.constant 0 : i32
        %dma_start3A_299 = tpu.memref_slice %arg7[%select_n3A_294, %dma_start3A_297, %dma_start3A_298] : memref<2x5x80xi32, #tpu.memory_space<vmem>> -> memref<1x5x80xi32, #tpu.memory_space<vmem>>
        %dma_start3A_300 = tpu.memref_squeeze %dma_start3A_299 : memref<1x5x80xi32, #tpu.memory_space<vmem>> -> memref<5x80xi32, #tpu.memory_space<vmem>>
        %dma_start3A_301 = arith.constant 0 : i32
        %dma_start3A_302 = arith.constant 0 : i32
        %dma_start3A_303 = tpu.memref_slice %arg3[%add3A, %add3A_296, %dma_start3A_301, %dma_start3A_302] : memref<32x25x5x80xi32, #tpu.memory_space<hbm>> -> memref<1x1x5x80xi32, #tpu.memory_space<hbm>>
        %dma_start3A_304 = tpu.memref_squeeze %dma_start3A_303 : memref<1x1x5x80xi32, #tpu.memory_space<hbm>> -> memref<5x80xi32, #tpu.memory_space<hbm>>
        %dma_start3A_305 = tpu.memref_slice %arg11[%select_n3A_294] : memref<2x!tpu.dma_semaphore, #tpu.memory_space<semaphore_mem>> -> memref<1x!tpu.dma_semaphore, #tpu.memory_space<semaphore_mem>>
        %dma_start3A_306 = tpu.memref_squeeze %dma_start3A_305 : memref<1x!tpu.dma_semaphore, #tpu.memory_space<semaphore_mem>> -> memref<!tpu.dma_semaphore, #tpu.memory_space<semaphore_mem>>
        %dma_start3A_307 = arith.constant 0 : i32
        %dma_start3A_308 = arith.constant 0 : i32
        %dma_start3A_309 = tpu.memref_slice %arg7[%select_n3A_294, %dma_start3A_307, %dma_start3A_308] : memref<2x5x80xi32, #tpu.memory_space<vmem>> -> memref<1x5x80xi32, #tpu.memory_space<vmem>>
        %dma_start3A_310 = tpu.memref_squeeze %dma_start3A_309 : memref<1x5x80xi32, #tpu.memory_space<vmem>> -> memref<5x80xi32, #tpu.memory_space<vmem>>
        %dma_start3A_311 = arith.constant 0 : i32
        %dma_start3A_312 = arith.constant 0 : i32
        %dma_start3A_313 = tpu.memref_slice %arg3[%add3A, %add3A_296, %dma_start3A_311, %dma_start3A_312] : memref<32x25x5x80xi32, #tpu.memory_space<hbm>> -> memref<1x1x5x80xi32, #tpu.memory_space<hbm>>
        %dma_start3A_314 = tpu.memref_squeeze %dma_start3A_313 : memref<1x1x5x80xi32, #tpu.memory_space<hbm>> -> memref<5x80xi32, #tpu.memory_space<hbm>>
        tpu.enqueue_dma source(%dma_start3A_314 : memref<5x80xi32, #tpu.memory_space<hbm>>) target(%dma_start3A_310 : memref<5x80xi32, #tpu.memory_space<vmem>>) target_semaphore(%dma_start3A_306 : memref<!tpu.dma_semaphore, #tpu.memory_space<semaphore_mem>>)
        %add3A_315 = arith.constant 1 : i32
        %add3A_316 = arith.addi %select_n3A_211, %add3A_315 : i32
        %dma_start3A_317 = arith.constant 0 : i32
        %dma_start3A_318 = arith.constant 0 : i32
        %dma_start3A_319 = tpu.memref_slice %arg8[%select_n3A_294, %dma_start3A_317, %dma_start3A_318] : memref<2x5x80xi32, #tpu.memory_space<vmem>> -> memref<1x5x80xi32, #tpu.memory_space<vmem>>
        %dma_start3A_320 = tpu.memref_squeeze %dma_start3A_319 : memref<1x5x80xi32, #tpu.memory_space<vmem>> -> memref<5x80xi32, #tpu.memory_space<vmem>>
        %dma_start3A_321 = arith.constant 0 : i32
        %dma_start3A_322 = arith.constant 0 : i32
        %dma_start3A_323 = tpu.memref_slice %arg4[%add3A, %add3A_316, %dma_start3A_321, %dma_start3A_322] : memref<32x25x5x80xi32, #tpu.memory_space<hbm>> -> memref<1x1x5x80xi32, #tpu.memory_space<hbm>>
        %dma_start3A_324 = tpu.memref_squeeze %dma_start3A_323 : memref<1x1x5x80xi32, #tpu.memory_space<hbm>> -> memref<5x80xi32, #tpu.memory_space<hbm>>
        %dma_start3A_325 = tpu.memref_slice %arg11[%select_n3A_294] : memref<2x!tpu.dma_semaphore, #tpu.memory_space<semaphore_mem>> -> memref<1x!tpu.dma_semaphore, #tpu.memory_space<semaphore_mem>>
        %dma_start3A_326 = tpu.memref_squeeze %dma_start3A_325 : memref<1x!tpu.dma_semaphore, #tpu.memory_space<semaphore_mem>> -> memref<!tpu.dma_semaphore, #tpu.memory_space<semaphore_mem>>
        %dma_start3A_327 = arith.constant 0 : i32
        %dma_start3A_328 = arith.constant 0 : i32
        %dma_start3A_329 = tpu.memref_slice %arg8[%select_n3A_294, %dma_start3A_327, %dma_start3A_328] : memref<2x5x80xi32, #tpu.memory_space<vmem>> -> memref<1x5x80xi32, #tpu.memory_space<vmem>>
        %dma_start3A_330 = tpu.memref_squeeze %dma_start3A_329 : memref<1x5x80xi32, #tpu.memory_space<vmem>> -> memref<5x80xi32, #tpu.memory_space<vmem>>
        %dma_start3A_331 = arith.constant 0 : i32
        %dma_start3A_332 = arith.constant 0 : i32
        %dma_start3A_333 = tpu.memref_slice %arg4[%add3A, %add3A_316, %dma_start3A_331, %dma_start3A_332] : memref<32x25x5x80xi32, #tpu.memory_space<hbm>> -> memref<1x1x5x80xi32, #tpu.memory_space<hbm>>
        %dma_start3A_334 = tpu.memref_squeeze %dma_start3A_333 : memref<1x1x5x80xi32, #tpu.memory_space<hbm>> -> memref<5x80xi32, #tpu.memory_space<hbm>>
        tpu.enqueue_dma source(%dma_start3A_334 : memref<5x80xi32, #tpu.memory_space<hbm>>) target(%dma_start3A_330 : memref<5x80xi32, #tpu.memory_space<vmem>>) target_semaphore(%dma_start3A_326 : memref<!tpu.dma_semaphore, #tpu.memory_space<semaphore_mem>>)
      } else {
      }
      %add3A_270 = arith.constant 2 : i32
      %add3A_271 = arith.addi %scan3A_181, %add3A_270 : i32
      %lt3A_272 = arith.constant 125 : i32
      %lt3A_273 = arith.cmpi slt, %add3A_271, %lt3A_272 : i32
      %convert_element_type3A_274 = arith.extui %lt3A_273 : i1 to i32
      %cond3A_275 = arith.constant 0 : i32
      %cond3A_276 = arith.cmpi ne, %convert_element_type3A_274, %cond3A_275 : i32
      scf.if %cond3A_276 {
        %jit3A_277 = arith.constant 5 : i32
        %div3A_278 = arith.divsi %add3A_271, %jit3A_277 : i32
        %sign3A_279 = arith.constant 0 : i32
        %sign3A_280 = arith.cmpi sgt, %add3A_271, %sign3A_279 : i32
        %sign3A_281 = arith.extui %sign3A_280 : i1 to i32
        %sign3A_282 = arith.constant 0 : i32
        %sign3A_283 = arith.cmpi slt, %add3A_271, %sign3A_282 : i32
        %sign3A_284 = arith.extui %sign3A_283 : i1 to i32
        %sign3A_285 = arith.subi %sign3A_281, %sign3A_284 : i32
        %sign3A_286 = arith.constant 0 : i32
        %sign3A_287 = arith.cmpi sgt, %jit3A_277, %sign3A_286 : i32
        %sign3A_288 = arith.extui %sign3A_287 : i1 to i32
        %sign3A_289 = arith.constant 0 : i32
        %sign3A_290 = arith.cmpi slt, %jit3A_277, %sign3A_289 : i32
        %sign3A_291 = arith.extui %sign3A_290 : i1 to i32
        %sign3A_292 = arith.subi %sign3A_288, %sign3A_291 : i32
        %ne3A_293 = arith.cmpi ne, %sign3A_285, %sign3A_292 : i32
        %rem3A_294 = arith.remsi %add3A_271, %jit3A_277 : i32
        %ne3A_295 = arith.constant 0 : i32
        %ne3A_296 = arith.cmpi ne, %rem3A_294, %ne3A_295 : i32
        %and3A_297 = arith.andi %ne3A_293, %ne3A_296 : i1
        %sub3A_298 = arith.constant 1 : i32
        %sub3A_299 = arith.subi %div3A_278, %sub3A_298 : i32
        %select_n3A_300 = arith.select %and3A_297, %sub3A_299, %div3A_278 : i32
        %jit3A_301 = arith.constant 2 : i32
        %eq3A_302 = arith.constant 0 : i32
        %eq3A_303 = arith.cmpi eq, %jit3A_301, %eq3A_302 : i32
        %jit3A_304 = arith.constant 1 : i32
        %select_n3A_305 = arith.select %eq3A_303, %jit3A_304, %jit3A_301 : i32
        %rem3A_306 = arith.remsi %select_n3A_300, %select_n3A_305 : i32
        %ne3A_307 = arith.constant 0 : i32
        %ne3A_308 = arith.cmpi ne, %rem3A_306, %ne3A_307 : i32
        %lt3A_309 = arith.constant 0 : i32
        %lt3A_310 = arith.cmpi slt, %rem3A_306, %lt3A_309 : i32
        %lt3A_311 = arith.constant 0 : i32
        %lt3A_312 = arith.cmpi slt, %select_n3A_305, %lt3A_311 : i32
        %ne3A_313 = arith.xori %lt3A_310, %lt3A_312 : i1
        %and3A_314 = arith.andi %ne3A_313, %ne3A_308 : i1
        %add3A_315 = arith.addi %rem3A_306, %select_n3A_305 : i32
        %select_n3A_316 = arith.select %and3A_314, %add3A_315, %rem3A_306 : i32
        %mul3A_317 = arith.constant 5 : i32
        %mul3A_318 = arith.muli %select_n3A_300, %mul3A_317 : i32
        %sub3A_319 = arith.subi %add3A_271, %mul3A_318 : i32
        %eq3A_320 = arith.constant 0 : i32
        %eq3A_321 = arith.cmpi eq, %sub3A_319, %eq3A_320 : i32
        %convert_element_type3A_322 = arith.extui %eq3A_321 : i1 to i32
        %cond3A_323 = arith.constant 0 : i32
        %cond3A_324 = arith.cmpi ne, %convert_element_type3A_322, %cond3A_323 : i32
        scf.if %cond3A_324 {
          %dma_wait3A_369 = arith.constant 0 : i32
          %dma_wait3A_370 = arith.constant 0 : i32
          %dma_wait3A_371 = tpu.memref_slice %arg7[%select_n3A_316, %dma_wait3A_369, %dma_wait3A_370] : memref<2x5x80xi32, #tpu.memory_space<vmem>> -> memref<1x5x80xi32, #tpu.memory_space<vmem>>
          %dma_wait3A_372 = tpu.memref_squeeze %dma_wait3A_371 : memref<1x5x80xi32, #tpu.memory_space<vmem>> -> memref<5x80xi32, #tpu.memory_space<vmem>>
          %dma_wait3A_373 = arith.constant 0 : i32
          %dma_wait3A_374 = arith.constant 0 : i32
          %dma_wait3A_375 = tpu.memref_slice %arg3[%add3A, %select_n3A_300, %dma_wait3A_373, %dma_wait3A_374] : memref<32x25x5x80xi32, #tpu.memory_space<hbm>> -> memref<1x1x5x80xi32, #tpu.memory_space<hbm>>
          %dma_wait3A_376 = tpu.memref_squeeze %dma_wait3A_375 : memref<1x1x5x80xi32, #tpu.memory_space<hbm>> -> memref<5x80xi32, #tpu.memory_space<hbm>>
          %dma_wait3A_377 = tpu.memref_slice %arg11[%select_n3A_316] : memref<2x!tpu.dma_semaphore, #tpu.memory_space<semaphore_mem>> -> memref<1x!tpu.dma_semaphore, #tpu.memory_space<semaphore_mem>>
          %dma_wait3A_378 = tpu.memref_squeeze %dma_wait3A_377 : memref<1x!tpu.dma_semaphore, #tpu.memory_space<semaphore_mem>> -> memref<!tpu.dma_semaphore, #tpu.memory_space<semaphore_mem>>
          %dma_wait3A_379 = arith.constant 0 : i32
          %dma_wait3A_380 = arith.constant 0 : i32
          %dma_wait3A_381 = tpu.memref_slice %arg7[%select_n3A_316, %dma_wait3A_379, %dma_wait3A_380] : memref<2x5x80xi32, #tpu.memory_space<vmem>> -> memref<1x5x80xi32, #tpu.memory_space<vmem>>
          %dma_wait3A_382 = tpu.memref_squeeze %dma_wait3A_381 : memref<1x5x80xi32, #tpu.memory_space<vmem>> -> memref<5x80xi32, #tpu.memory_space<vmem>>
          %dma_wait3A_383 = arith.constant 0 : i32
          %dma_wait3A_384 = arith.constant 0 : i32
          %dma_wait3A_385 = tpu.memref_slice %arg3[%add3A, %select_n3A_300, %dma_wait3A_383, %dma_wait3A_384] : memref<32x25x5x80xi32, #tpu.memory_space<hbm>> -> memref<1x1x5x80xi32, #tpu.memory_space<hbm>>
          %dma_wait3A_386 = tpu.memref_squeeze %dma_wait3A_385 : memref<1x1x5x80xi32, #tpu.memory_space<hbm>> -> memref<5x80xi32, #tpu.memory_space<hbm>>
          tpu.wait_dma2 semaphore(%dma_wait3A_378 : memref<!tpu.dma_semaphore, #tpu.memory_space<semaphore_mem>>) src(%dma_wait3A_386 : memref<5x80xi32, #tpu.memory_space<hbm>>) dst(%dma_wait3A_382 : memref<5x80xi32, #tpu.memory_space<vmem>>)
          %dma_wait3A_387 = arith.constant 0 : i32
          %dma_wait3A_388 = arith.constant 0 : i32
          %dma_wait3A_389 = tpu.memref_slice %arg8[%select_n3A_316, %dma_wait3A_387, %dma_wait3A_388] : memref<2x5x80xi32, #tpu.memory_space<vmem>> -> memref<1x5x80xi32, #tpu.memory_space<vmem>>
          %dma_wait3A_390 = tpu.memref_squeeze %dma_wait3A_389 : memref<1x5x80xi32, #tpu.memory_space<vmem>> -> memref<5x80xi32, #tpu.memory_space<vmem>>
          %dma_wait3A_391 = arith.constant 0 : i32
          %dma_wait3A_392 = arith.constant 0 : i32
          %dma_wait3A_393 = tpu.memref_slice %arg4[%add3A, %select_n3A_300, %dma_wait3A_391, %dma_wait3A_392] : memref<32x25x5x80xi32, #tpu.memory_space<hbm>> -> memref<1x1x5x80xi32, #tpu.memory_space<hbm>>
          %dma_wait3A_394 = tpu.memref_squeeze %dma_wait3A_393 : memref<1x1x5x80xi32, #tpu.memory_space<hbm>> -> memref<5x80xi32, #tpu.memory_space<hbm>>
          %dma_wait3A_395 = tpu.memref_slice %arg11[%select_n3A_316] : memref<2x!tpu.dma_semaphore, #tpu.memory_space<semaphore_mem>> -> memref<1x!tpu.dma_semaphore, #tpu.memory_space<semaphore_mem>>
          %dma_wait3A_396 = tpu.memref_squeeze %dma_wait3A_395 : memref<1x!tpu.dma_semaphore, #tpu.memory_space<semaphore_mem>> -> memref<!tpu.dma_semaphore, #tpu.memory_space<semaphore_mem>>
          %dma_wait3A_397 = arith.constant 0 : i32
          %dma_wait3A_398 = arith.constant 0 : i32
          %dma_wait3A_399 = tpu.memref_slice %arg8[%select_n3A_316, %dma_wait3A_397, %dma_wait3A_398] : memref<2x5x80xi32, #tpu.memory_space<vmem>> -> memref<1x5x80xi32, #tpu.memory_space<vmem>>
          %dma_wait3A_400 = tpu.memref_squeeze %dma_wait3A_399 : memref<1x5x80xi32, #tpu.memory_space<vmem>> -> memref<5x80xi32, #tpu.memory_space<vmem>>
          %dma_wait3A_401 = arith.constant 0 : i32
          %dma_wait3A_402 = arith.constant 0 : i32
          %dma_wait3A_403 = tpu.memref_slice %arg4[%add3A, %select_n3A_300, %dma_wait3A_401, %dma_wait3A_402] : memref<32x25x5x80xi32, #tpu.memory_space<hbm>> -> memref<1x1x5x80xi32, #tpu.memory_space<hbm>>
          %dma_wait3A_404 = tpu.memref_squeeze %dma_wait3A_403 : memref<1x1x5x80xi32, #tpu.memory_space<hbm>> -> memref<5x80xi32, #tpu.memory_space<hbm>>
          tpu.wait_dma2 semaphore(%dma_wait3A_396 : memref<!tpu.dma_semaphore, #tpu.memory_space<semaphore_mem>>) src(%dma_wait3A_404 : memref<5x80xi32, #tpu.memory_space<hbm>>) dst(%dma_wait3A_400 : memref<5x80xi32, #tpu.memory_space<vmem>>)
        } else {
        }
        %jit3A_325 = arith.constant 3 : i32
        %eq3A_326 = arith.constant 0 : i32
        %eq3A_327 = arith.cmpi eq, %jit3A_325, %eq3A_326 : i32
        %jit3A_328 = arith.constant 1 : i32
        %select_n3A_329 = arith.select %eq3A_327, %jit3A_328, %jit3A_325 : i32
        %rem3A_330 = arith.remsi %add3A_271, %select_n3A_329 : i32
        %ne3A_331 = arith.constant 0 : i32
        %ne3A_332 = arith.cmpi ne, %rem3A_330, %ne3A_331 : i32
        %lt3A_333 = arith.constant 0 : i32
        %lt3A_334 = arith.cmpi slt, %rem3A_330, %lt3A_333 : i32
        %lt3A_335 = arith.constant 0 : i32
        %lt3A_336 = arith.cmpi slt, %select_n3A_329, %lt3A_335 : i32
        %ne3A_337 = arith.xori %lt3A_334, %lt3A_336 : i1
        %and3A_338 = arith.andi %ne3A_337, %ne3A_332 : i1
        %add3A_339 = arith.addi %rem3A_330, %select_n3A_329 : i32
        %select_n3A_340 = arith.select %and3A_338, %add3A_339, %rem3A_330 : i32
        %jit3A_341 = arith.constant 3 : i32
        %eq3A_342 = arith.constant 0 : i32
        %eq3A_343 = arith.cmpi eq, %jit3A_341, %eq3A_342 : i32
        %jit3A_344 = arith.constant 1 : i32
        %select_n3A_345 = arith.select %eq3A_343, %jit3A_344, %jit3A_341 : i32
        %rem3A_346 = arith.remsi %add3A_271, %select_n3A_345 : i32
        %ne3A_347 = arith.constant 0 : i32
        %ne3A_348 = arith.cmpi ne, %rem3A_346, %ne3A_347 : i32
        %lt3A_349 = arith.constant 0 : i32
        %lt3A_350 = arith.cmpi slt, %rem3A_346, %lt3A_349 : i32
        %lt3A_351 = arith.constant 0 : i32
        %lt3A_352 = arith.cmpi slt, %select_n3A_345, %lt3A_351 : i32
        %ne3A_353 = arith.xori %lt3A_350, %lt3A_352 : i1
        %and3A_354 = arith.andi %ne3A_353, %ne3A_348 : i1
        %add3A_355 = arith.addi %rem3A_346, %select_n3A_345 : i32
        %select_n3A_356 = arith.select %and3A_354, %add3A_355, %rem3A_346 : i32
        %dma_start3A_357 = arith.constant 0 : i32
        %dma_start3A_358 = arith.constant 0 : i32
        %dma_start3A_359 = tpu.memref_slice %arg9[%select_n3A_340, %dma_start3A_357, %dma_start3A_358] : memref<3x80x128xf32, #tpu.memory_space<vmem>> -> memref<1x80x128xf32, #tpu.memory_space<vmem>>
        %dma_start3A_360 = tpu.memref_squeeze %dma_start3A_359 : memref<1x80x128xf32, #tpu.memory_space<vmem>> -> memref<80x128xf32, #tpu.memory_space<vmem>>
        %dma_start3A_361 = arith.constant 0 : i32
        %dma_start3A_362 = tpu.memref_slice %arg7[%select_n3A_316, %sub3A_319, %dma_start3A_361] : memref<2x5x80xi32, #tpu.memory_space<vmem>> -> memref<1x1x80xi32, #tpu.memory_space<vmem>>
        %dma_start3A_363 = tpu.memref_squeeze %dma_start3A_362 : memref<1x1x80xi32, #tpu.memory_space<vmem>> -> memref<80xi32, #tpu.memory_space<vmem>>
        %dma_start3A_364 = arith.constant 0 : i32
        %dma_start3A_365 = arith.constant 0 : i32
        %dma_start3A_366 = tpu.memref_slice %arg2[%dma_start3A_364, %dma_start3A_365] : memref<10240x128xf32, #tpu.memory_space<hbm>> -> memref<10240x128xf32, #tpu.memory_space<hbm>>
        %dma_start3A_367 = tpu.memref_slice %arg12[%select_n3A_356] : memref<3x!tpu.dma_semaphore, #tpu.memory_space<semaphore_mem>> -> memref<1x!tpu.dma_semaphore, #tpu.memory_space<semaphore_mem>>
        %dma_start3A_368 = tpu.memref_squeeze %dma_start3A_367 : memref<1x!tpu.dma_semaphore, #tpu.memory_space<semaphore_mem>> -> memref<!tpu.dma_semaphore, #tpu.memory_space<semaphore_mem>>
        tpu.enqueue_indirect_dma source(%dma_start3A_366 : memref<10240x128xf32, #tpu.memory_space<hbm>>) target(%dma_start3A_360 : memref<80x128xf32, #tpu.memory_space<vmem>>) offsets(%dma_start3A_363 : memref<80xi32, #tpu.memory_space<vmem>>) semaphore(%dma_start3A_368 : memref<!tpu.dma_semaphore, #tpu.memory_space<semaphore_mem>>)
      } else {
      }
    }
    %scan3A_163 = arith.constant 125 : i32
    %dma_wait3A_164 = arith.constant 1 : i32
    %dma_wait3A_165 = arith.constant 0 : i32
    %dma_wait3A_166 = arith.constant 0 : i32
    %dma_wait3A_167 = arith.constant 1 : i32
    %dma_wait3A_168 = arith.constant 0 : i32
    %dma_wait3A_169 = arith.constant 0 : i32
    %dma_wait3A_170 = tpu.memref_slice %arg9[%dma_wait3A_164, %dma_wait3A_168, %dma_wait3A_169] : memref<3x80x128xf32, #tpu.memory_space<vmem>> -> memref<1x80x128xf32, #tpu.memory_space<vmem>>
    %dma_wait3A_171 = tpu.memref_squeeze %dma_wait3A_170 : memref<1x80x128xf32, #tpu.memory_space<vmem>> -> memref<80x128xf32, #tpu.memory_space<vmem>>
    %dma_wait3A_172 = arith.constant 0 : i32
    %dma_wait3A_173 = tpu.memref_slice %arg8[%dma_wait3A_165, %dma_wait3A_166, %dma_wait3A_172] : memref<2x5x80xi32, #tpu.memory_space<vmem>> -> memref<1x1x80xi32, #tpu.memory_space<vmem>>
    %dma_wait3A_174 = tpu.memref_squeeze %dma_wait3A_173 : memref<1x1x80xi32, #tpu.memory_space<vmem>> -> memref<80xi32, #tpu.memory_space<vmem>>
    %dma_wait3A_175 = arith.constant 0 : i32
    %dma_wait3A_176 = arith.constant 0 : i32
    %dma_wait3A_177 = tpu.memref_slice %arg10[%dma_wait3A_175, %dma_wait3A_176] : memref<10240x128xf32, #tpu.memory_space<vmem_shared>> -> memref<10240x128xf32, #tpu.memory_space<vmem_shared>>
    %dma_wait3A_178 = tpu.memref_slice %arg13[%dma_wait3A_167] : memref<3x!tpu.dma_semaphore, #tpu.memory_space<semaphore_mem>> -> memref<1x!tpu.dma_semaphore, #tpu.memory_space<semaphore_mem>>
    %dma_wait3A_179 = tpu.memref_squeeze %dma_wait3A_178 : memref<1x!tpu.dma_semaphore, #tpu.memory_space<semaphore_mem>> -> memref<!tpu.dma_semaphore, #tpu.memory_space<semaphore_mem>>
    tpu.wait_indirect_dma semaphore(%dma_wait3A_179 : memref<!tpu.dma_semaphore, #tpu.memory_space<semaphore_mem>>) src(%dma_wait3A_171 : memref<80x128xf32, #tpu.memory_space<vmem>>) dst(%dma_wait3A_177 : memref<10240x128xf32, #tpu.memory_space<vmem_shared>>)
    %barrier3A_180 = arith.constant 0 : index
    tpu.barrier barrier_id(%barrier3A_180)
    "tpu.region"() ({
      %run_scoped3A = tpu.sem_alloc : memref<!tpu.dma_semaphore, #tpu.memory_space<semaphore_mem>>
      %dma_start3A_181 = arith.constant 0 : i32
      %dma_start3A_182 = tpu.memref_slice %arg6[%arg0, %mul3A_43, %dma_start3A_181] : memref<2x10240x128xf32, #tpu.memory_space<hbm>> -> memref<1x640x128xf32, #tpu.memory_space<hbm>>
      %dma_start3A_183 = tpu.memref_squeeze %dma_start3A_182 : memref<1x640x128xf32, #tpu.memory_space<hbm>> -> memref<640x128xf32, #tpu.memory_space<hbm>>
      %dma_start3A_184 = arith.constant 0 : i32
      %dma_start3A_185 = tpu.memref_slice %arg10[%mul3A_43, %dma_start3A_184] : memref<10240x128xf32, #tpu.memory_space<vmem_shared>> -> memref<640x128xf32, #tpu.memory_space<vmem_shared>>
      tpu.enqueue_dma source(%dma_start3A_185 : memref<640x128xf32, #tpu.memory_space<vmem_shared>>) target(%dma_start3A_183 : memref<640x128xf32, #tpu.memory_space<hbm>>) target_semaphore(%run_scoped3A : memref<!tpu.dma_semaphore, #tpu.memory_space<semaphore_mem>>)
      %dma_wait3A_186 = arith.constant 0 : i32
      %dma_wait3A_187 = tpu.memref_slice %arg6[%arg0, %mul3A_43, %dma_wait3A_186] : memref<2x10240x128xf32, #tpu.memory_space<hbm>> -> memref<1x640x128xf32, #tpu.memory_space<hbm>>
      %dma_wait3A_188 = tpu.memref_squeeze %dma_wait3A_187 : memref<1x640x128xf32, #tpu.memory_space<hbm>> -> memref<640x128xf32, #tpu.memory_space<hbm>>
      %dma_wait3A_189 = arith.constant 0 : i32
      %dma_wait3A_190 = tpu.memref_slice %arg10[%mul3A_43, %dma_wait3A_189] : memref<10240x128xf32, #tpu.memory_space<vmem_shared>> -> memref<640x128xf32, #tpu.memory_space<vmem_shared>>
      tpu.wait_dma2 semaphore(%run_scoped3A : memref<!tpu.dma_semaphore, #tpu.memory_space<semaphore_mem>>) src(%dma_wait3A_190 : memref<640x128xf32, #tpu.memory_space<vmem_shared>>) dst(%dma_wait3A_188 : memref<640x128xf32, #tpu.memory_space<hbm>>)
      tpu.yield
    }) : () -> ()
    return
  }
}

module attributes {stable_mosaic.version = 14 : i64} {
  func.func @_mlp_body(%arg0: i32, %arg1: memref<2048x128xf32, #tpu.memory_space<vmem>>, %arg2: memref<2x2048x128xf32, #tpu.memory_space<vmem>>, %arg3: memref<1xf32, #tpu.memory_space<smem>>, %arg4: memref<128x256xf32, #tpu.memory_space<vmem>>, %arg5: memref<1x256xf32, #tpu.memory_space<vmem>>, %arg6: memref<256x128xf32, #tpu.memory_space<vmem>>, %arg7: memref<1x128xf32, #tpu.memory_space<vmem>>, %arg8: memref<2048x128xf32, #tpu.memory_space<vmem>>) attributes {dimension_semantics = [#tpu.dimension_semantics<arbitrary>], iteration_bounds = array<i64: 5>, scalar_prefetch = 0 : i64, scratch_operands = 0 : i64, tpu.core_type = #tpu.core_type<tc>, window_params = [{transform_indices = @transform_0, window_bounds = array<i64: 2048, 128>}, {transform_indices = @transform_1, window_bounds = array<i64: 2, 2048, 128>}, {transform_indices = @transform_2, window_bounds = array<i64: 1>}, {pipeline_mode = #tpu.pipeline_mode<synchronous>, transform_indices = @transform_3, window_bounds = array<i64: 128, 256>}, {pipeline_mode = #tpu.pipeline_mode<synchronous>, transform_indices = @transform_4, window_bounds = array<i64: 1, 256>}, {pipeline_mode = #tpu.pipeline_mode<synchronous>, transform_indices = @transform_5, window_bounds = array<i64: 256, 128>}, {pipeline_mode = #tpu.pipeline_mode<synchronous>, transform_indices = @transform_6, window_bounds = array<i64: 1, 128>}, {transform_indices = @transform_7, window_bounds = array<i64: 2048, 128>}]} {
    %get3A = arith.constant 0 : index
    %get3A_0 = arith.constant 0 : index
    %get3A_1 = vector.load %arg1[%get3A, %get3A_0] : memref<2048x128xf32, #tpu.memory_space<vmem>>, vector<2048x128xf32>
    %get3A_2 = arith.constant 0 : index
    %get3A_3 = memref.load %arg3[%get3A_2] : memref<1xf32, #tpu.memory_space<smem>>
    %add3A = arith.constant 1.000000e+00 : f32
    %add3A_4 = arith.addf %add3A, %get3A_3 : f32
    %mul3A = vector.broadcast %add3A_4 : f32 to vector<2048x128xf32>
    %mul3A_5 = arith.mulf %get3A_1, %mul3A : vector<2048x128xf32>
    %get3A_6 = arith.constant 0 : index
    %get3A_7 = arith.constant 0 : index
    %get3A_8 = arith.constant 0 : index
    %get3A_9 = vector.load %arg2[%get3A_6, %get3A_7, %get3A_8] : memref<2x2048x128xf32, #tpu.memory_space<vmem>>, vector<1x2048x128xf32>
    %get3A_10 = vector.shape_cast %get3A_9 : vector<1x2048x128xf32> to vector<2048x128xf32>
    %add3A_11 = arith.addf %mul3A_5, %get3A_10 : vector<2048x128xf32>
    %get3A_12 = arith.constant 1 : index
    %get3A_13 = arith.constant 0 : index
    %get3A_14 = arith.constant 0 : index
    %get3A_15 = vector.load %arg2[%get3A_12, %get3A_13, %get3A_14] : memref<2x2048x128xf32, #tpu.memory_space<vmem>>, vector<1x2048x128xf32>
    %get3A_16 = vector.shape_cast %get3A_15 : vector<1x2048x128xf32> to vector<2048x128xf32>
    %add3A_17 = arith.addf %add3A_11, %get3A_16 : vector<2048x128xf32>
    %get3A_18 = arith.constant 0 : index
    %get3A_19 = arith.constant 0 : index
    %get3A_20 = vector.load %arg4[%get3A_18, %get3A_19] : memref<128x256xf32, #tpu.memory_space<vmem>>, vector<128x256xf32>
    %dot_general3A = arith.constant dense<0.000000e+00> : vector<2048x256xf32>
    %dot_general3A_21 = tpu.matmul %add3A_17, %get3A_20, %dot_general3A {dimension_numbers = #tpu.dot_dimension_numbers<[1], [0], [0], [1], [0, 0, 1, 1], [], []>, transpose_lhs_hint = false} : vector<2048x128xf32>, vector<128x256xf32>, vector<2048x256xf32> -> vector<2048x256xf32>
    %get3A_22 = arith.constant 0 : index
    %get3A_23 = arith.constant 0 : index
    %get3A_24 = vector.load %arg5[%get3A_22, %get3A_23] : memref<1x256xf32, #tpu.memory_space<vmem>>, vector<1x256xf32>
    %add3A_25 = vector.broadcast %get3A_24 : vector<1x256xf32> to vector<2048x256xf32>
    %add3A_26 = arith.addf %dot_general3A_21, %add3A_25 : vector<2048x256xf32>
    %max3A = arith.constant 0.000000e+00 : f32
    %max3A_27 = vector.broadcast %max3A : f32 to vector<2048x256xf32>
    %max3A_28 = arith.maximumf %add3A_26, %max3A_27 : vector<2048x256xf32>
    %get3A_29 = arith.constant 0 : index
    %get3A_30 = arith.constant 0 : index
    %get3A_31 = vector.load %arg6[%get3A_29, %get3A_30] : memref<256x128xf32, #tpu.memory_space<vmem>>, vector<256x128xf32>
    %dot_general3A_32 = arith.constant dense<0.000000e+00> : vector<2048x128xf32>
    %dot_general3A_33 = tpu.matmul %max3A_28, %get3A_31, %dot_general3A_32 {dimension_numbers = #tpu.dot_dimension_numbers<[1], [0], [0], [1], [0, 0, 1, 1], [], []>, transpose_lhs_hint = false} : vector<2048x256xf32>, vector<256x128xf32>, vector<2048x128xf32> -> vector<2048x128xf32>
    %get3A_34 = arith.constant 0 : index
    %get3A_35 = arith.constant 0 : index
    %get3A_36 = vector.load %arg7[%get3A_34, %get3A_35] : memref<1x128xf32, #tpu.memory_space<vmem>>, vector<1x128xf32>
    %add3A_37 = vector.broadcast %get3A_36 : vector<1x128xf32> to vector<2048x128xf32>
    %add3A_38 = arith.addf %dot_general3A_33, %add3A_37 : vector<2048x128xf32>
    %max3A_39 = arith.constant 0.000000e+00 : f32
    %max3A_40 = vector.broadcast %max3A_39 : f32 to vector<2048x128xf32>
    %max3A_41 = arith.maximumf %add3A_38, %max3A_40 : vector<2048x128xf32>
    %swap3A = arith.constant 0 : index
    %swap3A_42 = arith.constant 0 : index
    %swap3A_43 = vector.load %arg8[%swap3A, %swap3A_42] : memref<2048x128xf32, #tpu.memory_space<vmem>>, vector<2048x128xf32>
    tpu.vector_store %arg8[%swap3A, %swap3A_42], %max3A_41 {strides = array<i32>} : memref<2048x128xf32, #tpu.memory_space<vmem>>, vector<2048x128xf32>,
    return
  }
  func.func @transform_0(%arg0: i32) -> (i32, i32) {
    %c0_i32 = arith.constant 0 : i32
    %c0_i32_0 = arith.constant 0 : i32
    return %arg0, %c0_i32 : i32, i32
  }
  func.func @transform_1(%arg0: i32) -> (i32, i32, i32) {
    %c0_i32 = arith.constant 0 : i32
    %c0_i32_0 = arith.constant 0 : i32
    %c0_i32_1 = arith.constant 0 : i32
    return %c0_i32, %arg0, %c0_i32_0 : i32, i32, i32
  }
  func.func @transform_2(%arg0: i32) -> i32 {
    %c0_i32 = arith.constant 0 : i32
    %c0_i32_0 = arith.constant 0 : i32
    return %c0_i32 : i32
  }
  func.func @transform_3(%arg0: i32) -> (i32, i32) {
    %c0_i32 = arith.constant 0 : i32
    %c0_i32_0 = arith.constant 0 : i32
    %c0_i32_1 = arith.constant 0 : i32
    return %c0_i32, %c0_i32_0 : i32, i32
  }
  func.func @transform_4(%arg0: i32) -> (i32, i32) {
    %c0_i32 = arith.constant 0 : i32
    %c0_i32_0 = arith.constant 0 : i32
    %c0_i32_1 = arith.constant 0 : i32
    return %c0_i32, %c0_i32_0 : i32, i32
  }
  func.func @transform_5(%arg0: i32) -> (i32, i32) {
    %c0_i32 = arith.constant 0 : i32
    %c0_i32_0 = arith.constant 0 : i32
    %c0_i32_1 = arith.constant 0 : i32
    return %c0_i32, %c0_i32_0 : i32, i32
  }
  func.func @transform_6(%arg0: i32) -> (i32, i32) {
    %c0_i32 = arith.constant 0 : i32
    %c0_i32_0 = arith.constant 0 : i32
    %c0_i32_1 = arith.constant 0 : i32
    return %c0_i32, %c0_i32_0 : i32, i32
  }
  func.func @transform_7(%arg0: i32) -> (i32, i32) {
    %c0_i32 = arith.constant 0 : i32
    %c0_i32_0 = arith.constant 0 : i32
    return %arg0, %c0_i32 : i32, i32
  }
}

module attributes {stable_mosaic.version = 14 : i64} {
  func.func @_mlp_head_body(%arg0: i32, %arg1: memref<2048x128xf32, #tpu.memory_space<vmem>>, %arg2: memref<2x2048x128xf32, #tpu.memory_space<vmem>>, %arg3: memref<1xf32, #tpu.memory_space<smem>>, %arg4: memref<128x256xf32, #tpu.memory_space<vmem>>, %arg5: memref<1x256xf32, #tpu.memory_space<vmem>>, %arg6: memref<256x128xf32, #tpu.memory_space<vmem>>, %arg7: memref<1x128xf32, #tpu.memory_space<vmem>>, %arg8: memref<128x128xf32, #tpu.memory_space<vmem>>, %arg9: memref<1x128xf32, #tpu.memory_space<vmem>>, %arg10: memref<128x40xf32, #tpu.memory_space<vmem>>, %arg11: memref<1x40xf32, #tpu.memory_space<vmem>>, %arg12: memref<2048x40xf32, #tpu.memory_space<vmem>>) attributes {dimension_semantics = [#tpu.dimension_semantics<arbitrary>], iteration_bounds = array<i64: 5>, scalar_prefetch = 0 : i64, scratch_operands = 0 : i64, tpu.core_type = #tpu.core_type<tc>, window_params = [{transform_indices = @transform_0, window_bounds = array<i64: 2048, 128>}, {transform_indices = @transform_1, window_bounds = array<i64: 2, 2048, 128>}, {transform_indices = @transform_2, window_bounds = array<i64: 1>}, {pipeline_mode = #tpu.pipeline_mode<synchronous>, transform_indices = @transform_3, window_bounds = array<i64: 128, 256>}, {pipeline_mode = #tpu.pipeline_mode<synchronous>, transform_indices = @transform_4, window_bounds = array<i64: 1, 256>}, {pipeline_mode = #tpu.pipeline_mode<synchronous>, transform_indices = @transform_5, window_bounds = array<i64: 256, 128>}, {pipeline_mode = #tpu.pipeline_mode<synchronous>, transform_indices = @transform_6, window_bounds = array<i64: 1, 128>}, {pipeline_mode = #tpu.pipeline_mode<synchronous>, transform_indices = @transform_7, window_bounds = array<i64: 128, 128>}, {pipeline_mode = #tpu.pipeline_mode<synchronous>, transform_indices = @transform_8, window_bounds = array<i64: 1, 128>}, {pipeline_mode = #tpu.pipeline_mode<synchronous>, transform_indices = @transform_9, window_bounds = array<i64: 128, 40>}, {pipeline_mode = #tpu.pipeline_mode<synchronous>, transform_indices = @transform_10, window_bounds = array<i64: 1, 40>}, {transform_indices = @transform_11, window_bounds = array<i64: 2048, 40>}]} {
    %get3A = arith.constant 0 : index
    %get3A_0 = arith.constant 0 : index
    %get3A_1 = vector.load %arg1[%get3A, %get3A_0] : memref<2048x128xf32, #tpu.memory_space<vmem>>, vector<2048x128xf32>
    %get3A_2 = arith.constant 0 : index
    %get3A_3 = memref.load %arg3[%get3A_2] : memref<1xf32, #tpu.memory_space<smem>>
    %add3A = arith.constant 1.000000e+00 : f32
    %add3A_4 = arith.addf %add3A, %get3A_3 : f32
    %mul3A = vector.broadcast %add3A_4 : f32 to vector<2048x128xf32>
    %mul3A_5 = arith.mulf %get3A_1, %mul3A : vector<2048x128xf32>
    %get3A_6 = arith.constant 0 : index
    %get3A_7 = arith.constant 0 : index
    %get3A_8 = arith.constant 0 : index
    %get3A_9 = vector.load %arg2[%get3A_6, %get3A_7, %get3A_8] : memref<2x2048x128xf32, #tpu.memory_space<vmem>>, vector<1x2048x128xf32>
    %get3A_10 = vector.shape_cast %get3A_9 : vector<1x2048x128xf32> to vector<2048x128xf32>
    %add3A_11 = arith.addf %mul3A_5, %get3A_10 : vector<2048x128xf32>
    %get3A_12 = arith.constant 1 : index
    %get3A_13 = arith.constant 0 : index
    %get3A_14 = arith.constant 0 : index
    %get3A_15 = vector.load %arg2[%get3A_12, %get3A_13, %get3A_14] : memref<2x2048x128xf32, #tpu.memory_space<vmem>>, vector<1x2048x128xf32>
    %get3A_16 = vector.shape_cast %get3A_15 : vector<1x2048x128xf32> to vector<2048x128xf32>
    %add3A_17 = arith.addf %add3A_11, %get3A_16 : vector<2048x128xf32>
    %get3A_18 = arith.constant 0 : index
    %get3A_19 = arith.constant 0 : index
    %get3A_20 = vector.load %arg4[%get3A_18, %get3A_19] : memref<128x256xf32, #tpu.memory_space<vmem>>, vector<128x256xf32>
    %dot_general3A = arith.constant dense<0.000000e+00> : vector<2048x256xf32>
    %dot_general3A_21 = tpu.matmul %add3A_17, %get3A_20, %dot_general3A {dimension_numbers = #tpu.dot_dimension_numbers<[1], [0], [0], [1], [0, 0, 1, 1], [], []>, transpose_lhs_hint = false} : vector<2048x128xf32>, vector<128x256xf32>, vector<2048x256xf32> -> vector<2048x256xf32>
    %get3A_22 = arith.constant 0 : index
    %get3A_23 = arith.constant 0 : index
    %get3A_24 = vector.load %arg5[%get3A_22, %get3A_23] : memref<1x256xf32, #tpu.memory_space<vmem>>, vector<1x256xf32>
    %add3A_25 = vector.broadcast %get3A_24 : vector<1x256xf32> to vector<2048x256xf32>
    %add3A_26 = arith.addf %dot_general3A_21, %add3A_25 : vector<2048x256xf32>
    %max3A = arith.constant 0.000000e+00 : f32
    %max3A_27 = vector.broadcast %max3A : f32 to vector<2048x256xf32>
    %max3A_28 = arith.maximumf %add3A_26, %max3A_27 : vector<2048x256xf32>
    %get3A_29 = arith.constant 0 : index
    %get3A_30 = arith.constant 0 : index
    %get3A_31 = vector.load %arg6[%get3A_29, %get3A_30] : memref<256x128xf32, #tpu.memory_space<vmem>>, vector<256x128xf32>
    %dot_general3A_32 = arith.constant dense<0.000000e+00> : vector<2048x128xf32>
    %dot_general3A_33 = tpu.matmul %max3A_28, %get3A_31, %dot_general3A_32 {dimension_numbers = #tpu.dot_dimension_numbers<[1], [0], [0], [1], [0, 0, 1, 1], [], []>, transpose_lhs_hint = false} : vector<2048x256xf32>, vector<256x128xf32>, vector<2048x128xf32> -> vector<2048x128xf32>
    %get3A_34 = arith.constant 0 : index
    %get3A_35 = arith.constant 0 : index
    %get3A_36 = vector.load %arg7[%get3A_34, %get3A_35] : memref<1x128xf32, #tpu.memory_space<vmem>>, vector<1x128xf32>
    %add3A_37 = vector.broadcast %get3A_36 : vector<1x128xf32> to vector<2048x128xf32>
    %add3A_38 = arith.addf %dot_general3A_33, %add3A_37 : vector<2048x128xf32>
    %max3A_39 = arith.constant 0.000000e+00 : f32
    %max3A_40 = vector.broadcast %max3A_39 : f32 to vector<2048x128xf32>
    %max3A_41 = arith.maximumf %add3A_38, %max3A_40 : vector<2048x128xf32>
    %get3A_42 = arith.constant 0 : index
    %get3A_43 = arith.constant 0 : index
    %get3A_44 = vector.load %arg8[%get3A_42, %get3A_43] : memref<128x128xf32, #tpu.memory_space<vmem>>, vector<128x128xf32>
    %dot_general3A_45 = arith.constant dense<0.000000e+00> : vector<2048x128xf32>
    %dot_general3A_46 = tpu.matmul %max3A_41, %get3A_44, %dot_general3A_45 {dimension_numbers = #tpu.dot_dimension_numbers<[1], [0], [0], [1], [0, 0, 1, 1], [], []>, transpose_lhs_hint = false} : vector<2048x128xf32>, vector<128x128xf32>, vector<2048x128xf32> -> vector<2048x128xf32>
    %get3A_47 = arith.constant 0 : index
    %get3A_48 = arith.constant 0 : index
    %get3A_49 = vector.load %arg9[%get3A_47, %get3A_48] : memref<1x128xf32, #tpu.memory_space<vmem>>, vector<1x128xf32>
    %add3A_50 = vector.broadcast %get3A_49 : vector<1x128xf32> to vector<2048x128xf32>
    %add3A_51 = arith.addf %dot_general3A_46, %add3A_50 : vector<2048x128xf32>
    %max3A_52 = arith.constant 0.000000e+00 : f32
    %max3A_53 = vector.broadcast %max3A_52 : f32 to vector<2048x128xf32>
    %max3A_54 = arith.maximumf %add3A_51, %max3A_53 : vector<2048x128xf32>
    %get3A_55 = arith.constant 0 : index
    %get3A_56 = arith.constant 0 : index
    %get3A_57 = vector.load %arg10[%get3A_55, %get3A_56] : memref<128x40xf32, #tpu.memory_space<vmem>>, vector<128x40xf32>
    %dot_general3A_58 = arith.constant dense<0.000000e+00> : vector<2048x40xf32>
    %dot_general3A_59 = tpu.matmul %max3A_54, %get3A_57, %dot_general3A_58 {dimension_numbers = #tpu.dot_dimension_numbers<[1], [0], [0], [1], [0, 0, 1, 1], [], []>, transpose_lhs_hint = false} : vector<2048x128xf32>, vector<128x40xf32>, vector<2048x40xf32> -> vector<2048x40xf32>
    %get3A_60 = arith.constant 0 : index
    %get3A_61 = arith.constant 0 : index
    %get3A_62 = vector.load %arg11[%get3A_60, %get3A_61] : memref<1x40xf32, #tpu.memory_space<vmem>>, vector<1x40xf32>
    %add3A_63 = vector.broadcast %get3A_62 : vector<1x40xf32> to vector<2048x40xf32>
    %add3A_64 = arith.addf %dot_general3A_59, %add3A_63 : vector<2048x40xf32>
    %reduce_max3A = arith.constant dense<0xFF800000> : vector<2048xf32>
    %reduce_max3A_65 = vector.multi_reduction <maximumf>, %add3A_64, %reduce_max3A [1] : vector<2048x40xf32> to vector<2048xf32>
    %broadcast_in_dim3A = vector.shape_cast %reduce_max3A_65 : vector<2048xf32> to vector<2048x1xf32>
    %sub3A = vector.broadcast %broadcast_in_dim3A : vector<2048x1xf32> to vector<2048x40xf32>
    %sub3A_66 = arith.subf %add3A_64, %sub3A : vector<2048x40xf32>
    %exp3A = math.exp %sub3A_66 : vector<2048x40xf32>
    %sub3A_67 = vector.broadcast %broadcast_in_dim3A : vector<2048x1xf32> to vector<2048x40xf32>
    %sub3A_68 = arith.subf %add3A_64, %sub3A_67 : vector<2048x40xf32>
    %reduce_sum3A = arith.constant dense<0.000000e+00> : vector<2048xf32>
    %reduce_sum3A_69 = vector.multi_reduction <add>, %exp3A, %reduce_sum3A [1] : vector<2048x40xf32> to vector<2048xf32>
    %broadcast_in_dim3A_70 = vector.shape_cast %reduce_sum3A_69 : vector<2048xf32> to vector<2048x1xf32>
    %log3A = math.log %broadcast_in_dim3A_70 : vector<2048x1xf32>
    %sub3A_71 = vector.broadcast %log3A : vector<2048x1xf32> to vector<2048x40xf32>
    %sub3A_72 = arith.subf %sub3A_68, %sub3A_71 : vector<2048x40xf32>
    %swap3A = arith.constant 0 : index
    %swap3A_73 = arith.constant 0 : index
    %swap3A_74 = vector.load %arg12[%swap3A, %swap3A_73] : memref<2048x40xf32, #tpu.memory_space<vmem>>, vector<2048x40xf32>
    tpu.vector_store %arg12[%swap3A, %swap3A_73], %sub3A_72 {strides = array<i32>} : memref<2048x40xf32, #tpu.memory_space<vmem>>, vector<2048x40xf32>,
    return
  }
  func.func @transform_0(%arg0: i32) -> (i32, i32) {
    %c0_i32 = arith.constant 0 : i32
    %c0_i32_0 = arith.constant 0 : i32
    return %arg0, %c0_i32 : i32, i32
  }
  func.func @transform_1(%arg0: i32) -> (i32, i32, i32) {
    %c0_i32 = arith.constant 0 : i32
    %c0_i32_0 = arith.constant 0 : i32
    %c0_i32_1 = arith.constant 0 : i32
    return %c0_i32, %arg0, %c0_i32_0 : i32, i32, i32
  }
  func.func @transform_2(%arg0: i32) -> i32 {
    %c0_i32 = arith.constant 0 : i32
    %c0_i32_0 = arith.constant 0 : i32
    return %c0_i32 : i32
  }
  func.func @transform_3(%arg0: i32) -> (i32, i32) {
    %c0_i32 = arith.constant 0 : i32
    %c0_i32_0 = arith.constant 0 : i32
    %c0_i32_1 = arith.constant 0 : i32
    return %c0_i32, %c0_i32_0 : i32, i32
  }
  func.func @transform_4(%arg0: i32) -> (i32, i32) {
    %c0_i32 = arith.constant 0 : i32
    %c0_i32_0 = arith.constant 0 : i32
    %c0_i32_1 = arith.constant 0 : i32
    return %c0_i32, %c0_i32_0 : i32, i32
  }
  func.func @transform_5(%arg0: i32) -> (i32, i32) {
    %c0_i32 = arith.constant 0 : i32
    %c0_i32_0 = arith.constant 0 : i32
    %c0_i32_1 = arith.constant 0 : i32
    return %c0_i32, %c0_i32_0 : i32, i32
  }
  func.func @transform_6(%arg0: i32) -> (i32, i32) {
    %c0_i32 = arith.constant 0 : i32
    %c0_i32_0 = arith.constant 0 : i32
    %c0_i32_1 = arith.constant 0 : i32
    return %c0_i32, %c0_i32_0 : i32, i32
  }
  func.func @transform_7(%arg0: i32) -> (i32, i32) {
    %c0_i32 = arith.constant 0 : i32
    %c0_i32_0 = arith.constant 0 : i32
    %c0_i32_1 = arith.constant 0 : i32
    return %c0_i32, %c0_i32_0 : i32, i32
  }
  func.func @transform_8(%arg0: i32) -> (i32, i32) {
    %c0_i32 = arith.constant 0 : i32
    %c0_i32_0 = arith.constant 0 : i32
    %c0_i32_1 = arith.constant 0 : i32
    return %c0_i32, %c0_i32_0 : i32, i32
  }
  func.func @transform_9(%arg0: i32) -> (i32, i32) {
    %c0_i32 = arith.constant 0 : i32
    %c0_i32_0 = arith.constant 0 : i32
    %c0_i32_1 = arith.constant 0 : i32
    return %c0_i32, %c0_i32_0 : i32, i32
  }
  func.func @transform_10(%arg0: i32) -> (i32, i32) {
    %c0_i32 = arith.constant 0 : i32
    %c0_i32_0 = arith.constant 0 : i32
    %c0_i32_1 = arith.constant 0 : i32
    return %c0_i32, %c0_i32_0 : i32, i32
  }
  func.func @transform_11(%arg0: i32) -> (i32, i32) {
    %c0_i32 = arith.constant 0 : i32
    %c0_i32_0 = arith.constant 0 : i32
    return %arg0, %c0_i32 : i32, i32
  }
}

</mosaic_0001>

<sc_bundles>
// kernel: kernel.11.cloned.1.call-start
scs
__scs_entry_jumppad:
0x0: {  	(pc) =	sbr.rel $0x88, $3  }
0x1: {  	(tag) =	ssettag $0x0;
	lr =	simm.s32 $0x1  }
0x2: {  	[smem:$0x3F7E] =	sst lr;
	_ =	strace $0xD0000000  }
0x3: {  	_ = 	snop  }
0x4: {  	_ = 	snop  }
0x5: {  	_ = 	snop  }
0x6: {  	_ = 	snop  }
0x7: {  	_ = 	snop  }
__scs_overlays_trampoline_lowered:
0x8: {  	[smem:$0x3F8D] =	sst s0  }
0x9: {  	[smem:$0x3F8E] =	sst s1  }
0xa: {  	[smem:$0x3F8F] =	sst s2  }
0xb: {  	[smem:$0x3F90] =	sst s3  }
0xc: {  	[smem:$0x3F91] =	sst s4  }
0xd: {  	[smem:$0x3F92] =	sst s5  }
0xe: {  	[smem:$0x3F93] =	sst s6  }
0xf: {  	[smem:$0x3F94] =	sst s7  }
0x10: {  	[smem:$0x3F95] =	sst s8  }
0x11: {  	[smem:$0x3F96] =	sst s9;
	s0 =	simm.s32 @!p0 $0x0  }
0x12: {  	s1 =	sld [smem:$0x3F7C];
	s0 =	simm.s32 @p0 $0x1  }
0x13: {  	[smem:$0x3F97] =	sst s0;
	s0 =	simm.s32 @!p1 $0x0  }
0x14: {  	s2 =	sld [smem:$0x3F7B];
	s0 =	simm.s32 @p1 $0x1  }
0x15: {  	[smem:$0x3F98] =	sst s0;
	s0 =	simm.s32 @!p2 $0x0  }
0x16: {  	s3 =	sld [smem:$0x3FDB];
	s0 =	simm.s32 @p2 $0x1  }
0x17: {  	s4 =	simm.s32 $0x1BF5;
	[smem:$0x3F9A] =	sst s0  }
0x18: {  	s0 =	sld [smem:$0x3F7D];
	_ =	swait.ge [sflag:s4], $0x0  }
0x19: {  	s7 =	sld [smem:$0x3F7E]  }
0x1a: {  	s8 =	sadd.s32 $0xFFFFE003, lr  }
0x1b: {  	s9 =	sadd.s32 $0xFFFFFEF7, lr;
	s5 =	simm.s32 $0xFFFFFFFF;
	p2 =	slt.u32 s8, $0xFFFFF086  }
0x1c: {  	p1 =	slt.u32 s9, $0xF7A;
	s5 =	simm.s32 @!p2 $0x0  }
0x1d: {  	s5 =	simm.s32 @p1 $0x1;
	p0 =	seq.s32 s7, s2  }
0x1e: {  	s7 =	smul.u32 @!p0 $0xF7A, s2;
	p2 =	seq.s32 @!p0 s5, $0x0  }
0x1f: {  	s9 =	smul.u32 $0xF7A, s1;
	s8 =	simm.s32 @!p0 $0x1BF5;
	p2 =	por !p2, p0  }
0x20: {  	[sflag:s8] =	ssyncset.s32 @!p0 $0xFFFFF086;
	s6 =	sadd.s32 @!p0 s3, s7;
	s7 =	simm.s32 @!p0 $0x108  }
0x21: {  	s3 =	sadd.s32 s3, s9;
	s6 =	sadd.s32 @!p0 $0x88, s6;
	s7 =	simm.s32 @p2 $0x1082  }
0x22: {  	[simem:s7], [sflag:s8] =	dma.local @!p0 [hbm:s6], $0xF7A  }
0x23: {  	s9 =	sor.u32 $0xD0000000, s2;
	s6 =	simm.s32 $0x108;
	_ =	swait.ge @!p0 [sflag:s8], $0x0  }
0x24: {  	s3 =	sadd.s32 $0x88, s3;
	s6 =	simm.s32 @!p1 $0x1082;
	[sflag:s4] =	ssyncset.s32 $0xFFFFF086  }
0x25: {  	[simem:s6], [sflag:s4] =	dma.local [hbm:s3], $0xF7A  }
0x26: {  	[smem:$0x3F7E] =	sst s1;
	(tag) =	ssettag s2;
	_ =	strace s9  }
0x27: {  	s1 =	sld [smem:$0x3F8E]  }
0x28: {  	s2 =	sld [smem:$0x3F8F]  }
0x29: {  	s4 =	sld [smem:$0x3F91]  }
0x2a: {  	p0 =	seq.s32 s5, $0x0;
	s5 =	sld [smem:$0x3F92]  }
0x2b: {  	s6 =	sld [smem:$0x3F93]  }
0x2c: {  	s7 =	sld [smem:$0x3F94]  }
0x2d: {  	s3 =	simm.s32 $0x108;
	s8 =	sld [smem:$0x3F95]  }
0x2e: {  	s3 =	simm.s32 @!p0 $0x1082;
	s9 =	sld [smem:$0x3F96]  }
0x2f: {  	lr =	sadd.s32 s0, s3;
	s0 =	sld [smem:$0x3F8D]  }
0x30: {  	s3 =	sld [smem:$0x3F90]  }
0x31: {  	[smem:$0x3F99] =	sst s10  }
0x32: {  	s10 =	sld [smem:$0x3F97];
	_ =	sdelay $0x3  }
0x33: {  	p0 =	seq.s32 s10, $0x1;
	s10 =	sld [smem:$0x3F99];
	_ =	sdelay $0x3  }
0x34: {  	[smem:$0x3F99] =	sst s10  }
0x35: {  	s10 =	sld [smem:$0x3F98];
	_ =	sdelay $0x3  }
0x36: {  	p1 =	seq.s32 s10, $0x1;
	s10 =	sld [smem:$0x3F99];
	_ =	sdelay $0x3  }
0x37: {  	[smem:$0x3F99] =	sst s10  }
0x38: {  	s10 =	sld [smem:$0x3F9A]  }
0x39: {  	_ = 	snop;
	(pc) =	sbr.ind lr, $3  }
0x3a: {  	_ = 	snop  }
0x3b: {  	_ = 	snop  }
0x3c: {  	p2 =	seq.s32 s10, $0x1;
	s10 =	sld [smem:$0x3F99]  }
0x3d: {  	_ =	shalt  }
0x3e: {  	_ =	shalt  }
0x3f: {  	_ =	shalt  }
0x40: {  	_ =	shalt  }
0x41: {  	_ =	shalt  }
0x42: {  	_ =	shalt  }
0x43: {  	_ =	shalt  }
0x44: {  	_ =	shalt  }
0x45: {  	_ =	shalt  }
0x46: {  	_ =	shalt  }
0x47: {  	_ =	shalt  }
0x48: {  	_ =	shalt  }
0x49: {  	_ =	shalt  }
0x4a: {  	_ =	shalt  }
0x4b: {  	_ =	shalt  }
0x4c: {  	_ =	shalt  }
0x4d: {  	_ =	shalt  }
0x4e: {  	_ =	shalt  }
0x4f: {  	_ =	shalt  }
0x50: {  	_ =	shalt  }
0x51: {  	_ =	shalt  }
0x52: {  	_ =	shalt  }
0x53: {  	_ =	shalt  }
0x54: {  	_ =	shalt  }
0x55: {  	_ =	shalt  }
0x56: {  	_ =	shalt  }
0x57: {  	_ =	shalt  }
0x58: {  	_ =	shalt  }
0x59: {  	_ =	shalt  }
0x5a: {  	_ =	shalt  }
0x5b: {  	_ =	shalt  }
0x5c: {  	_ =	shalt  }
0x5d: {  	_ =	shalt  }
0x5e: {  	_ =	shalt  }
0x5f: {  	_ =	shalt  }
0x60: {  	_ =	shalt  }
0x61: {  	_ =	shalt  }
0x62: {  	_ =	shalt  }
0x63: {  	_ =	shalt  }
0x64: {  	_ =	shalt  }
0x65: {  	_ =	shalt  }
0x66: {  	_ =	shalt  }
0x67: {  	_ =	shalt  }
0x68: {  	_ =	shalt  }
0x69: {  	_ =	shalt  }
0x6a: {  	_ =	shalt  }
0x6b: {  	_ =	shalt  }
0x6c: {  	_ =	shalt  }
0x6d: {  	_ =	shalt  }
0x6e: {  	_ =	shalt  }
0x6f: {  	_ =	shalt  }
0x70: {  	_ =	shalt  }
0x71: {  	_ =	shalt  }
0x72: {  	_ =	shalt  }
0x73: {  	_ =	shalt  }
0x74: {  	_ =	shalt  }
0x75: {  	_ =	shalt  }
0x76: {  	_ =	shalt  }
0x77: {  	_ =	shalt  }
0x78: {  	_ =	shalt  }
0x79: {  	_ =	shalt  }
0x7a: {  	_ =	shalt  }
0x7b: {  	_ =	shalt  }
0x7c: {  	_ =	shalt  }
0x7d: {  	_ =	shalt  }
0x7e: {  	_ =	shalt  }
0x7f: {  	_ =	shalt  }
0x80: {  	_ =	shalt  }
0x81: {  	_ =	shalt  }
0x82: {  	_ =	shalt  }
0x83: {  	_ =	shalt  }
0x84: {  	_ =	shalt  }
0x85: {  	_ =	shalt  }
0x86: {  	_ =	shalt  }
0x87: {  	_ =	shalt  }
.Lfunc_end0:
.L_simem_size_0:
called_computation.1_lowered:
.L_overlay_start_0:
0x88: {  	s2 =	sld [smem:$0x3FD9]  }
0x89: {  	s3 =	sld [smem:$0x3FFE];
	_ =	sdelay $0x1  }
0x8a: {  	s1 =	srdreg.scid  }
0x8b: {  	s0 =	sand.u32 $0x1, s1  }
0x8c: {  	s16 =	sshll.u32 s0, $0xA;
	s2 =	sadd.s32 s3, s2  }
0x8d: {  	s2 =	sadd.s32 s2, s16  }
0x8e: {  	[smem:$0x3FA5] =	sst s2  }
0x8f: {  	_ = 	snop  }
0x90: {  	(tm) =	ssettm $0x1  }
0x91: {  	s17 =	sld [smem:$0x3FFB];
	_ =	sdelay $0x3  }
0x92: {  	_ =	strace s17  }
0x93: {  	s2 =	sld [smem:$0x3FFC];
	_ =	sdelay $0x3  }
0x94: {  	_ =	strace s2  }
0x95: {  	s2 =	sld [smem:$0x3FFD];
	_ =	sdelay $0x3  }
0x96: {  	_ =	strace s2  }
0x97: {  	_ =	strace $0x8FFFFFFF  }
0x98: {  	s18 =	sld [smem:$0x3FDB];
	_ =	sdelay $0x1  }
0x99: {  	s19 =	simm.s32 $_scs_section_size  }
0x9a: {  	s4 =	simm.s32 $_size__tile_overlayer_lowered;
	s5 =	simm.s32 $_tile_overlayer_lowered  }
0x9b: {  	s22 =	simm.s32 $0x1BFF;
	s21 =	sshll.u32 s5, $0x1;
	s2 =	sadd.s32 s19, s18  }
0x9c: {  	s6 =	simm.s32 $0x0;
	s20 =	sshll.u32 s4, $0x1;
	s4 =	sadd.s32 s21, s2  }
0x9d: {  	[timem:s6], [sflag:s22] =	dma.local [hbm:s4], s20  }
0x9e: {  	_ =	swait.ge [sflag:s22], s20  }
0x9f: {  	s3 =	ssub.s32 $0x0, s20;
	[sflag:s22] =	ssyncset.done $0x0  }
0xa0: {  	[sflag:s22] =	ssyncadd.s32 s3;
	_ =	sdelay $0x1  }
0xa1: {  	s23 =	simm.s32 $0x1B8B  }
0xa2: {  	_ =	swait.ge [sflag:s23], $0x1  }
0xa3: {  	[sflag:s23] =	ssyncset.done $0x0  }
0xa4: {  	s25 =	simm.s32 $0x1B8E;
	s24 =	sld [smem:$0x3FFE];
	[sflag:s23] =	ssyncadd.s32 $0xFFFFFFFF  }
0xa5: {  	s26 =	simm.s32 $execute0_lowered;
	[smem:$0x3FD2] =	sst s25  }
0xa6: {  	s4 =	sshll.u32 s26, $0x1;
	_ =	strace $0x80000049;
	[dreg:$0x1] =	wrdreg $0xFFFFFFFF  }
0xa7: {  	s28 =	simm.s32 $_size_execute0_lowered;
	s2 =	sadd.s32 s2, s4;
	[dreg:$0x0] =	wrdreg $0x0  }
0xa8: {  	s4 =	sshll.u32 s28, $0x1;
	[dreg:$0x2] =	wrdreg s2  }
0xa9: {  	[dreg:$0x3] =	wrdreg s4  }
0xaa: {  	[dreg:$0x4] =	wrdreg $0xC0  }
0xab: {  	_ =	task [dreg:s6], $0x5FFFF  }
0xac: {  	[dreg:$0x1] =	wrdreg $0xFFFFFFFF  }
0xad: {  	[dreg:$0x0] =	wrdreg $0x60  }
0xae: {  	[dreg:$0x2] =	wrdreg s24  }
0xaf: {  	[dreg:$0x3] =	wrdreg $0x88000  }
0xb0: {  	[dreg:$0x4] =	wrdreg $0x9  }
0xb1: {  	_ =	task.clear_ibuf [dreg:s6], $0x5FFFF;
	_ =	strace $0x90000049  }
0xb2: {  	s29 =	simm.s32 $0x9;
	_ =	strace $0x8000004B  }
0xb3: {  	_ =	swait.ge [sflag:s29], $0x1  }
0xb4: {  	[sflag:s29] =	ssyncadd.s32 $0xFFFFFFFF  }
0xb5: {  	_ =	strace $0x9000004B  }
0xb6: {  	_ =	sfence  }
0xb7: {  	s30 =	sld [smem:$0x0];
	_ =	sdelay $0x2  }
0xb8: {  	s31 =	sshll.u32 s1, $0xD;
	s1 =	sshrl.u32 s1, $0x2  }
0xb9: {  	s3 =	sand.u32 $0x4000, s31;
	s1 =	sadd.s32 s1, s30  }
0xba: {  	s0 =	sor.u32 s3, s0;
	s1 =	sshll.u32 s1, $0x11  }
0xbb: {  	s0 =	sor.u32 s1, s0  }
0xbc: {  	s0 =	sadd.s32 $0x8F2B, s0  }
0xbd: {  	[sflag:s0] =	ssyncadd.remote.s32 $0x1  }
0xbe: {  	_ =	sfence.sel $0xFFFF  }
0xbf: {  	[dreg:$0x0] =	wrdreg $0xFFFFFFFF;
	(pc) =	sbr.abs _section_cstart, $3  }
0xc0: {  	[dreg:$0x1] =	wrdreg $0xFFFFFFFF  }
0xc1: {  	_ =	task.clear_ibuf [dreg:s6], $0x2FFFF;
	_ =	strace $0x9FFFFFFF  }
0xc2: {  	(tm) =	ssettm $0x7FFFFFFF  }
0xc3: {  	_ =	shalt  }
tec
execute0_lowered:
.L_overlay_start_1:
0x0: {  	(tag) =	ssettag $0x1  }
0x1: {  	s8 =	rddreg [dreg:$0x0]  }
0x2: {  	s1 =	rddreg [dreg:$0x1];
	s3 =	simm.s32 $0x0  }
0x3: {  	s0 =	stileid.u32;
	s5 =	srdreg.scid;
	s17 =	simm.s32 $0x9  }
0x4: {  	s18 =	simm.s32 $0x1;
	s21 =	simm.s32 $0x50;
	s25 =	simm.s32 $0x7  }
0x5: {  	s26 =	simm.s32 $0x0;
	[smem:$0x7FF] =	sst s3;
	s4 =	sadd.s32 $0x38A00, s8  }
0x6: {  	s7 =	smul.u32 $0x14000, s0;
	s9 =	sand.u32 $0x1, s5;
	s5 =	sadd.s32 $0x6A00, s8  }
0x7: {  	s6 =	sadd.s32 $0x1FA00, s8;
	s28 =	smul.u32 $0x50000, s0;
	s31 =	sshll.u32 s0, $0x6  }
0x8: {  	_ =	strace $0x8000004A;
	s10 =	smul.u32 $0x140000, s9;
	s11 =	sshll.u32 s9, $0x4  }
0x9: {  	s9 =	ssub.s32 $0x2, s9;
	s12 =	sshrl.u32 s7, $0x3;
	s11 =	sor.u32 s0, s11  }
0xa: {  	s29 =	sshrl.u32 s9, $0x1;
	s30 =	sshrl.u32 s28, $0x2;
	s12 =	sadd.s32 s12, s8  }
0xb: {  	s10 =	sadd.s32 s7, s10;
	s7 =	smul.u32 $0x6400, s11;
	s15 =	ssub.s32 s9, s29  }
.Ltmp0:
0xc: {  	s16 =	sadd.s32 s30, s1;
	s11 =	sor.u32 $0x1C09, s31;
	(pc) =	sbr.rel .LBB2_1-.Ltmp0, $4  }
0xd: {  	s10 =	sshrl.u32 s10, $0x3;
	s15 =	smax.u32 s15, $0x1;
	s16 =	sshrl.u32 s16, $0x3  }
0xe: {  	s14 =	sadd.s32 s10, s8;
	s13 =	sshrl.u32 s7, $0x3;
	s10 =	sadd.s32 $0x60A00, s12  }
0xf: {  	s8 =	sadd.s32 s5, s13;
	s9 =	sadd.s32 s6, s13;
	s13 =	sadd.s32 $0x80, s13  }
0x10: {  	s14 =	sadd.s32 $0x88A00, s14;
	s12 =	sadd.s32 s5, s13;
	s13 =	sadd.s32 s6, s13  }
.LBB2_7:
0x11: {  	_ =	swait.ge [sflag:s25], $0x2800  }
0x12: {  	s26 =	sadd.s32 $0x1, s26;
	[sflag:s25] =	ssyncset.done $0x0  }
0x13: {  	p0 =	sne.s32 s26, s15;
	[sflag:s25] =	ssyncadd.s32 $0xFFFFD800  }
.Ltmp1:
0x14: {  	[bflag:$0x0] =	sbarrier.arrive $0xFFFF;
	(pc) =	sbr.rel @!p0 .LBB2_8-.Ltmp1, $4  }
0x15: {  	[hbm:s14], [sflag:s11] =	dma.local [spmem:s16], $0x2800  }
0x16: {  	_ =	swait.ge [sflag:s17], $0x2800  }
0x17: {  	[sflag:s17] =	ssyncset.done $0x0  }
0x18: {  	[sflag:s17] =	ssyncadd.s32 $0xFFFFD800  }
.LBB2_1:
0x19: {  	[tilespmem:s3], [sflag:$0x1] =	stream.linear.gather [hbm4b:s8+s3], $0x280, $0x38;
	[tilespmem:$0x1C800] =	vst v63  }
0x1a: {  	s28 =	simm.s32 $0x800  }
0x1b: {  	[tilespmem:s28], [sflag:$0x1] =	stream.linear.gather [hbm4b:s9+s3], $0x280, $0x38;
	[tilespmem:$0x1C800] =	vst v63  }
0x1c: {  	[spmem:s16], [sflag:s11] =	dma.local [hbm:s10], $0x2800  }
0x1d: {  	_ =	swait.ge [sflag:s17], $0x2800  }
0x1e: {  	[sflag:s17] =	ssyncset.done $0x0  }
0x1f: {  	[sflag:s17] =	ssyncadd.s32 $0xFFFFD800  }
0x20: {  	[bflag:$0x0] =	sbarrier.arrive $0xFFFF  }
0x21: {  	_ =	swait.ge [sflag:s18], $0x280  }
0x22: {  	[sflag:s18] =	ssyncset.done $0x0  }
0x23: {  	[sflag:s18] =	ssyncadd.s32 $0xFFFFFD80  }
0x24: {  	_ =	swait.ge [sflag:s18], $0x280  }
0x25: {  	[sflag:s18] =	ssyncset.done $0x0  }
0x26: {  	s0 =	simm.s32 $0x400;
	[sflag:s18] =	ssyncadd.s32 $0xFFFFFD80  }
0x27: {  	[tilespmem:s0], [sflag:$0x2] =	stream.linear.gather [hbm4b:s12+s3], $0x280, $0x38;
	[tilespmem:$0x1C800] =	vst v63  }
0x28: {  	s22 =	simm.s32 $0xC00  }
0x29: {  	[tilespmem:s22], [sflag:$0x2] =	stream.linear.gather [hbm4b:s13+s3], $0x280, $0x38;
	[tilespmem:$0x1C800] =	vst v63  }
.Ltmp2:
0x2a: {  	_ = 	snop;
	(pc) =	sbr.rel .LBB2_2-.Ltmp2, $4  }
0x2b: {  	s23 =	simm.s32 $0x1000;
	s24 =	simm.s32 $0x80;
	s2 =	simm.s32 $0x3800  }
0x2c: {  	[tilespmem:s23], [sflag:$0x3] =	stream.indirect.gather [hbm4b:s4+s21], $0x80, s3, s21, $0xb8;
	[tilespmem:$0x1C800] =	vst v63  }
0x2d: {  	s29 =	simm.s32 $0x100;
	s30 =	simm.s32 $0x2;
	s31 =	simm.s32 $0x0  }
0x2e: {  	[tilespmem:s2], [sflag:$0x4] =	stream.indirect.gather [hbm4b:s4+s21], $0x80, s24, s21, $0xb8;
	[tilespmem:$0x1C800] =	vst v63  }
.LBB2_3:
0x2f: {  	s0 =	smul.u32 $0xCD, s31;
	_ =	sdelay $0x1  }
0x30: {  	s0 =	sshrl.u32 s0, $0xA  }
0x31: {  	s0 =	sand.u32 $0x3F, s0  }
0x32: {  	s0 =	sadd.s32 $0x1, s0  }
0x33: {  	s2 =	sshll.u32 s0, $0xA  }
0x34: {  	s2 =	sadd.s32 s7, s2  }
0x35: {  	s0 =	sand.u32 $0x1, s0;
	s2 =	sshrl.u32 s2, $0x3  }
0x36: {  	s19 =	sadd.s32 $0x1, s0;
	s0 =	sshll.u32 s0, $0xA;
	s20 =	sadd.s32 s5, s2  }
0x37: {  	[tilespmem:s0], [sflag:s19] =	stream.linear.gather [hbm4b:s20+s3], $0x280, $0x38;
	[tilespmem:$0x1C800] =	vst v63  }
0x38: {  	s2 =	sadd.s32 s6, s2;
	s0 =	sor.u32 $0x800, s0  }
0x39: {  	[tilespmem:s0], [sflag:s19] =	stream.linear.gather [hbm4b:s2+s3], $0x280, $0x38;
	[tilespmem:$0x1C800] =	vst v63  }
.LBB2_5:
0x3a: {  	s0 =	smulhi.u32 $0xCCCCCCCD, s30;
	s2 =	sadd.s32 $0x2, s31  }
0x3b: {  	s20 =	smul.u32 $0xAB, s2  }
0x3c: {  	s23 =	smul.u32 $0xCD, s2;
	s19 =	sshrl.u32 s0, $0x2  }
0x3d: {  	s22 =	smul.u32 $0x5, s19;
	s20 =	sshrl.u32 s20, $0x9  }
0x3e: {  	s20 =	sand.u32 $0x7F, s20  }
0x3f: {  	s23 =	sshrl.u32 s23, $0xA;
	s22 =	sadd.s32 $0xFFFFFFFE, s22;
	s20 =	smul.u32 $0x3, s20  }
0x40: {  	p0 =	sne.s32 s22, s31;
	s22 =	sand.u32 $0x1, s23  }
0x41: {  	s2 =	ssub.s32 s2, s20;
	s20 =	sadd.s32 @!p0 $0x1, s22  }
0x42: {  	s0 =	sshll.u32 s0, $0xA;
	s19 =	smul.u32 $0xA00, s19;
	_ =	swait.ge @!p0 [sflag:s20], $0x280  }
0x43: {  	s0 =	sand.u32 $0x1000, s0;
	s2 =	sand.u32 $0xFF, s2;
	[sflag:s20] =	ssyncset.done @!p0 $0x0  }
0x44: {  	s0 =	ssub.s32 s0, s19;
	s24 =	smul.u32 $0xA000, s2;
	[sflag:s20] =	ssyncadd.s32 @!p0 $0xFFFFFD80  }
0x45: {  	s0 =	sshra.s32 s0, $0x2;
	_ =	swait.ge @!p0 [sflag:s20], $0x280  }
0x46: {  	s0 =	sadd.s32 s0, s29;
	s19 =	sshrl.u32 s24, $0x2;
	[sflag:s20] =	ssyncset.done @!p0 $0x0  }
0x47: {  	s2 =	sadd.s32 $0x3, s2;
	s19 =	sadd.s32 $0x1000, s19;
	[sflag:s20] =	ssyncadd.s32 @!p0 $0xFFFFFD80  }
0x48: {  	[tilespmem:s19], [sflag:s2] =	stream.indirect.gather [hbm4b:s4+s21], $0x80, s0, s21, $0xb8;
	[tilespmem:$0x1C800] =	vst v63  }
.LBB2_6:
0x49: {  	s31 =	sadd.s32 $0x1, s31  }
0x4a: {  	p0 =	sne.s32 s31, $0x7D  }
.Ltmp3:
0x4b: {  	_ = 	snop;
	(pc) =	sbr.rel @!p0 .LBB2_7-.Ltmp3, $2  }
0x4c: {  	_ =	sdelay $0x2  }
0x4d: {  	s28 =	sadd.s32 $0x80, s28;
	s29 =	sadd.s32 $0x80, s29;
	s30 =	sadd.s32 $0x1, s30  }
.LBB2_2:
0x4e: {  	s0 =	smul.u32 $0xAB, s31;
	p0 =	seq.s32 s31, $0x0  }
0x4f: {  	s2 =	sadd.s32 @!p0 $0x2, s31  }
0x50: {  	s0 =	sshrl.u32 s0, $0x9;
	s19 =	sand.u32 @!p0 $0xFF, s2  }
0x51: {  	s0 =	sand.u32 $0x7F, s0;
	s19 =	smul.u32 @!p0 $0xAB, s19  }
0x52: {  	s0 =	smul.u32 $0x3, s0  }
0x53: {  	s20 =	smulhi.u32 $0xCCCCCCCD, s31  }
0x54: {  	s19 =	sshrl.u32 @!p0 s19, $0x9;
	s0 =	ssub.s32 s31, s0  }
0x55: {  	s22 =	sshrl.u32 s20, $0x2;
	s19 =	smul.u32 @!p0 $0x3, s19;
	s0 =	sand.u32 $0xFF, s0  }
0x56: {  	s20 =	sshll.u32 s20, $0xA;
	s23 =	smul.u32 $0xA00, s22;
	s24 =	sadd.s32 $0x3, s0  }
0x57: {  	s20 =	sand.u32 $0x1000, s20;
	s2 =	ssub.s32 @!p0 s2, s19;
	_ =	swait.ge [sflag:s24], $0x2800  }
0x58: {  	s19 =	ssub.s32 s20, s23;
	s2 =	sand.u32 @!p0 $0xFF, s2;
	[sflag:s24] =	ssyncset.done $0x0  }
0x59: {  	s23 =	smul.u32 $0xA000, s0;
	s2 =	sadd.s32 @!p0 $0x6, s2;
	[sflag:s24] =	ssyncadd.s32 $0xFFFFD800  }
0x5a: {  	s0 =	sadd.s32 $0x6, s0;
	_ =	swait.ge @!p0 [sflag:s2], $0x2800  }
0x5b: {  	s19 =	sshra.s32 s19, $0x2;
	s20 =	sshrl.u32 s23, $0x2;
	[sflag:s2] =	ssyncset.done @!p0 $0x0  }
0x5c: {  	s19 =	sadd.s32 s19, s28;
	s20 =	sadd.s32 $0x1000, s20;
	[sflag:s2] =	ssyncadd.s32 @!p0 $0xFFFFD800  }
0x5d: {  	[spmem:s1] =	stream.indirect.scatter.add.f32 [tilespmem:s20], [sflag:s0], $0x80, s19, s21, $0xb8;
	[tilespmem:$0x1C800] =	vst v63  }
0x5e: {  	s24 =	sadd.s32 $0xFFFFFFFF, s31;
	s0 =	smul.u32 $0x5, s22  }
0x5f: {  	p0 =	sgt.u32 s24, $0x76  }
0x60: {  	p1 =	sne.s32 @!p0 s0, s31  }
0x61: {  	p0 =	por p0, p1  }
.Ltmp4:
0x62: {  	_ = 	snop;
	(pc) =	sbr.rel @!p0 .LBB2_3-.Ltmp4, $1  }
0x63: {  	_ =	sdelay $0x3  }
0x64: {  	p0 =	sgt.u32 s31, $0x7A  }
.Ltmp5:
0x65: {  	_ = 	snop;
	(pc) =	sbr.rel @p0 .LBB2_6-.Ltmp5, $4  }
.Ltmp6:
0x66: {  	_ = 	snop;
	(pc) =	sbr.rel @!p0 .LBB2_5-.Ltmp6, $4  }
0x67: {  	_ = 	snop  }
0x68: {  	_ = 	snop  }
0x69: {  	_ = 	snop  }
0x6a: {  	_ = 	snop  }
.LBB2_8:
0x6b: {  	_ =	sfence.sel $0x180000  }
0x6c: {  	[bflag:$0x0] =	sbarrier.arrive $0xFFFF  }
0x6d: {  	_ =	strace $0x9000004A  }
0x6e: {  	s0 =	stileid.u32;
	[bflag:$0x2] =	sbarrier.arrive $0xFFFF  }
0x6f: {  	p0 =	sne.s32 s0, $0x0;
	s0 =	rddreg [dreg:$0x2]  }
0x70: {  	s0 =	sadd.s32 @!p0 $0x100000, s0  }
0x71: {  	[sflag:s0] =	ssyncadd.tile.s32 @!p0 $0x1;
	_ =	shalt  }
.Lfunc_end2:
_tile_overlayer_lowered:
.L_overlay_start_2:
0x72: {  	(tag) =	ssettag $0x2  }
0x73: {  	s0 =	rddreg [dreg:$0x0];
	s2 =	stileid.u32  }
0x74: {  	s1 =	rddreg [dreg:$0x1];
	p0 =	sne.s32 s2, $0x0  }
0x75: {  	s3 =	rddreg [dreg:$0x2];
	[bflag:$0x3] =	sbarrier.arrive $0xFFFF;
	s2 =	simm.s32 @!p0 $0x1C09  }
0x76: {  	[timem:s3], [sflag:s2] =	dma.local @!p0 [hbm:s0], s1  }
0x77: {  	s0 =	simm.s32 @!p0 $0x9  }
0x78: {  	_ =	swait.ge @!p0 [sflag:s0], s1  }
0x79: {  	s1 =	ssub.s32 @!p0 $0x0, s1;
	[sflag:s0] =	ssyncset.done @!p0 $0x0  }
0x7a: {  	[sflag:s0] =	ssyncadd.s32 @!p0 s1  }
0x7b: {  	[bflag:$0x3] =	sbarrier.arrive $0xFFFF  }
0x7c: {  	_ =	shalt  }

// kernel: kernel.14.cloned.1.call-start
scs
__scs_entry_jumppad:
0x0: {  	(pc) =	sbr.rel $0x88, $3  }
0x1: {  	(tag) =	ssettag $0x0;
	lr =	simm.s32 $0x1  }
0x2: {  	[smem:$0x3F7E] =	sst lr;
	_ =	strace $0xD0000000  }
0x3: {  	_ = 	snop  }
0x4: {  	_ = 	snop  }
0x5: {  	_ = 	snop  }
0x6: {  	_ = 	snop  }
0x7: {  	_ = 	snop  }
__scs_overlays_trampoline_lowered:
0x8: {  	[smem:$0x3F8D] =	sst s0  }
0x9: {  	[smem:$0x3F8E] =	sst s1  }
0xa: {  	[smem:$0x3F8F] =	sst s2  }
0xb: {  	[smem:$0x3F90] =	sst s3  }
0xc: {  	[smem:$0x3F91] =	sst s4  }
0xd: {  	[smem:$0x3F92] =	sst s5  }
0xe: {  	[smem:$0x3F93] =	sst s6  }
0xf: {  	[smem:$0x3F94] =	sst s7  }
0x10: {  	[smem:$0x3F95] =	sst s8  }
0x11: {  	[smem:$0x3F96] =	sst s9;
	s0 =	simm.s32 @!p0 $0x0  }
0x12: {  	s1 =	sld [smem:$0x3F7C];
	s0 =	simm.s32 @p0 $0x1  }
0x13: {  	[smem:$0x3F97] =	sst s0;
	s0 =	simm.s32 @!p1 $0x0  }
0x14: {  	s2 =	sld [smem:$0x3F7B];
	s0 =	simm.s32 @p1 $0x1  }
0x15: {  	[smem:$0x3F98] =	sst s0;
	s0 =	simm.s32 @!p2 $0x0  }
0x16: {  	s3 =	sld [smem:$0x3FDB];
	s0 =	simm.s32 @p2 $0x1  }
0x17: {  	s4 =	simm.s32 $0x1BF5;
	[smem:$0x3F9A] =	sst s0  }
0x18: {  	s0 =	sld [smem:$0x3F7D];
	_ =	swait.ge [sflag:s4], $0x0  }
0x19: {  	s7 =	sld [smem:$0x3F7E]  }
0x1a: {  	s8 =	sadd.s32 $0xFFFFE003, lr  }
0x1b: {  	s9 =	sadd.s32 $0xFFFFFEF7, lr;
	s5 =	simm.s32 $0xFFFFFFFF;
	p2 =	slt.u32 s8, $0xFFFFF086  }
0x1c: {  	p1 =	slt.u32 s9, $0xF7A;
	s5 =	simm.s32 @!p2 $0x0  }
0x1d: {  	s5 =	simm.s32 @p1 $0x1;
	p0 =	seq.s32 s7, s2  }
0x1e: {  	s7 =	smul.u32 @!p0 $0xF7A, s2;
	p2 =	seq.s32 @!p0 s5, $0x0  }
0x1f: {  	s9 =	smul.u32 $0xF7A, s1;
	s8 =	simm.s32 @!p0 $0x1BF5;
	p2 =	por !p2, p0  }
0x20: {  	[sflag:s8] =	ssyncset.s32 @!p0 $0xFFFFF086;
	s6 =	sadd.s32 @!p0 s3, s7;
	s7 =	simm.s32 @!p0 $0x108  }
0x21: {  	s3 =	sadd.s32 s3, s9;
	s6 =	sadd.s32 @!p0 $0x88, s6;
	s7 =	simm.s32 @p2 $0x1082  }
0x22: {  	[simem:s7], [sflag:s8] =	dma.local @!p0 [hbm:s6], $0xF7A  }
0x23: {  	s9 =	sor.u32 $0xD0000000, s2;
	s6 =	simm.s32 $0x108;
	_ =	swait.ge @!p0 [sflag:s8], $0x0  }
0x24: {  	s3 =	sadd.s32 $0x88, s3;
	s6 =	simm.s32 @!p1 $0x1082;
	[sflag:s4] =	ssyncset.s32 $0xFFFFF086  }
0x25: {  	[simem:s6], [sflag:s4] =	dma.local [hbm:s3], $0xF7A  }
0x26: {  	[smem:$0x3F7E] =	sst s1;
	(tag) =	ssettag s2;
	_ =	strace s9  }
0x27: {  	s1 =	sld [smem:$0x3F8E]  }
0x28: {  	s2 =	sld [smem:$0x3F8F]  }
0x29: {  	s4 =	sld [smem:$0x3F91]  }
0x2a: {  	p0 =	seq.s32 s5, $0x0;
	s5 =	sld [smem:$0x3F92]  }
0x2b: {  	s6 =	sld [smem:$0x3F93]  }
0x2c: {  	s7 =	sld [smem:$0x3F94]  }
0x2d: {  	s3 =	simm.s32 $0x108;
	s8 =	sld [smem:$0x3F95]  }
0x2e: {  	s3 =	simm.s32 @!p0 $0x1082;
	s9 =	sld [smem:$0x3F96]  }
0x2f: {  	lr =	sadd.s32 s0, s3;
	s0 =	sld [smem:$0x3F8D]  }
0x30: {  	s3 =	sld [smem:$0x3F90]  }
0x31: {  	[smem:$0x3F99] =	sst s10  }
0x32: {  	s10 =	sld [smem:$0x3F97];
	_ =	sdelay $0x3  }
0x33: {  	p0 =	seq.s32 s10, $0x1;
	s10 =	sld [smem:$0x3F99];
	_ =	sdelay $0x3  }
0x34: {  	[smem:$0x3F99] =	sst s10  }
0x35: {  	s10 =	sld [smem:$0x3F98];
	_ =	sdelay $0x3  }
0x36: {  	p1 =	seq.s32 s10, $0x1;
	s10 =	sld [smem:$0x3F99];
	_ =	sdelay $0x3  }
0x37: {  	[smem:$0x3F99] =	sst s10  }
0x38: {  	s10 =	sld [smem:$0x3F9A]  }
0x39: {  	_ = 	snop;
	(pc) =	sbr.ind lr, $3  }
0x3a: {  	_ = 	snop  }
0x3b: {  	_ = 	snop  }
0x3c: {  	p2 =	seq.s32 s10, $0x1;
	s10 =	sld [smem:$0x3F99]  }
0x3d: {  	_ =	shalt  }
0x3e: {  	_ =	shalt  }
0x3f: {  	_ =	shalt  }
0x40: {  	_ =	shalt  }
0x41: {  	_ =	shalt  }
0x42: {  	_ =	shalt  }
0x43: {  	_ =	shalt  }
0x44: {  	_ =	shalt  }
0x45: {  	_ =	shalt  }
0x46: {  	_ =	shalt  }
0x47: {  	_ =	shalt  }
0x48: {  	_ =	shalt  }
0x49: {  	_ =	shalt  }
0x4a: {  	_ =	shalt  }
0x4b: {  	_ =	shalt  }
0x4c: {  	_ =	shalt  }
0x4d: {  	_ =	shalt  }
0x4e: {  	_ =	shalt  }
0x4f: {  	_ =	shalt  }
0x50: {  	_ =	shalt  }
0x51: {  	_ =	shalt  }
0x52: {  	_ =	shalt  }
0x53: {  	_ =	shalt  }
0x54: {  	_ =	shalt  }
0x55: {  	_ =	shalt  }
0x56: {  	_ =	shalt  }
0x57: {  	_ =	shalt  }
0x58: {  	_ =	shalt  }
0x59: {  	_ =	shalt  }
0x5a: {  	_ =	shalt  }
0x5b: {  	_ =	shalt  }
0x5c: {  	_ =	shalt  }
0x5d: {  	_ =	shalt  }
0x5e: {  	_ =	shalt  }
0x5f: {  	_ =	shalt  }
0x60: {  	_ =	shalt  }
0x61: {  	_ =	shalt  }
0x62: {  	_ =	shalt  }
0x63: {  	_ =	shalt  }
0x64: {  	_ =	shalt  }
0x65: {  	_ =	shalt  }
0x66: {  	_ =	shalt  }
0x67: {  	_ =	shalt  }
0x68: {  	_ =	shalt  }
0x69: {  	_ =	shalt  }
0x6a: {  	_ =	shalt  }
0x6b: {  	_ =	shalt  }
0x6c: {  	_ =	shalt  }
0x6d: {  	_ =	shalt  }
0x6e: {  	_ =	shalt  }
0x6f: {  	_ =	shalt  }
0x70: {  	_ =	shalt  }
0x71: {  	_ =	shalt  }
0x72: {  	_ =	shalt  }
0x73: {  	_ =	shalt  }
0x74: {  	_ =	shalt  }
0x75: {  	_ =	shalt  }
0x76: {  	_ =	shalt  }
0x77: {  	_ =	shalt  }
0x78: {  	_ =	shalt  }
0x79: {  	_ =	shalt  }
0x7a: {  	_ =	shalt  }
0x7b: {  	_ =	shalt  }
0x7c: {  	_ =	shalt  }
0x7d: {  	_ =	shalt  }
0x7e: {  	_ =	shalt  }
0x7f: {  	_ =	shalt  }
0x80: {  	_ =	shalt  }
0x81: {  	_ =	shalt  }
0x82: {  	_ =	shalt  }
0x83: {  	_ =	shalt  }
0x84: {  	_ =	shalt  }
0x85: {  	_ =	shalt  }
0x86: {  	_ =	shalt  }
0x87: {  	_ =	shalt  }
.Lfunc_end0:
.L_simem_size_0:
called_computation.2_lowered:
.L_overlay_start_0:
0x88: {  	s2 =	sld [smem:$0x3FD9]  }
0x89: {  	s3 =	sld [smem:$0x3FFE];
	_ =	sdelay $0x1  }
0x8a: {  	s1 =	srdreg.scid  }
0x8b: {  	s0 =	sand.u32 $0x1, s1  }
0x8c: {  	s16 =	sshll.u32 s0, $0xA;
	s2 =	sadd.s32 s3, s2  }
0x8d: {  	s2 =	sadd.s32 s2, s16  }
0x8e: {  	[smem:$0x3FA5] =	sst s2  }
0x8f: {  	_ = 	snop  }
0x90: {  	(tm) =	ssettm $0x1  }
0x91: {  	s17 =	sld [smem:$0x3FFB];
	_ =	sdelay $0x3  }
0x92: {  	_ =	strace s17  }
0x93: {  	s2 =	sld [smem:$0x3FFC];
	_ =	sdelay $0x3  }
0x94: {  	_ =	strace s2  }
0x95: {  	s2 =	sld [smem:$0x3FFD];
	_ =	sdelay $0x3  }
0x96: {  	_ =	strace s2  }
0x97: {  	_ =	strace $0x8FFFFFFF  }
0x98: {  	s18 =	sld [smem:$0x3FDB];
	_ =	sdelay $0x1  }
0x99: {  	s19 =	simm.s32 $_scs_section_size  }
0x9a: {  	s4 =	simm.s32 $_size__tile_overlayer_lowered;
	s5 =	simm.s32 $_tile_overlayer_lowered  }
0x9b: {  	s22 =	simm.s32 $0x1BFF;
	s21 =	sshll.u32 s5, $0x1;
	s2 =	sadd.s32 s19, s18  }
0x9c: {  	s6 =	simm.s32 $0x0;
	s20 =	sshll.u32 s4, $0x1;
	s4 =	sadd.s32 s21, s2  }
0x9d: {  	[timem:s6], [sflag:s22] =	dma.local [hbm:s4], s20  }
0x9e: {  	_ =	swait.ge [sflag:s22], s20  }
0x9f: {  	s3 =	ssub.s32 $0x0, s20;
	[sflag:s22] =	ssyncset.done $0x0  }
0xa0: {  	[sflag:s22] =	ssyncadd.s32 s3;
	_ =	sdelay $0x1  }
0xa1: {  	s23 =	simm.s32 $0x1B8B  }
0xa2: {  	_ =	swait.ge [sflag:s23], $0x1  }
0xa3: {  	[sflag:s23] =	ssyncset.done $0x0  }
0xa4: {  	s25 =	simm.s32 $0x1B8E;
	s24 =	sld [smem:$0x3FFE];
	[sflag:s23] =	ssyncadd.s32 $0xFFFFFFFF  }
0xa5: {  	s26 =	simm.s32 $execute0_lowered;
	[smem:$0x3FD2] =	sst s25  }
0xa6: {  	s4 =	sshll.u32 s26, $0x1;
	_ =	strace $0x8000004C;
	[dreg:$0x1] =	wrdreg $0xFFFFFFFF  }
0xa7: {  	s28 =	simm.s32 $_size_execute0_lowered;
	s2 =	sadd.s32 s2, s4;
	[dreg:$0x0] =	wrdreg $0x0  }
0xa8: {  	s4 =	sshll.u32 s28, $0x1;
	[dreg:$0x2] =	wrdreg s2  }
0xa9: {  	[dreg:$0x3] =	wrdreg s4  }
0xaa: {  	[dreg:$0x4] =	wrdreg $0xC0  }
0xab: {  	_ =	task [dreg:s6], $0x5FFFF  }
0xac: {  	[dreg:$0x1] =	wrdreg $0xFFFFFFFF  }
0xad: {  	[dreg:$0x0] =	wrdreg $0x60  }
0xae: {  	[dreg:$0x2] =	wrdreg s24  }
0xaf: {  	[dreg:$0x3] =	wrdreg $0x88000  }
0xb0: {  	[dreg:$0x4] =	wrdreg $0x9  }
0xb1: {  	_ =	task.clear_ibuf [dreg:s6], $0x5FFFF;
	_ =	strace $0x9000004C  }
0xb2: {  	s29 =	simm.s32 $0x9;
	_ =	strace $0x8000004E  }
0xb3: {  	_ =	swait.ge [sflag:s29], $0x1  }
0xb4: {  	[sflag:s29] =	ssyncadd.s32 $0xFFFFFFFF  }
0xb5: {  	_ =	strace $0x9000004E  }
0xb6: {  	_ =	sfence  }
0xb7: {  	s30 =	sld [smem:$0x0];
	_ =	sdelay $0x2  }
0xb8: {  	s31 =	sshll.u32 s1, $0xD;
	s1 =	sshrl.u32 s1, $0x2  }
0xb9: {  	s3 =	sand.u32 $0x4000, s31;
	s1 =	sadd.s32 s1, s30  }
0xba: {  	s0 =	sor.u32 s3, s0;
	s1 =	sshll.u32 s1, $0x11  }
0xbb: {  	s0 =	sor.u32 s1, s0  }
0xbc: {  	s0 =	sadd.s32 $0x8F2B, s0  }
0xbd: {  	[sflag:s0] =	ssyncadd.remote.s32 $0x1  }
0xbe: {  	_ =	sfence.sel $0xFFFF  }
0xbf: {  	[dreg:$0x0] =	wrdreg $0xFFFFFFFF;
	(pc) =	sbr.abs _section_cstart, $3  }
0xc0: {  	[dreg:$0x1] =	wrdreg $0xFFFFFFFF  }
0xc1: {  	_ =	task.clear_ibuf [dreg:s6], $0x2FFFF;
	_ =	strace $0x9FFFFFFF  }
0xc2: {  	(tm) =	ssettm $0x7FFFFFFF  }
0xc3: {  	_ =	shalt  }
tec
execute0_lowered:
.L_overlay_start_1:
0x0: {  	(tag) =	ssettag $0x1  }
0x1: {  	s8 =	rddreg [dreg:$0x0]  }
0x2: {  	s1 =	rddreg [dreg:$0x1];
	s3 =	simm.s32 $0x0  }
0x3: {  	s0 =	stileid.u32;
	s5 =	srdreg.scid;
	s17 =	simm.s32 $0x9  }
0x4: {  	s18 =	simm.s32 $0x1;
	s21 =	simm.s32 $0x50;
	s25 =	simm.s32 $0x7  }
0x5: {  	s26 =	simm.s32 $0x0;
	[smem:$0x7FF] =	sst s3;
	s4 =	sadd.s32 $0x38A00, s8  }
0x6: {  	s7 =	smul.u32 $0x14000, s0;
	s9 =	sand.u32 $0x1, s5;
	s5 =	sadd.s32 $0x6A00, s8  }
0x7: {  	s6 =	sadd.s32 $0x1FA00, s8;
	s28 =	smul.u32 $0x50000, s0;
	s31 =	sshll.u32 s0, $0x6  }
0x8: {  	_ =	strace $0x8000004D;
	s10 =	smul.u32 $0x140000, s9;
	s11 =	sshll.u32 s9, $0x4  }
0x9: {  	s9 =	ssub.s32 $0x2, s9;
	s12 =	sshrl.u32 s7, $0x3;
	s11 =	sor.u32 s0, s11  }
0xa: {  	s29 =	sshrl.u32 s9, $0x1;
	s30 =	sshrl.u32 s28, $0x2;
	s12 =	sadd.s32 s12, s8  }
0xb: {  	s10 =	sadd.s32 s7, s10;
	s7 =	smul.u32 $0x6400, s11;
	s15 =	ssub.s32 s9, s29  }
.Ltmp0:
0xc: {  	s16 =	sadd.s32 s30, s1;
	s11 =	sor.u32 $0x1C09, s31;
	(pc) =	sbr.rel .LBB2_1-.Ltmp0, $4  }
0xd: {  	s10 =	sshrl.u32 s10, $0x3;
	s15 =	smax.u32 s15, $0x1;
	s16 =	sshrl.u32 s16, $0x3  }
0xe: {  	s14 =	sadd.s32 s10, s8;
	s13 =	sshrl.u32 s7, $0x3;
	s10 =	sadd.s32 $0x60A00, s12  }
0xf: {  	s8 =	sadd.s32 s5, s13;
	s9 =	sadd.s32 s6, s13;
	s13 =	sadd.s32 $0x80, s13  }
0x10: {  	s14 =	sadd.s32 $0x88A00, s14;
	s12 =	sadd.s32 s5, s13;
	s13 =	sadd.s32 s6, s13  }
.LBB2_7:
0x11: {  	_ =	swait.ge [sflag:s25], $0x2800  }
0x12: {  	s26 =	sadd.s32 $0x1, s26;
	[sflag:s25] =	ssyncset.done $0x0  }
0x13: {  	p0 =	sne.s32 s26, s15;
	[sflag:s25] =	ssyncadd.s32 $0xFFFFD800  }
.Ltmp1:
0x14: {  	[bflag:$0x0] =	sbarrier.arrive $0xFFFF;
	(pc) =	sbr.rel @!p0 .LBB2_8-.Ltmp1, $4  }
0x15: {  	[hbm:s14], [sflag:s11] =	dma.local [spmem:s16], $0x2800  }
0x16: {  	_ =	swait.ge [sflag:s17], $0x2800  }
0x17: {  	[sflag:s17] =	ssyncset.done $0x0  }
0x18: {  	[sflag:s17] =	ssyncadd.s32 $0xFFFFD800  }
.LBB2_1:
0x19: {  	[tilespmem:s3], [sflag:$0x1] =	stream.linear.gather [hbm4b:s8+s3], $0x280, $0x38;
	[tilespmem:$0x1C800] =	vst v63  }
0x1a: {  	s28 =	simm.s32 $0x800  }
0x1b: {  	[tilespmem:s28], [sflag:$0x1] =	stream.linear.gather [hbm4b:s9+s3], $0x280, $0x38;
	[tilespmem:$0x1C800] =	vst v63  }
0x1c: {  	[spmem:s16], [sflag:s11] =	dma.local [hbm:s10], $0x2800  }
0x1d: {  	_ =	swait.ge [sflag:s17], $0x2800  }
0x1e: {  	[sflag:s17] =	ssyncset.done $0x0  }
0x1f: {  	[sflag:s17] =	ssyncadd.s32 $0xFFFFD800  }
0x20: {  	[bflag:$0x0] =	sbarrier.arrive $0xFFFF  }
0x21: {  	_ =	swait.ge [sflag:s18], $0x280  }
0x22: {  	[sflag:s18] =	ssyncset.done $0x0  }
0x23: {  	[sflag:s18] =	ssyncadd.s32 $0xFFFFFD80  }
0x24: {  	_ =	swait.ge [sflag:s18], $0x280  }
0x25: {  	[sflag:s18] =	ssyncset.done $0x0  }
0x26: {  	s0 =	simm.s32 $0x400;
	[sflag:s18] =	ssyncadd.s32 $0xFFFFFD80  }
0x27: {  	[tilespmem:s0], [sflag:$0x2] =	stream.linear.gather [hbm4b:s12+s3], $0x280, $0x38;
	[tilespmem:$0x1C800] =	vst v63  }
0x28: {  	s22 =	simm.s32 $0xC00  }
0x29: {  	[tilespmem:s22], [sflag:$0x2] =	stream.linear.gather [hbm4b:s13+s3], $0x280, $0x38;
	[tilespmem:$0x1C800] =	vst v63  }
.Ltmp2:
0x2a: {  	_ = 	snop;
	(pc) =	sbr.rel .LBB2_2-.Ltmp2, $4  }
0x2b: {  	s23 =	simm.s32 $0x1000;
	s24 =	simm.s32 $0x80;
	s2 =	simm.s32 $0x3800  }
0x2c: {  	[tilespmem:s23], [sflag:$0x3] =	stream.indirect.gather [hbm4b:s4+s21], $0x80, s3, s21, $0xb8;
	[tilespmem:$0x1C800] =	vst v63  }
0x2d: {  	s29 =	simm.s32 $0x100;
	s30 =	simm.s32 $0x2;
	s31 =	simm.s32 $0x0  }
0x2e: {  	[tilespmem:s2], [sflag:$0x4] =	stream.indirect.gather [hbm4b:s4+s21], $0x80, s24, s21, $0xb8;
	[tilespmem:$0x1C800] =	vst v63  }
.LBB2_3:
0x2f: {  	s0 =	smul.u32 $0xCD, s31;
	_ =	sdelay $0x1  }
0x30: {  	s0 =	sshrl.u32 s0, $0xA  }
0x31: {  	s0 =	sand.u32 $0x3F, s0  }
0x32: {  	s0 =	sadd.s32 $0x1, s0  }
0x33: {  	s2 =	sshll.u32 s0, $0xA  }
0x34: {  	s2 =	sadd.s32 s7, s2  }
0x35: {  	s0 =	sand.u32 $0x1, s0;
	s2 =	sshrl.u32 s2, $0x3  }
0x36: {  	s19 =	sadd.s32 $0x1, s0;
	s0 =	sshll.u32 s0, $0xA;
	s20 =	sadd.s32 s5, s2  }
0x37: {  	[tilespmem:s0], [sflag:s19] =	stream.linear.gather [hbm4b:s20+s3], $0x280, $0x38;
	[tilespmem:$0x1C800] =	vst v63  }
0x38: {  	s2 =	sadd.s32 s6, s2;
	s0 =	sor.u32 $0x800, s0  }
0x39: {  	[tilespmem:s0], [sflag:s19] =	stream.linear.gather [hbm4b:s2+s3], $0x280, $0x38;
	[tilespmem:$0x1C800] =	vst v63  }
.LBB2_5:
0x3a: {  	s0 =	smulhi.u32 $0xCCCCCCCD, s30;
	s2 =	sadd.s32 $0x2, s31  }
0x3b: {  	s20 =	smul.u32 $0xAB, s2  }
0x3c: {  	s23 =	smul.u32 $0xCD, s2;
	s19 =	sshrl.u32 s0, $0x2  }
0x3d: {  	s22 =	smul.u32 $0x5, s19;
	s20 =	sshrl.u32 s20, $0x9  }
0x3e: {  	s20 =	sand.u32 $0x7F, s20  }
0x3f: {  	s23 =	sshrl.u32 s23, $0xA;
	s22 =	sadd.s32 $0xFFFFFFFE, s22;
	s20 =	smul.u32 $0x3, s20  }
0x40: {  	p0 =	sne.s32 s22, s31;
	s22 =	sand.u32 $0x1, s23  }
0x41: {  	s2 =	ssub.s32 s2, s20;
	s20 =	sadd.s32 @!p0 $0x1, s22  }
0x42: {  	s0 =	sshll.u32 s0, $0xA;
	s19 =	smul.u32 $0xA00, s19;
	_ =	swait.ge @!p0 [sflag:s20], $0x280  }
0x43: {  	s0 =	sand.u32 $0x1000, s0;
	s2 =	sand.u32 $0xFF, s2;
	[sflag:s20] =	ssyncset.done @!p0 $0x0  }
0x44: {  	s0 =	ssub.s32 s0, s19;
	s24 =	smul.u32 $0xA000, s2;
	[sflag:s20] =	ssyncadd.s32 @!p0 $0xFFFFFD80  }
0x45: {  	s0 =	sshra.s32 s0, $0x2;
	_ =	swait.ge @!p0 [sflag:s20], $0x280  }
0x46: {  	s0 =	sadd.s32 s0, s29;
	s19 =	sshrl.u32 s24, $0x2;
	[sflag:s20] =	ssyncset.done @!p0 $0x0  }
0x47: {  	s2 =	sadd.s32 $0x3, s2;
	s19 =	sadd.s32 $0x1000, s19;
	[sflag:s20] =	ssyncadd.s32 @!p0 $0xFFFFFD80  }
0x48: {  	[tilespmem:s19], [sflag:s2] =	stream.indirect.gather [hbm4b:s4+s21], $0x80, s0, s21, $0xb8;
	[tilespmem:$0x1C800] =	vst v63  }
.LBB2_6:
0x49: {  	s31 =	sadd.s32 $0x1, s31  }
0x4a: {  	p0 =	sne.s32 s31, $0x7D  }
.Ltmp3:
0x4b: {  	_ = 	snop;
	(pc) =	sbr.rel @!p0 .LBB2_7-.Ltmp3, $2  }
0x4c: {  	_ =	sdelay $0x2  }
0x4d: {  	s28 =	sadd.s32 $0x80, s28;
	s29 =	sadd.s32 $0x80, s29;
	s30 =	sadd.s32 $0x1, s30  }
.LBB2_2:
0x4e: {  	s0 =	smul.u32 $0xAB, s31;
	p0 =	seq.s32 s31, $0x0  }
0x4f: {  	s2 =	sadd.s32 @!p0 $0x2, s31  }
0x50: {  	s0 =	sshrl.u32 s0, $0x9;
	s19 =	sand.u32 @!p0 $0xFF, s2  }
0x51: {  	s0 =	sand.u32 $0x7F, s0;
	s19 =	smul.u32 @!p0 $0xAB, s19  }
0x52: {  	s0 =	smul.u32 $0x3, s0  }
0x53: {  	s20 =	smulhi.u32 $0xCCCCCCCD, s31  }
0x54: {  	s19 =	sshrl.u32 @!p0 s19, $0x9;
	s0 =	ssub.s32 s31, s0  }
0x55: {  	s22 =	sshrl.u32 s20, $0x2;
	s19 =	smul.u32 @!p0 $0x3, s19;
	s0 =	sand.u32 $0xFF, s0  }
0x56: {  	s20 =	sshll.u32 s20, $0xA;
	s23 =	smul.u32 $0xA00, s22;
	s24 =	sadd.s32 $0x3, s0  }
0x57: {  	s20 =	sand.u32 $0x1000, s20;
	s2 =	ssub.s32 @!p0 s2, s19;
	_ =	swait.ge [sflag:s24], $0x2800  }
0x58: {  	s19 =	ssub.s32 s20, s23;
	s2 =	sand.u32 @!p0 $0xFF, s2;
	[sflag:s24] =	ssyncset.done $0x0  }
0x59: {  	s23 =	smul.u32 $0xA000, s0;
	s2 =	sadd.s32 @!p0 $0x6, s2;
	[sflag:s24] =	ssyncadd.s32 $0xFFFFD800  }
0x5a: {  	s0 =	sadd.s32 $0x6, s0;
	_ =	swait.ge @!p0 [sflag:s2], $0x2800  }
0x5b: {  	s19 =	sshra.s32 s19, $0x2;
	s20 =	sshrl.u32 s23, $0x2;
	[sflag:s2] =	ssyncset.done @!p0 $0x0  }
0x5c: {  	s19 =	sadd.s32 s19, s28;
	s20 =	sadd.s32 $0x1000, s20;
	[sflag:s2] =	ssyncadd.s32 @!p0 $0xFFFFD800  }
0x5d: {  	[spmem:s1] =	stream.indirect.scatter.add.f32 [tilespmem:s20], [sflag:s0], $0x80, s19, s21, $0xb8;
	[tilespmem:$0x1C800] =	vst v63  }
0x5e: {  	s24 =	sadd.s32 $0xFFFFFFFF, s31;
	s0 =	smul.u32 $0x5, s22  }
0x5f: {  	p0 =	sgt.u32 s24, $0x76  }
0x60: {  	p1 =	sne.s32 @!p0 s0, s31  }
0x61: {  	p0 =	por p0, p1  }
.Ltmp4:
0x62: {  	_ = 	snop;
	(pc) =	sbr.rel @!p0 .LBB2_3-.Ltmp4, $1  }
0x63: {  	_ =	sdelay $0x3  }
0x64: {  	p0 =	sgt.u32 s31, $0x7A  }
.Ltmp5:
0x65: {  	_ = 	snop;
	(pc) =	sbr.rel @p0 .LBB2_6-.Ltmp5, $4  }
.Ltmp6:
0x66: {  	_ = 	snop;
	(pc) =	sbr.rel @!p0 .LBB2_5-.Ltmp6, $4  }
0x67: {  	_ = 	snop  }
0x68: {  	_ = 	snop  }
0x69: {  	_ = 	snop  }
0x6a: {  	_ = 	snop  }
.LBB2_8:
0x6b: {  	_ =	sfence.sel $0x180000  }
0x6c: {  	[bflag:$0x0] =	sbarrier.arrive $0xFFFF  }
0x6d: {  	_ =	strace $0x9000004D  }
0x6e: {  	s0 =	stileid.u32;
	[bflag:$0x2] =	sbarrier.arrive $0xFFFF  }
0x6f: {  	p0 =	sne.s32 s0, $0x0;
	s0 =	rddreg [dreg:$0x2]  }
0x70: {  	s0 =	sadd.s32 @!p0 $0x100000, s0  }
0x71: {  	[sflag:s0] =	ssyncadd.tile.s32 @!p0 $0x1;
	_ =	shalt  }
.Lfunc_end2:
_tile_overlayer_lowered:
.L_overlay_start_2:
0x72: {  	(tag) =	ssettag $0x2  }
0x73: {  	s0 =	rddreg [dreg:$0x0];
	s2 =	stileid.u32  }
0x74: {  	s1 =	rddreg [dreg:$0x1];
	p0 =	sne.s32 s2, $0x0  }
0x75: {  	s3 =	rddreg [dreg:$0x2];
	[bflag:$0x3] =	sbarrier.arrive $0xFFFF;
	s2 =	simm.s32 @!p0 $0x1C09  }
0x76: {  	[timem:s3], [sflag:s2] =	dma.local @!p0 [hbm:s0], s1  }
0x77: {  	s0 =	simm.s32 @!p0 $0x9  }
0x78: {  	_ =	swait.ge @!p0 [sflag:s0], s1  }
0x79: {  	s1 =	ssub.s32 @!p0 $0x0, s1;
	[sflag:s0] =	ssyncset.done @!p0 $0x0  }
0x7a: {  	[sflag:s0] =	ssyncadd.s32 @!p0 s1  }
0x7b: {  	[bflag:$0x3] =	sbarrier.arrive $0xFFFF  }
0x7c: {  	_ =	shalt  }

// kernel: kernel.8.cloned.1.call-start
scs
__scs_entry_jumppad:
0x0: {  	(pc) =	sbr.rel $0x88, $3  }
0x1: {  	(tag) =	ssettag $0x0;
	lr =	simm.s32 $0x1  }
0x2: {  	[smem:$0x3F7E] =	sst lr;
	_ =	strace $0xD0000000  }
0x3: {  	_ = 	snop  }
0x4: {  	_ = 	snop  }
0x5: {  	_ = 	snop  }
0x6: {  	_ = 	snop  }
0x7: {  	_ = 	snop  }
__scs_overlays_trampoline_lowered:
0x8: {  	[smem:$0x3F8D] =	sst s0  }
0x9: {  	[smem:$0x3F8E] =	sst s1  }
0xa: {  	[smem:$0x3F8F] =	sst s2  }
0xb: {  	[smem:$0x3F90] =	sst s3  }
0xc: {  	[smem:$0x3F91] =	sst s4  }
0xd: {  	[smem:$0x3F92] =	sst s5  }
0xe: {  	[smem:$0x3F93] =	sst s6  }
0xf: {  	[smem:$0x3F94] =	sst s7  }
0x10: {  	[smem:$0x3F95] =	sst s8  }
0x11: {  	[smem:$0x3F96] =	sst s9;
	s0 =	simm.s32 @!p0 $0x0  }
0x12: {  	s1 =	sld [smem:$0x3F7C];
	s0 =	simm.s32 @p0 $0x1  }
0x13: {  	[smem:$0x3F97] =	sst s0;
	s0 =	simm.s32 @!p1 $0x0  }
0x14: {  	s2 =	sld [smem:$0x3F7B];
	s0 =	simm.s32 @p1 $0x1  }
0x15: {  	[smem:$0x3F98] =	sst s0;
	s0 =	simm.s32 @!p2 $0x0  }
0x16: {  	s3 =	sld [smem:$0x3FDB];
	s0 =	simm.s32 @p2 $0x1  }
0x17: {  	s4 =	simm.s32 $0x1BF5;
	[smem:$0x3F9A] =	sst s0  }
0x18: {  	s0 =	sld [smem:$0x3F7D];
	_ =	swait.ge [sflag:s4], $0x0  }
0x19: {  	s7 =	sld [smem:$0x3F7E]  }
0x1a: {  	s8 =	sadd.s32 $0xFFFFE003, lr  }
0x1b: {  	s9 =	sadd.s32 $0xFFFFFEF7, lr;
	s5 =	simm.s32 $0xFFFFFFFF;
	p2 =	slt.u32 s8, $0xFFFFF086  }
0x1c: {  	p1 =	slt.u32 s9, $0xF7A;
	s5 =	simm.s32 @!p2 $0x0  }
0x1d: {  	s5 =	simm.s32 @p1 $0x1;
	p0 =	seq.s32 s7, s2  }
0x1e: {  	s7 =	smul.u32 @!p0 $0xF7A, s2;
	p2 =	seq.s32 @!p0 s5, $0x0  }
0x1f: {  	s9 =	smul.u32 $0xF7A, s1;
	s8 =	simm.s32 @!p0 $0x1BF5;
	p2 =	por !p2, p0  }
0x20: {  	[sflag:s8] =	ssyncset.s32 @!p0 $0xFFFFF086;
	s6 =	sadd.s32 @!p0 s3, s7;
	s7 =	simm.s32 @!p0 $0x108  }
0x21: {  	s3 =	sadd.s32 s3, s9;
	s6 =	sadd.s32 @!p0 $0x88, s6;
	s7 =	simm.s32 @p2 $0x1082  }
0x22: {  	[simem:s7], [sflag:s8] =	dma.local @!p0 [hbm:s6], $0xF7A  }
0x23: {  	s9 =	sor.u32 $0xD0000000, s2;
	s6 =	simm.s32 $0x108;
	_ =	swait.ge @!p0 [sflag:s8], $0x0  }
0x24: {  	s3 =	sadd.s32 $0x88, s3;
	s6 =	simm.s32 @!p1 $0x1082;
	[sflag:s4] =	ssyncset.s32 $0xFFFFF086  }
0x25: {  	[simem:s6], [sflag:s4] =	dma.local [hbm:s3], $0xF7A  }
0x26: {  	[smem:$0x3F7E] =	sst s1;
	(tag) =	ssettag s2;
	_ =	strace s9  }
0x27: {  	s1 =	sld [smem:$0x3F8E]  }
0x28: {  	s2 =	sld [smem:$0x3F8F]  }
0x29: {  	s4 =	sld [smem:$0x3F91]  }
0x2a: {  	p0 =	seq.s32 s5, $0x0;
	s5 =	sld [smem:$0x3F92]  }
0x2b: {  	s6 =	sld [smem:$0x3F93]  }
0x2c: {  	s7 =	sld [smem:$0x3F94]  }
0x2d: {  	s3 =	simm.s32 $0x108;
	s8 =	sld [smem:$0x3F95]  }
0x2e: {  	s3 =	simm.s32 @!p0 $0x1082;
	s9 =	sld [smem:$0x3F96]  }
0x2f: {  	lr =	sadd.s32 s0, s3;
	s0 =	sld [smem:$0x3F8D]  }
0x30: {  	s3 =	sld [smem:$0x3F90]  }
0x31: {  	[smem:$0x3F99] =	sst s10  }
0x32: {  	s10 =	sld [smem:$0x3F97];
	_ =	sdelay $0x3  }
0x33: {  	p0 =	seq.s32 s10, $0x1;
	s10 =	sld [smem:$0x3F99];
	_ =	sdelay $0x3  }
0x34: {  	[smem:$0x3F99] =	sst s10  }
0x35: {  	s10 =	sld [smem:$0x3F98];
	_ =	sdelay $0x3  }
0x36: {  	p1 =	seq.s32 s10, $0x1;
	s10 =	sld [smem:$0x3F99];
	_ =	sdelay $0x3  }
0x37: {  	[smem:$0x3F99] =	sst s10  }
0x38: {  	s10 =	sld [smem:$0x3F9A]  }
0x39: {  	_ = 	snop;
	(pc) =	sbr.ind lr, $3  }
0x3a: {  	_ = 	snop  }
0x3b: {  	_ = 	snop  }
0x3c: {  	p2 =	seq.s32 s10, $0x1;
	s10 =	sld [smem:$0x3F99]  }
0x3d: {  	_ =	shalt  }
0x3e: {  	_ =	shalt  }
0x3f: {  	_ =	shalt  }
0x40: {  	_ =	shalt  }
0x41: {  	_ =	shalt  }
0x42: {  	_ =	shalt  }
0x43: {  	_ =	shalt  }
0x44: {  	_ =	shalt  }
0x45: {  	_ =	shalt  }
0x46: {  	_ =	shalt  }
0x47: {  	_ =	shalt  }
0x48: {  	_ =	shalt  }
0x49: {  	_ =	shalt  }
0x4a: {  	_ =	shalt  }
0x4b: {  	_ =	shalt  }
0x4c: {  	_ =	shalt  }
0x4d: {  	_ =	shalt  }
0x4e: {  	_ =	shalt  }
0x4f: {  	_ =	shalt  }
0x50: {  	_ =	shalt  }
0x51: {  	_ =	shalt  }
0x52: {  	_ =	shalt  }
0x53: {  	_ =	shalt  }
0x54: {  	_ =	shalt  }
0x55: {  	_ =	shalt  }
0x56: {  	_ =	shalt  }
0x57: {  	_ =	shalt  }
0x58: {  	_ =	shalt  }
0x59: {  	_ =	shalt  }
0x5a: {  	_ =	shalt  }
0x5b: {  	_ =	shalt  }
0x5c: {  	_ =	shalt  }
0x5d: {  	_ =	shalt  }
0x5e: {  	_ =	shalt  }
0x5f: {  	_ =	shalt  }
0x60: {  	_ =	shalt  }
0x61: {  	_ =	shalt  }
0x62: {  	_ =	shalt  }
0x63: {  	_ =	shalt  }
0x64: {  	_ =	shalt  }
0x65: {  	_ =	shalt  }
0x66: {  	_ =	shalt  }
0x67: {  	_ =	shalt  }
0x68: {  	_ =	shalt  }
0x69: {  	_ =	shalt  }
0x6a: {  	_ =	shalt  }
0x6b: {  	_ =	shalt  }
0x6c: {  	_ =	shalt  }
0x6d: {  	_ =	shalt  }
0x6e: {  	_ =	shalt  }
0x6f: {  	_ =	shalt  }
0x70: {  	_ =	shalt  }
0x71: {  	_ =	shalt  }
0x72: {  	_ =	shalt  }
0x73: {  	_ =	shalt  }
0x74: {  	_ =	shalt  }
0x75: {  	_ =	shalt  }
0x76: {  	_ =	shalt  }
0x77: {  	_ =	shalt  }
0x78: {  	_ =	shalt  }
0x79: {  	_ =	shalt  }
0x7a: {  	_ =	shalt  }
0x7b: {  	_ =	shalt  }
0x7c: {  	_ =	shalt  }
0x7d: {  	_ =	shalt  }
0x7e: {  	_ =	shalt  }
0x7f: {  	_ =	shalt  }
0x80: {  	_ =	shalt  }
0x81: {  	_ =	shalt  }
0x82: {  	_ =	shalt  }
0x83: {  	_ =	shalt  }
0x84: {  	_ =	shalt  }
0x85: {  	_ =	shalt  }
0x86: {  	_ =	shalt  }
0x87: {  	_ =	shalt  }
.Lfunc_end0:
.L_simem_size_0:
called_computation_lowered:
.L_overlay_start_0:
0x88: {  	s2 =	sld [smem:$0x3FD9]  }
0x89: {  	s3 =	sld [smem:$0x3FFE];
	_ =	sdelay $0x1  }
0x8a: {  	s1 =	srdreg.scid  }
0x8b: {  	s0 =	sand.u32 $0x1, s1  }
0x8c: {  	s16 =	sshll.u32 s0, $0xA;
	s2 =	sadd.s32 s3, s2  }
0x8d: {  	s2 =	sadd.s32 s2, s16  }
0x8e: {  	[smem:$0x3FA5] =	sst s2  }
0x8f: {  	_ = 	snop  }
0x90: {  	(tm) =	ssettm $0x1  }
0x91: {  	s17 =	sld [smem:$0x3FFB];
	_ =	sdelay $0x3  }
0x92: {  	_ =	strace s17  }
0x93: {  	s2 =	sld [smem:$0x3FFC];
	_ =	sdelay $0x3  }
0x94: {  	_ =	strace s2  }
0x95: {  	s2 =	sld [smem:$0x3FFD];
	_ =	sdelay $0x3  }
0x96: {  	_ =	strace s2  }
0x97: {  	_ =	strace $0x8FFFFFFF  }
0x98: {  	s18 =	sld [smem:$0x3FDB];
	_ =	sdelay $0x1  }
0x99: {  	s19 =	simm.s32 $_scs_section_size  }
0x9a: {  	s4 =	simm.s32 $_size__tile_overlayer_lowered;
	s5 =	simm.s32 $_tile_overlayer_lowered  }
0x9b: {  	s22 =	simm.s32 $0x1BFF;
	s21 =	sshll.u32 s5, $0x1;
	s2 =	sadd.s32 s19, s18  }
0x9c: {  	s6 =	simm.s32 $0x0;
	s20 =	sshll.u32 s4, $0x1;
	s4 =	sadd.s32 s21, s2  }
0x9d: {  	[timem:s6], [sflag:s22] =	dma.local [hbm:s4], s20  }
0x9e: {  	_ =	swait.ge [sflag:s22], s20  }
0x9f: {  	s3 =	ssub.s32 $0x0, s20;
	[sflag:s22] =	ssyncset.done $0x0  }
0xa0: {  	[sflag:s22] =	ssyncadd.s32 s3;
	_ =	sdelay $0x1  }
0xa1: {  	s23 =	simm.s32 $0x1B8B  }
0xa2: {  	_ =	swait.ge [sflag:s23], $0x1  }
0xa3: {  	[sflag:s23] =	ssyncset.done $0x0  }
0xa4: {  	s25 =	simm.s32 $0x1B8E;
	s24 =	sld [smem:$0x3FFE];
	[sflag:s23] =	ssyncadd.s32 $0xFFFFFFFF  }
0xa5: {  	s26 =	simm.s32 $execute0_lowered;
	[smem:$0x3FD2] =	sst s25  }
0xa6: {  	s4 =	sshll.u32 s26, $0x1;
	_ =	strace $0x80000046;
	[dreg:$0x1] =	wrdreg $0xFFFFFFFF  }
0xa7: {  	s28 =	simm.s32 $_size_execute0_lowered;
	s2 =	sadd.s32 s2, s4;
	[dreg:$0x0] =	wrdreg $0x0  }
0xa8: {  	s4 =	sshll.u32 s28, $0x1;
	[dreg:$0x2] =	wrdreg s2  }
0xa9: {  	[dreg:$0x3] =	wrdreg s4  }
0xaa: {  	[dreg:$0x4] =	wrdreg $0xC0  }
0xab: {  	_ =	task [dreg:s6], $0x5FFFF  }
0xac: {  	[dreg:$0x1] =	wrdreg $0xFFFFFFFF  }
0xad: {  	[dreg:$0x0] =	wrdreg $0x60  }
0xae: {  	[dreg:$0x2] =	wrdreg s24  }
0xaf: {  	[dreg:$0x3] =	wrdreg $0x88000  }
0xb0: {  	[dreg:$0x4] =	wrdreg $0x9  }
0xb1: {  	_ =	task.clear_ibuf [dreg:s6], $0x5FFFF;
	_ =	strace $0x90000046  }
0xb2: {  	s29 =	simm.s32 $0x9;
	_ =	strace $0x80000048  }
0xb3: {  	_ =	swait.ge [sflag:s29], $0x1  }
0xb4: {  	[sflag:s29] =	ssyncadd.s32 $0xFFFFFFFF  }
0xb5: {  	_ =	strace $0x90000048  }
0xb6: {  	_ =	sfence  }
0xb7: {  	s30 =	sld [smem:$0x0];
	_ =	sdelay $0x2  }
0xb8: {  	s31 =	sshll.u32 s1, $0xD;
	s1 =	sshrl.u32 s1, $0x2  }
0xb9: {  	s3 =	sand.u32 $0x4000, s31;
	s1 =	sadd.s32 s1, s30  }
0xba: {  	s0 =	sor.u32 s3, s0;
	s1 =	sshll.u32 s1, $0x11  }
0xbb: {  	s0 =	sor.u32 s1, s0  }
0xbc: {  	s0 =	sadd.s32 $0x8F2B, s0  }
0xbd: {  	[sflag:s0] =	ssyncadd.remote.s32 $0x1  }
0xbe: {  	_ =	sfence.sel $0xFFFF  }
0xbf: {  	[dreg:$0x0] =	wrdreg $0xFFFFFFFF;
	(pc) =	sbr.abs _section_cstart, $3  }
0xc0: {  	[dreg:$0x1] =	wrdreg $0xFFFFFFFF  }
0xc1: {  	_ =	task.clear_ibuf [dreg:s6], $0x2FFFF;
	_ =	strace $0x9FFFFFFF  }
0xc2: {  	(tm) =	ssettm $0x7FFFFFFF  }
0xc3: {  	_ =	shalt  }
tec
execute0_lowered:
.L_overlay_start_1:
0x0: {  	(tag) =	ssettag $0x1  }
0x1: {  	s8 =	rddreg [dreg:$0x0]  }
0x2: {  	s1 =	rddreg [dreg:$0x1];
	s3 =	simm.s32 $0x0  }
0x3: {  	s0 =	stileid.u32;
	s5 =	srdreg.scid;
	s17 =	simm.s32 $0x9  }
0x4: {  	s18 =	simm.s32 $0x1;
	s21 =	simm.s32 $0x50;
	s25 =	simm.s32 $0x7  }
0x5: {  	s26 =	simm.s32 $0x0;
	[smem:$0x7FF] =	sst s3;
	s4 =	sadd.s32 $0x38A00, s8  }
0x6: {  	s7 =	smul.u32 $0x14000, s0;
	s9 =	sand.u32 $0x1, s5;
	s5 =	sadd.s32 $0x6A00, s8  }
0x7: {  	s6 =	sadd.s32 $0x1FA00, s8;
	s28 =	smul.u32 $0x50000, s0;
	s31 =	sshll.u32 s0, $0x6  }
0x8: {  	_ =	strace $0x80000047;
	s10 =	smul.u32 $0x140000, s9;
	s11 =	sshll.u32 s9, $0x4  }
0x9: {  	s9 =	ssub.s32 $0x2, s9;
	s12 =	sshrl.u32 s7, $0x3;
	s11 =	sor.u32 s0, s11  }
0xa: {  	s29 =	sshrl.u32 s9, $0x1;
	s30 =	sshrl.u32 s28, $0x2;
	s12 =	sadd.s32 s12, s8  }
0xb: {  	s10 =	sadd.s32 s7, s10;
	s7 =	smul.u32 $0x6400, s11;
	s15 =	ssub.s32 s9, s29  }
.Ltmp0:
0xc: {  	s16 =	sadd.s32 s30, s1;
	s11 =	sor.u32 $0x1C09, s31;
	(pc) =	sbr.rel .LBB2_1-.Ltmp0, $4  }
0xd: {  	s10 =	sshrl.u32 s10, $0x3;
	s15 =	smax.u32 s15, $0x1;
	s16 =	sshrl.u32 s16, $0x3  }
0xe: {  	s14 =	sadd.s32 s10, s8;
	s13 =	sshrl.u32 s7, $0x3;
	s10 =	sadd.s32 $0x60A00, s12  }
0xf: {  	s8 =	sadd.s32 s5, s13;
	s9 =	sadd.s32 s6, s13;
	s13 =	sadd.s32 $0x80, s13  }
0x10: {  	s14 =	sadd.s32 $0x88A00, s14;
	s12 =	sadd.s32 s5, s13;
	s13 =	sadd.s32 s6, s13  }
.LBB2_7:
0x11: {  	_ =	swait.ge [sflag:s25], $0x2800  }
0x12: {  	s26 =	sadd.s32 $0x1, s26;
	[sflag:s25] =	ssyncset.done $0x0  }
0x13: {  	p0 =	sne.s32 s26, s15;
	[sflag:s25] =	ssyncadd.s32 $0xFFFFD800  }
.Ltmp1:
0x14: {  	[bflag:$0x0] =	sbarrier.arrive $0xFFFF;
	(pc) =	sbr.rel @!p0 .LBB2_8-.Ltmp1, $4  }
0x15: {  	[hbm:s14], [sflag:s11] =	dma.local [spmem:s16], $0x2800  }
0x16: {  	_ =	swait.ge [sflag:s17], $0x2800  }
0x17: {  	[sflag:s17] =	ssyncset.done $0x0  }
0x18: {  	[sflag:s17] =	ssyncadd.s32 $0xFFFFD800  }
.LBB2_1:
0x19: {  	[tilespmem:s3], [sflag:$0x1] =	stream.linear.gather [hbm4b:s8+s3], $0x280, $0x38;
	[tilespmem:$0x1C800] =	vst v63  }
0x1a: {  	s28 =	simm.s32 $0x800  }
0x1b: {  	[tilespmem:s28], [sflag:$0x1] =	stream.linear.gather [hbm4b:s9+s3], $0x280, $0x38;
	[tilespmem:$0x1C800] =	vst v63  }
0x1c: {  	[spmem:s16], [sflag:s11] =	dma.local [hbm:s10], $0x2800  }
0x1d: {  	_ =	swait.ge [sflag:s17], $0x2800  }
0x1e: {  	[sflag:s17] =	ssyncset.done $0x0  }
0x1f: {  	[sflag:s17] =	ssyncadd.s32 $0xFFFFD800  }
0x20: {  	[bflag:$0x0] =	sbarrier.arrive $0xFFFF  }
0x21: {  	_ =	swait.ge [sflag:s18], $0x280  }
0x22: {  	[sflag:s18] =	ssyncset.done $0x0  }
0x23: {  	[sflag:s18] =	ssyncadd.s32 $0xFFFFFD80  }
0x24: {  	_ =	swait.ge [sflag:s18], $0x280  }
0x25: {  	[sflag:s18] =	ssyncset.done $0x0  }
0x26: {  	s0 =	simm.s32 $0x400;
	[sflag:s18] =	ssyncadd.s32 $0xFFFFFD80  }
0x27: {  	[tilespmem:s0], [sflag:$0x2] =	stream.linear.gather [hbm4b:s12+s3], $0x280, $0x38;
	[tilespmem:$0x1C800] =	vst v63  }
0x28: {  	s22 =	simm.s32 $0xC00  }
0x29: {  	[tilespmem:s22], [sflag:$0x2] =	stream.linear.gather [hbm4b:s13+s3], $0x280, $0x38;
	[tilespmem:$0x1C800] =	vst v63  }
.Ltmp2:
0x2a: {  	_ = 	snop;
	(pc) =	sbr.rel .LBB2_2-.Ltmp2, $4  }
0x2b: {  	s23 =	simm.s32 $0x1000;
	s24 =	simm.s32 $0x80;
	s2 =	simm.s32 $0x3800  }
0x2c: {  	[tilespmem:s23], [sflag:$0x3] =	stream.indirect.gather [hbm4b:s4+s21], $0x80, s3, s21, $0xb8;
	[tilespmem:$0x1C800] =	vst v63  }
0x2d: {  	s29 =	simm.s32 $0x100;
	s30 =	simm.s32 $0x2;
	s31 =	simm.s32 $0x0  }
0x2e: {  	[tilespmem:s2], [sflag:$0x4] =	stream.indirect.gather [hbm4b:s4+s21], $0x80, s24, s21, $0xb8;
	[tilespmem:$0x1C800] =	vst v63  }
.LBB2_3:
0x2f: {  	s0 =	smul.u32 $0xCD, s31;
	_ =	sdelay $0x1  }
0x30: {  	s0 =	sshrl.u32 s0, $0xA  }
0x31: {  	s0 =	sand.u32 $0x3F, s0  }
0x32: {  	s0 =	sadd.s32 $0x1, s0  }
0x33: {  	s2 =	sshll.u32 s0, $0xA  }
0x34: {  	s2 =	sadd.s32 s7, s2  }
0x35: {  	s0 =	sand.u32 $0x1, s0;
	s2 =	sshrl.u32 s2, $0x3  }
0x36: {  	s19 =	sadd.s32 $0x1, s0;
	s0 =	sshll.u32 s0, $0xA;
	s20 =	sadd.s32 s5, s2  }
0x37: {  	[tilespmem:s0], [sflag:s19] =	stream.linear.gather [hbm4b:s20+s3], $0x280, $0x38;
	[tilespmem:$0x1C800] =	vst v63  }
0x38: {  	s2 =	sadd.s32 s6, s2;
	s0 =	sor.u32 $0x800, s0  }
0x39: {  	[tilespmem:s0], [sflag:s19] =	stream.linear.gather [hbm4b:s2+s3], $0x280, $0x38;
	[tilespmem:$0x1C800] =	vst v63  }
.LBB2_5:
0x3a: {  	s0 =	smulhi.u32 $0xCCCCCCCD, s30;
	s2 =	sadd.s32 $0x2, s31  }
0x3b: {  	s20 =	smul.u32 $0xAB, s2  }
0x3c: {  	s23 =	smul.u32 $0xCD, s2;
	s19 =	sshrl.u32 s0, $0x2  }
0x3d: {  	s22 =	smul.u32 $0x5, s19;
	s20 =	sshrl.u32 s20, $0x9  }
0x3e: {  	s20 =	sand.u32 $0x7F, s20  }
0x3f: {  	s23 =	sshrl.u32 s23, $0xA;
	s22 =	sadd.s32 $0xFFFFFFFE, s22;
	s20 =	smul.u32 $0x3, s20  }
0x40: {  	p0 =	sne.s32 s22, s31;
	s22 =	sand.u32 $0x1, s23  }
0x41: {  	s2 =	ssub.s32 s2, s20;
	s20 =	sadd.s32 @!p0 $0x1, s22  }
0x42: {  	s0 =	sshll.u32 s0, $0xA;
	s19 =	smul.u32 $0xA00, s19;
	_ =	swait.ge @!p0 [sflag:s20], $0x280  }
0x43: {  	s0 =	sand.u32 $0x1000, s0;
	s2 =	sand.u32 $0xFF, s2;
	[sflag:s20] =	ssyncset.done @!p0 $0x0  }
0x44: {  	s0 =	ssub.s32 s0, s19;
	s24 =	smul.u32 $0xA000, s2;
	[sflag:s20] =	ssyncadd.s32 @!p0 $0xFFFFFD80  }
0x45: {  	s0 =	sshra.s32 s0, $0x2;
	_ =	swait.ge @!p0 [sflag:s20], $0x280  }
0x46: {  	s0 =	sadd.s32 s0, s29;
	s19 =	sshrl.u32 s24, $0x2;
	[sflag:s20] =	ssyncset.done @!p0 $0x0  }
0x47: {  	s2 =	sadd.s32 $0x3, s2;
	s19 =	sadd.s32 $0x1000, s19;
	[sflag:s20] =	ssyncadd.s32 @!p0 $0xFFFFFD80  }
0x48: {  	[tilespmem:s19], [sflag:s2] =	stream.indirect.gather [hbm4b:s4+s21], $0x80, s0, s21, $0xb8;
	[tilespmem:$0x1C800] =	vst v63  }
.LBB2_6:
0x49: {  	s31 =	sadd.s32 $0x1, s31  }
0x4a: {  	p0 =	sne.s32 s31, $0x7D  }
.Ltmp3:
0x4b: {  	_ = 	snop;
	(pc) =	sbr.rel @!p0 .LBB2_7-.Ltmp3, $2  }
0x4c: {  	_ =	sdelay $0x2  }
0x4d: {  	s28 =	sadd.s32 $0x80, s28;
	s29 =	sadd.s32 $0x80, s29;
	s30 =	sadd.s32 $0x1, s30  }
.LBB2_2:
0x4e: {  	s0 =	smul.u32 $0xAB, s31;
	p0 =	seq.s32 s31, $0x0  }
0x4f: {  	s2 =	sadd.s32 @!p0 $0x2, s31  }
0x50: {  	s0 =	sshrl.u32 s0, $0x9;
	s19 =	sand.u32 @!p0 $0xFF, s2  }
0x51: {  	s0 =	sand.u32 $0x7F, s0;
	s19 =	smul.u32 @!p0 $0xAB, s19  }
0x52: {  	s0 =	smul.u32 $0x3, s0  }
0x53: {  	s20 =	smulhi.u32 $0xCCCCCCCD, s31  }
0x54: {  	s19 =	sshrl.u32 @!p0 s19, $0x9;
	s0 =	ssub.s32 s31, s0  }
0x55: {  	s22 =	sshrl.u32 s20, $0x2;
	s19 =	smul.u32 @!p0 $0x3, s19;
	s0 =	sand.u32 $0xFF, s0  }
0x56: {  	s20 =	sshll.u32 s20, $0xA;
	s23 =	smul.u32 $0xA00, s22;
	s24 =	sadd.s32 $0x3, s0  }
0x57: {  	s20 =	sand.u32 $0x1000, s20;
	s2 =	ssub.s32 @!p0 s2, s19;
	_ =	swait.ge [sflag:s24], $0x2800  }
0x58: {  	s19 =	ssub.s32 s20, s23;
	s2 =	sand.u32 @!p0 $0xFF, s2;
	[sflag:s24] =	ssyncset.done $0x0  }
0x59: {  	s23 =	smul.u32 $0xA000, s0;
	s2 =	sadd.s32 @!p0 $0x6, s2;
	[sflag:s24] =	ssyncadd.s32 $0xFFFFD800  }
0x5a: {  	s0 =	sadd.s32 $0x6, s0;
	_ =	swait.ge @!p0 [sflag:s2], $0x2800  }
0x5b: {  	s19 =	sshra.s32 s19, $0x2;
	s20 =	sshrl.u32 s23, $0x2;
	[sflag:s2] =	ssyncset.done @!p0 $0x0  }
0x5c: {  	s19 =	sadd.s32 s19, s28;
	s20 =	sadd.s32 $0x1000, s20;
	[sflag:s2] =	ssyncadd.s32 @!p0 $0xFFFFD800  }
0x5d: {  	[spmem:s1] =	stream.indirect.scatter.add.f32 [tilespmem:s20], [sflag:s0], $0x80, s19, s21, $0xb8;
	[tilespmem:$0x1C800] =	vst v63  }
0x5e: {  	s24 =	sadd.s32 $0xFFFFFFFF, s31;
	s0 =	smul.u32 $0x5, s22  }
0x5f: {  	p0 =	sgt.u32 s24, $0x76  }
0x60: {  	p1 =	sne.s32 @!p0 s0, s31  }
0x61: {  	p0 =	por p0, p1  }
.Ltmp4:
0x62: {  	_ = 	snop;
	(pc) =	sbr.rel @!p0 .LBB2_3-.Ltmp4, $1  }
0x63: {  	_ =	sdelay $0x3  }
0x64: {  	p0 =	sgt.u32 s31, $0x7A  }
.Ltmp5:
0x65: {  	_ = 	snop;
	(pc) =	sbr.rel @p0 .LBB2_6-.Ltmp5, $4  }
.Ltmp6:
0x66: {  	_ = 	snop;
	(pc) =	sbr.rel @!p0 .LBB2_5-.Ltmp6, $4  }
0x67: {  	_ = 	snop  }
0x68: {  	_ = 	snop  }
0x69: {  	_ = 	snop  }
0x6a: {  	_ = 	snop  }
.LBB2_8:
0x6b: {  	_ =	sfence.sel $0x180000  }
0x6c: {  	[bflag:$0x0] =	sbarrier.arrive $0xFFFF  }
0x6d: {  	_ =	strace $0x90000047  }
0x6e: {  	s0 =	stileid.u32;
	[bflag:$0x2] =	sbarrier.arrive $0xFFFF  }
0x6f: {  	p0 =	sne.s32 s0, $0x0;
	s0 =	rddreg [dreg:$0x2]  }
0x70: {  	s0 =	sadd.s32 @!p0 $0x100000, s0  }
0x71: {  	[sflag:s0] =	ssyncadd.tile.s32 @!p0 $0x1;
	_ =	shalt  }
.Lfunc_end2:
_tile_overlayer_lowered:
.L_overlay_start_2:
0x72: {  	(tag) =	ssettag $0x2  }
0x73: {  	s0 =	rddreg [dreg:$0x0];
	s2 =	stileid.u32  }
0x74: {  	s1 =	rddreg [dreg:$0x1];
	p0 =	sne.s32 s2, $0x0  }
0x75: {  	s3 =	rddreg [dreg:$0x2];
	[bflag:$0x3] =	sbarrier.arrive $0xFFFF;
	s2 =	simm.s32 @!p0 $0x1C09  }
0x76: {  	[timem:s3], [sflag:s2] =	dma.local @!p0 [hbm:s0], s1  }
0x77: {  	s0 =	simm.s32 @!p0 $0x9  }
0x78: {  	_ =	swait.ge @!p0 [sflag:s0], s1  }
0x79: {  	s1 =	ssub.s32 @!p0 $0x0, s1;
	[sflag:s0] =	ssyncset.done @!p0 $0x0  }
0x7a: {  	[sflag:s0] =	ssyncadd.s32 @!p0 s1  }
0x7b: {  	[bflag:$0x3] =	sbarrier.arrive $0xFFFF  }
0x7c: {  	_ =	shalt  }

</sc_bundles>
